<compile_context>
chip_gen: v7x
topology: tpu7x:2x2x1
jax: 0.10.2.dev20260603
libtpu: 0.0.44.dev20260713+nightly
codegen_flags: <defaults>
</compile_context>

<pallas_src>
import functools

import jax
import jax.numpy as jnp
from jax import lax
from jax.experimental import pallas as pl
from jax.experimental.pallas import tpu as pltpu
from jax.experimental.pallas import tpu_sc as plsc

EMBED_DIM = 32
BATCH = 16384
LANES = 16
NUM_CORES = 2
NUM_SUBCORES = 16
NUM_WORKERS = NUM_CORES * NUM_SUBCORES
B_PER_W = BATCH // NUM_WORKERS
CHUNK = 128
N_CHUNKS = B_PER_W // CHUNK
HALF = B_PER_W // 2
ROWS_PER_LINE = 128 // EMBED_DIM

_mesh = plsc.VectorSubcoreMesh(core_axis_name="c", subcore_axis_name="s")


@functools.partial(
    pl.kernel,
    mesh=_mesh,
    compiler_params=pltpu.CompilerParams(
        needs_layout_passes=False, use_tc_tiling_on_sc=False),
    out_type=jax.ShapeDtypeStruct((BATCH,), jnp.float32),
    scratch_types=[
        pltpu.VMEM((N_CHUNKS, CHUNK), jnp.int32),
        pltpu.VMEM((N_CHUNKS, CHUNK), jnp.int32),
        pltpu.VMEM((N_CHUNKS, CHUNK), jnp.int32),
        pltpu.VMEM((N_CHUNKS, CHUNK), jnp.int32),
        pltpu.VMEM((HALF, 128), jnp.float32),
        pltpu.VMEM((HALF, 128), jnp.float32),
        pltpu.VMEM((B_PER_W,), jnp.float32),
        pltpu.VMEM((B_PER_W,), jnp.float32),
        pltpu.VMEM((B_PER_W,), jnp.float32),
        pltpu.SemaphoreType.DMA,
        pltpu.SemaphoreType.DMA,
        pltpu.SemaphoreType.DMA,
        pltpu.SemaphoreType.DMA,
    ],
)
def _bilinear_sc(uid_hbm, iid_hbm, uemb_hbm, iemb_hbm, ubias_hbm, ibias_hbm,
                 out_hbm, uidx_v, iidx_v, ulin_v, ilin_v, urows_v, irows_v,
                 ub_v, ib_v, out_v, sem_u, sem_i, sem_ub, sem_ib):
    c = lax.axis_index("c")
    s = lax.axis_index("s")
    wid = s * NUM_CORES + c
    base = pl.multiple_of(wid * B_PER_W, B_PER_W)

    pltpu.sync_copy(uid_hbm.at[wid], uidx_v)
    pltpu.sync_copy(iid_hbm.at[wid], iidx_v)

    for k in range(N_CHUNKS):
        for v in range(CHUNK // LANES):
            sl = pl.ds(v * LANES, LANES)
            ulin_v[k, sl] = lax.shift_right_logical(uidx_v[k, sl], 2)
            ilin_v[k, sl] = lax.shift_right_logical(iidx_v[k, sl], 2)

    bias_copies = []
    for k in range(N_CHUNKS):
        sl = pl.ds(k * CHUNK, CHUNK)
        bias_copies.append(
            pltpu.async_copy(ubias_hbm.at[uidx_v.at[k]], ub_v.at[sl], sem_ub))
        bias_copies.append(
            pltpu.async_copy(ibias_hbm.at[iidx_v.at[k]], ib_v.at[sl], sem_ib))

    lane = lax.iota(jnp.int32, LANES)

    def run_half(h):
        copies = []
        for kk in range(N_CHUNKS // 2):
            k = h * (N_CHUNKS // 2) + kk
            sl = pl.ds(kk * CHUNK, CHUNK)
            copies.append(
                pltpu.async_copy(uemb_hbm.at[ulin_v.at[k]], urows_v.at[sl],
                                 sem_u))
            copies.append(
                pltpu.async_copy(iemb_hbm.at[ilin_v.at[k]], irows_v.at[sl],
                                 sem_i))
        for cp in copies:
            cp.wait()

        def group_body(g, carry):
            gbase = pl.multiple_of(g * LANES, LANES)
            hbase = pl.multiple_of(h * HALF + g * LANES, LANES)
            rows = gbase + lane
            k = hbase // CHUNK
            off = hbase % CHUNK
            ucol0 = jnp.left_shift(
                jnp.bitwise_and(uidx_v[k, pl.ds(off, LANES)], 3), 5)
            icol0 = jnp.left_shift(
                jnp.bitwise_and(iidx_v[k, pl.ds(off, LANES)], 3), 5)
            acc = ub_v[pl.ds(hbase, LANES)] + ib_v[pl.ds(hbase, LANES)]
            for d in range(EMBED_DIM):
                uv = plsc.load_gather(urows_v, [rows, ucol0 + d])
                iv = plsc.load_gather(irows_v, [rows, icol0 + d])
                acc = acc + uv * iv
            out_v[pl.ds(hbase, LANES)] = acc
            return carry

        lax.fori_loop(0, HALF // LANES, group_body, 0)

    for cp in bias_copies:
        cp.wait()

    run_half(0)
    run_half(1)

    pltpu.sync_copy(out_v, out_hbm.at[pl.ds(base, B_PER_W)])


def kernel(user_ids, item_ids, user_emb, item_emb, user_bias, item_bias):
    uids = user_ids.astype(jnp.int32).reshape(NUM_WORKERS, N_CHUNKS, CHUNK)
    iids = item_ids.astype(jnp.int32).reshape(NUM_WORKERS, N_CHUNKS, CHUNK)
    uemb = user_emb.reshape(-1, 128)
    iemb = item_emb.reshape(-1, 128)
    ub = user_bias.reshape(-1)
    ib = item_bias.reshape(-1)
    return _bilinear_sc(uids, iids, uemb, iemb, ub, ib)

# --- scband reference (transcript-rebuilt; emitter-appended) ---
"""Pipeline reference for scband-bilinear-net-15934328668918 (READ-ONLY COPY).

The authoritative reference and input builder live on the scoring server;
editing this copy changes nothing except your own understanding.
"""

import jax, jax.numpy as jnp
import numpy as np

NUM_USERS = 1000000
NUM_ITEMS = 1000000
EMBED_DIM = 32
BATCH = 16384


def setup_inputs(seed: int = 0) -> dict:
    key = jax.random.key(seed)
    k1, k2, k3, k4 = jax.random.split(key, 4)
    user_ids = jax.random.randint(k1, (BATCH,), 0, NUM_USERS, dtype=jnp.int64 if jax.config.jax_enable_x64 else jnp.int32)
    item_ids = jax.random.randint(k2, (BATCH,), 0, NUM_ITEMS, dtype=jnp.int64 if jax.config.jax_enable_x64 else jnp.int32)
    # ScaledEmbedding: normal(0, 1/embedding_dim)
    user_emb = jax.random.normal(k3, (NUM_USERS, EMBED_DIM), dtype=jnp.float32) * (1.0 / EMBED_DIM)
    item_emb = jax.random.normal(k4, (NUM_ITEMS, EMBED_DIM), dtype=jnp.float32) * (1.0 / EMBED_DIM)
    # ZeroEmbedding: zeros
    user_bias = jnp.zeros((NUM_USERS, 1), dtype=jnp.float32)
    item_bias = jnp.zeros((NUM_ITEMS, 1), dtype=jnp.float32)
    return {
        "user_ids": user_ids,
        "item_ids": item_ids,
        "user_emb": user_emb,
        "item_emb": item_emb,
        "user_bias": user_bias,
        "item_bias": item_bias,
    }


def reference(user_ids, item_ids, user_emb, item_emb, user_bias, item_bias):
    ue = jnp.take(user_emb, user_ids, axis=0).reshape(-1, EMBED_DIM)
    ie = jnp.take(item_emb, item_ids, axis=0).reshape(-1, EMBED_DIM)
    ub = jnp.take(user_bias, user_ids, axis=0).reshape(-1, 1)
    ib = jnp.take(item_bias, item_ids, axis=0).reshape(-1, 1)
    dot = jnp.sum(ue * ie, axis=1)
    return dot.flatten() + ub.flatten() + ib.flatten()

if __name__ == "__main__":
    import jax
    _d = setup_inputs()
    print(jax.jit(kernel)(*tuple(_d.values())))

</pallas_src>

<mosaic_0001>
#map = affine_map<(d0, d1) -> (0, 0, 0)>
#map1 = affine_map<(d0, d1) -> (0, 0)>
#map2 = affine_map<(d0, d1) -> (0)>
module attributes {stable_mosaic.version = 14 : i64} {
  func.func @_bilinear_sc(%arg0: i32, %arg1: i32, %arg2: memref<32x4x128xi32, #tpu.memory_space<hbm>>, %arg3: memref<32x4x128xi32, #tpu.memory_space<hbm>>, %arg4: memref<250000x128xf32, #tpu.memory_space<hbm>>, %arg5: memref<250000x128xf32, #tpu.memory_space<hbm>>, %arg6: memref<1000000xf32, #tpu.memory_space<hbm>>, %arg7: memref<1000000xf32, #tpu.memory_space<hbm>>, %arg8: memref<16384xf32, #tpu.memory_space<hbm>>, %arg9: memref<4x128xi32, #tpu.memory_space<vmem>>, %arg10: memref<4x128xi32, #tpu.memory_space<vmem>>, %arg11: memref<4x128xi32, #tpu.memory_space<vmem>>, %arg12: memref<4x128xi32, #tpu.memory_space<vmem>>, %arg13: memref<256x128xf32, #tpu.memory_space<vmem>>, %arg14: memref<256x128xf32, #tpu.memory_space<vmem>>, %arg15: memref<512xf32, #tpu.memory_space<vmem>>, %arg16: memref<512xf32, #tpu.memory_space<vmem>>, %arg17: memref<512xf32, #tpu.memory_space<vmem>>, %arg18: memref<!tpu.dma_semaphore, #tpu.memory_space<semaphore_mem>>, %arg19: memref<!tpu.dma_semaphore, #tpu.memory_space<semaphore_mem>>, %arg20: memref<!tpu.dma_semaphore, #tpu.memory_space<semaphore_mem>>, %arg21: memref<!tpu.dma_semaphore, #tpu.memory_space<semaphore_mem>>) attributes {dimension_semantics = [#tpu.dimension_semantics<core_parallel>, #tpu.dimension_semantics<subcore_parallel>], iteration_bounds = array<i64: 2, 16>, scalar_prefetch = 0 : i64, scratch_operands = 13 : i64, tpu.core_type = #tpu.core_type<sc_vector_subcore>, window_params = [{transform_indices = #map}, {transform_indices = #map}, {transform_indices = #map1}, {transform_indices = #map1}, {transform_indices = #map2}, {transform_indices = #map2}, {transform_indices = #map2}]} {
    %mul3A = arith.constant 2 : i32
    %mul3A_0 = arith.muli %arg1, %mul3A : i32
    %add3A = arith.addi %mul3A_0, %arg0 : i32
    %mul3A_1 = arith.constant 512 : i32
    %mul3A_2 = arith.muli %add3A, %mul3A_1 : i32
    %multiple_of3A = tpu.assume_multiple %mul3A_2, 512 : i32
    "tpu.region"() ({
      %run_scoped3A = tpu.sem_alloc : memref<!tpu.dma_semaphore, #tpu.memory_space<semaphore_mem>>
      %dma_start3A_1001 = arith.constant 0 : i32
      %dma_start3A_1002 = arith.constant 0 : i32
      %dma_start3A_1003 = tpu.memref_slice %arg2[%add3A, %dma_start3A_1001, %dma_start3A_1002] : memref<32x4x128xi32, #tpu.memory_space<hbm>> -> memref<1x4x128xi32, #tpu.memory_space<hbm>>
      %dma_start3A_1004 = tpu.memref_squeeze %dma_start3A_1003 : memref<1x4x128xi32, #tpu.memory_space<hbm>> -> memref<4x128xi32, #tpu.memory_space<hbm>>
      %dma_start3A_1005 = arith.constant 0 : i32
      %dma_start3A_1006 = arith.constant 0 : i32
      %dma_start3A_1007 = tpu.memref_slice %arg2[%add3A, %dma_start3A_1005, %dma_start3A_1006] : memref<32x4x128xi32, #tpu.memory_space<hbm>> -> memref<1x4x128xi32, #tpu.memory_space<hbm>>
      %dma_start3A_1008 = tpu.memref_squeeze %dma_start3A_1007 : memref<1x4x128xi32, #tpu.memory_space<hbm>> -> memref<4x128xi32, #tpu.memory_space<hbm>>
      tpu.enqueue_dma source(%dma_start3A_1008 : memref<4x128xi32, #tpu.memory_space<hbm>>) target(%arg9 : memref<4x128xi32, #tpu.memory_space<vmem>>) target_semaphore(%run_scoped3A : memref<!tpu.dma_semaphore, #tpu.memory_space<semaphore_mem>>)
      %dma_wait3A_1009 = arith.constant 0 : i32
      %dma_wait3A_1010 = arith.constant 0 : i32
      %dma_wait3A_1011 = tpu.memref_slice %arg2[%add3A, %dma_wait3A_1009, %dma_wait3A_1010] : memref<32x4x128xi32, #tpu.memory_space<hbm>> -> memref<1x4x128xi32, #tpu.memory_space<hbm>>
      %dma_wait3A_1012 = tpu.memref_squeeze %dma_wait3A_1011 : memref<1x4x128xi32, #tpu.memory_space<hbm>> -> memref<4x128xi32, #tpu.memory_space<hbm>>
      %dma_wait3A_1013 = arith.constant 0 : i32
      %dma_wait3A_1014 = arith.constant 0 : i32
      %dma_wait3A_1015 = tpu.memref_slice %arg2[%add3A, %dma_wait3A_1013, %dma_wait3A_1014] : memref<32x4x128xi32, #tpu.memory_space<hbm>> -> memref<1x4x128xi32, #tpu.memory_space<hbm>>
      %dma_wait3A_1016 = tpu.memref_squeeze %dma_wait3A_1015 : memref<1x4x128xi32, #tpu.memory_space<hbm>> -> memref<4x128xi32, #tpu.memory_space<hbm>>
      tpu.wait_dma2 semaphore(%run_scoped3A : memref<!tpu.dma_semaphore, #tpu.memory_space<semaphore_mem>>) src(%dma_wait3A_1016 : memref<4x128xi32, #tpu.memory_space<hbm>>) dst(%arg9 : memref<4x128xi32, #tpu.memory_space<vmem>>)
      tpu.yield
    }) : () -> ()
    "tpu.region"() ({
      %run_scoped3A = tpu.sem_alloc : memref<!tpu.dma_semaphore, #tpu.memory_space<semaphore_mem>>
      %dma_start3A_1001 = arith.constant 0 : i32
      %dma_start3A_1002 = arith.constant 0 : i32
      %dma_start3A_1003 = tpu.memref_slice %arg3[%add3A, %dma_start3A_1001, %dma_start3A_1002] : memref<32x4x128xi32, #tpu.memory_space<hbm>> -> memref<1x4x128xi32, #tpu.memory_space<hbm>>
      %dma_start3A_1004 = tpu.memref_squeeze %dma_start3A_1003 : memref<1x4x128xi32, #tpu.memory_space<hbm>> -> memref<4x128xi32, #tpu.memory_space<hbm>>
      %dma_start3A_1005 = arith.constant 0 : i32
      %dma_start3A_1006 = arith.constant 0 : i32
      %dma_start3A_1007 = tpu.memref_slice %arg3[%add3A, %dma_start3A_1005, %dma_start3A_1006] : memref<32x4x128xi32, #tpu.memory_space<hbm>> -> memref<1x4x128xi32, #tpu.memory_space<hbm>>
      %dma_start3A_1008 = tpu.memref_squeeze %dma_start3A_1007 : memref<1x4x128xi32, #tpu.memory_space<hbm>> -> memref<4x128xi32, #tpu.memory_space<hbm>>
      tpu.enqueue_dma source(%dma_start3A_1008 : memref<4x128xi32, #tpu.memory_space<hbm>>) target(%arg10 : memref<4x128xi32, #tpu.memory_space<vmem>>) target_semaphore(%run_scoped3A : memref<!tpu.dma_semaphore, #tpu.memory_space<semaphore_mem>>)
      %dma_wait3A_1009 = arith.constant 0 : i32
      %dma_wait3A_1010 = arith.constant 0 : i32
      %dma_wait3A_1011 = tpu.memref_slice %arg3[%add3A, %dma_wait3A_1009, %dma_wait3A_1010] : memref<32x4x128xi32, #tpu.memory_space<hbm>> -> memref<1x4x128xi32, #tpu.memory_space<hbm>>
      %dma_wait3A_1012 = tpu.memref_squeeze %dma_wait3A_1011 : memref<1x4x128xi32, #tpu.memory_space<hbm>> -> memref<4x128xi32, #tpu.memory_space<hbm>>
      %dma_wait3A_1013 = arith.constant 0 : i32
      %dma_wait3A_1014 = arith.constant 0 : i32
      %dma_wait3A_1015 = tpu.memref_slice %arg3[%add3A, %dma_wait3A_1013, %dma_wait3A_1014] : memref<32x4x128xi32, #tpu.memory_space<hbm>> -> memref<1x4x128xi32, #tpu.memory_space<hbm>>
      %dma_wait3A_1016 = tpu.memref_squeeze %dma_wait3A_1015 : memref<1x4x128xi32, #tpu.memory_space<hbm>> -> memref<4x128xi32, #tpu.memory_space<hbm>>
      tpu.wait_dma2 semaphore(%run_scoped3A : memref<!tpu.dma_semaphore, #tpu.memory_space<semaphore_mem>>) src(%dma_wait3A_1016 : memref<4x128xi32, #tpu.memory_space<hbm>>) dst(%arg10 : memref<4x128xi32, #tpu.memory_space<vmem>>)
      tpu.yield
    }) : () -> ()
    %get3A = arith.constant 0 : i32
    %get3A_3 = arith.index_cast %get3A : i32 to index
    %get3A_4 = arith.constant 0 : index
    %get3A_5 = tpu.vector_load %arg9[%get3A_3, %get3A_4] {strides = array<i32>} : memref<4x128xi32, #tpu.memory_space<vmem>>, vector<16xi32>,
    %shift_right_logical3A = arith.constant 2 : i32
    %shift_right_logical3A_6 = vector.broadcast %shift_right_logical3A : i32 to vector<16xi32>
    %shift_right_logical3A_7 = arith.shrui %get3A_5, %shift_right_logical3A_6 : vector<16xi32>
    %swap3A = arith.constant 0 : i32
    %swap3A_8 = arith.index_cast %swap3A : i32 to index
    %swap3A_9 = arith.constant 0 : index
    %swap3A_10 = tpu.vector_load %arg11[%swap3A_8, %swap3A_9] {strides = array<i32>} : memref<4x128xi32, #tpu.memory_space<vmem>>, vector<16xi32>,
    tpu.vector_store %arg11[%swap3A_8, %swap3A_9], %shift_right_logical3A_7 {strides = array<i32>} : memref<4x128xi32, #tpu.memory_space<vmem>>, vector<16xi32>,
    %get3A_11 = arith.constant 0 : i32
    %get3A_12 = arith.index_cast %get3A_11 : i32 to index
    %get3A_13 = arith.constant 0 : index
    %get3A_14 = tpu.vector_load %arg10[%get3A_12, %get3A_13] {strides = array<i32>} : memref<4x128xi32, #tpu.memory_space<vmem>>, vector<16xi32>,
    %shift_right_logical3A_15 = arith.constant 2 : i32
    %shift_right_logical3A_16 = vector.broadcast %shift_right_logical3A_15 : i32 to vector<16xi32>
    %shift_right_logical3A_17 = arith.shrui %get3A_14, %shift_right_logical3A_16 : vector<16xi32>
    %swap3A_18 = arith.constant 0 : i32
    %swap3A_19 = arith.index_cast %swap3A_18 : i32 to index
    %swap3A_20 = arith.constant 0 : index
    %swap3A_21 = tpu.vector_load %arg12[%swap3A_19, %swap3A_20] {strides = array<i32>} : memref<4x128xi32, #tpu.memory_space<vmem>>, vector<16xi32>,
    tpu.vector_store %arg12[%swap3A_19, %swap3A_20], %shift_right_logical3A_17 {strides = array<i32>} : memref<4x128xi32, #tpu.memory_space<vmem>>, vector<16xi32>,
    %get3A_22 = arith.constant 0 : i32
    %get3A_23 = arith.index_cast %get3A_22 : i32 to index
    %get3A_24 = arith.constant 16 : index
    %get3A_25 = tpu.vector_load %arg9[%get3A_23, %get3A_24] {strides = array<i32>} : memref<4x128xi32, #tpu.memory_space<vmem>>, vector<16xi32>,
    %shift_right_logical3A_26 = arith.constant 2 : i32
    %shift_right_logical3A_27 = vector.broadcast %shift_right_logical3A_26 : i32 to vector<16xi32>
    %shift_right_logical3A_28 = arith.shrui %get3A_25, %shift_right_logical3A_27 : vector<16xi32>
    %swap3A_29 = arith.constant 0 : i32
    %swap3A_30 = arith.index_cast %swap3A_29 : i32 to index
    %swap3A_31 = arith.constant 16 : index
    %swap3A_32 = tpu.vector_load %arg11[%swap3A_30, %swap3A_31] {strides = array<i32>} : memref<4x128xi32, #tpu.memory_space<vmem>>, vector<16xi32>,
    tpu.vector_store %arg11[%swap3A_30, %swap3A_31], %shift_right_logical3A_28 {strides = array<i32>} : memref<4x128xi32, #tpu.memory_space<vmem>>, vector<16xi32>,
    %get3A_33 = arith.constant 0 : i32
    %get3A_34 = arith.index_cast %get3A_33 : i32 to index
    %get3A_35 = arith.constant 16 : index
    %get3A_36 = tpu.vector_load %arg10[%get3A_34, %get3A_35] {strides = array<i32>} : memref<4x128xi32, #tpu.memory_space<vmem>>, vector<16xi32>,
    %shift_right_logical3A_37 = arith.constant 2 : i32
    %shift_right_logical3A_38 = vector.broadcast %shift_right_logical3A_37 : i32 to vector<16xi32>
    %shift_right_logical3A_39 = arith.shrui %get3A_36, %shift_right_logical3A_38 : vector<16xi32>
    %swap3A_40 = arith.constant 0 : i32
    %swap3A_41 = arith.index_cast %swap3A_40 : i32 to index
    %swap3A_42 = arith.constant 16 : index
    %swap3A_43 = tpu.vector_load %arg12[%swap3A_41, %swap3A_42] {strides = array<i32>} : memref<4x128xi32, #tpu.memory_space<vmem>>, vector<16xi32>,
    tpu.vector_store %arg12[%swap3A_41, %swap3A_42], %shift_right_logical3A_39 {strides = array<i32>} : memref<4x128xi32, #tpu.memory_space<vmem>>, vector<16xi32>,
    %get3A_44 = arith.constant 0 : i32
    %get3A_45 = arith.index_cast %get3A_44 : i32 to index
    %get3A_46 = arith.constant 32 : index
    %get3A_47 = tpu.vector_load %arg9[%get3A_45, %get3A_46] {strides = array<i32>} : memref<4x128xi32, #tpu.memory_space<vmem>>, vector<16xi32>,
    %shift_right_logical3A_48 = arith.constant 2 : i32
    %shift_right_logical3A_49 = vector.broadcast %shift_right_logical3A_48 : i32 to vector<16xi32>
    %shift_right_logical3A_50 = arith.shrui %get3A_47, %shift_right_logical3A_49 : vector<16xi32>
    %swap3A_51 = arith.constant 0 : i32
    %swap3A_52 = arith.index_cast %swap3A_51 : i32 to index
    %swap3A_53 = arith.constant 32 : index
    %swap3A_54 = tpu.vector_load %arg11[%swap3A_52, %swap3A_53] {strides = array<i32>} : memref<4x128xi32, #tpu.memory_space<vmem>>, vector<16xi32>,
    tpu.vector_store %arg11[%swap3A_52, %swap3A_53], %shift_right_logical3A_50 {strides = array<i32>} : memref<4x128xi32, #tpu.memory_space<vmem>>, vector<16xi32>,
    %get3A_55 = arith.constant 0 : i32
    %get3A_56 = arith.index_cast %get3A_55 : i32 to index
    %get3A_57 = arith.constant 32 : index
    %get3A_58 = tpu.vector_load %arg10[%get3A_56, %get3A_57] {strides = array<i32>} : memref<4x128xi32, #tpu.memory_space<vmem>>, vector<16xi32>,
    %shift_right_logical3A_59 = arith.constant 2 : i32
    %shift_right_logical3A_60 = vector.broadcast %shift_right_logical3A_59 : i32 to vector<16xi32>
    %shift_right_logical3A_61 = arith.shrui %get3A_58, %shift_right_logical3A_60 : vector<16xi32>
    %swap3A_62 = arith.constant 0 : i32
    %swap3A_63 = arith.index_cast %swap3A_62 : i32 to index
    %swap3A_64 = arith.constant 32 : index
    %swap3A_65 = tpu.vector_load %arg12[%swap3A_63, %swap3A_64] {strides = array<i32>} : memref<4x128xi32, #tpu.memory_space<vmem>>, vector<16xi32>,
    tpu.vector_store %arg12[%swap3A_63, %swap3A_64], %shift_right_logical3A_61 {strides = array<i32>} : memref<4x128xi32, #tpu.memory_space<vmem>>, vector<16xi32>,
    %get3A_66 = arith.constant 0 : i32
    %get3A_67 = arith.index_cast %get3A_66 : i32 to index
    %get3A_68 = arith.constant 48 : index
    %get3A_69 = tpu.vector_load %arg9[%get3A_67, %get3A_68] {strides = array<i32>} : memref<4x128xi32, #tpu.memory_space<vmem>>, vector<16xi32>,
    %shift_right_logical3A_70 = arith.constant 2 : i32
    %shift_right_logical3A_71 = vector.broadcast %shift_right_logical3A_70 : i32 to vector<16xi32>
    %shift_right_logical3A_72 = arith.shrui %get3A_69, %shift_right_logical3A_71 : vector<16xi32>
    %swap3A_73 = arith.constant 0 : i32
    %swap3A_74 = arith.index_cast %swap3A_73 : i32 to index
    %swap3A_75 = arith.constant 48 : index
    %swap3A_76 = tpu.vector_load %arg11[%swap3A_74, %swap3A_75] {strides = array<i32>} : memref<4x128xi32, #tpu.memory_space<vmem>>, vector<16xi32>,
    tpu.vector_store %arg11[%swap3A_74, %swap3A_75], %shift_right_logical3A_72 {strides = array<i32>} : memref<4x128xi32, #tpu.memory_space<vmem>>, vector<16xi32>,
    %get3A_77 = arith.constant 0 : i32
    %get3A_78 = arith.index_cast %get3A_77 : i32 to index
    %get3A_79 = arith.constant 48 : index
    %get3A_80 = tpu.vector_load %arg10[%get3A_78, %get3A_79] {strides = array<i32>} : memref<4x128xi32, #tpu.memory_space<vmem>>, vector<16xi32>,
    %shift_right_logical3A_81 = arith.constant 2 : i32
    %shift_right_logical3A_82 = vector.broadcast %shift_right_logical3A_81 : i32 to vector<16xi32>
    %shift_right_logical3A_83 = arith.shrui %get3A_80, %shift_right_logical3A_82 : vector<16xi32>
    %swap3A_84 = arith.constant 0 : i32
    %swap3A_85 = arith.index_cast %swap3A_84 : i32 to index
    %swap3A_86 = arith.constant 48 : index
    %swap3A_87 = tpu.vector_load %arg12[%swap3A_85, %swap3A_86] {strides = array<i32>} : memref<4x128xi32, #tpu.memory_space<vmem>>, vector<16xi32>,
    tpu.vector_store %arg12[%swap3A_85, %swap3A_86], %shift_right_logical3A_83 {strides = array<i32>} : memref<4x128xi32, #tpu.memory_space<vmem>>, vector<16xi32>,
    %get3A_88 = arith.constant 0 : i32
    %get3A_89 = arith.index_cast %get3A_88 : i32 to index
    %get3A_90 = arith.constant 64 : index
    %get3A_91 = tpu.vector_load %arg9[%get3A_89, %get3A_90] {strides = array<i32>} : memref<4x128xi32, #tpu.memory_space<vmem>>, vector<16xi32>,
    %shift_right_logical3A_92 = arith.constant 2 : i32
    %shift_right_logical3A_93 = vector.broadcast %shift_right_logical3A_92 : i32 to vector<16xi32>
    %shift_right_logical3A_94 = arith.shrui %get3A_91, %shift_right_logical3A_93 : vector<16xi32>
    %swap3A_95 = arith.constant 0 : i32
    %swap3A_96 = arith.index_cast %swap3A_95 : i32 to index
    %swap3A_97 = arith.constant 64 : index
    %swap3A_98 = tpu.vector_load %arg11[%swap3A_96, %swap3A_97] {strides = array<i32>} : memref<4x128xi32, #tpu.memory_space<vmem>>, vector<16xi32>,
    tpu.vector_store %arg11[%swap3A_96, %swap3A_97], %shift_right_logical3A_94 {strides = array<i32>} : memref<4x128xi32, #tpu.memory_space<vmem>>, vector<16xi32>,
    %get3A_99 = arith.constant 0 : i32
    %get3A_100 = arith.index_cast %get3A_99 : i32 to index
    %get3A_101 = arith.constant 64 : index
    %get3A_102 = tpu.vector_load %arg10[%get3A_100, %get3A_101] {strides = array<i32>} : memref<4x128xi32, #tpu.memory_space<vmem>>, vector<16xi32>,
    %shift_right_logical3A_103 = arith.constant 2 : i32
    %shift_right_logical3A_104 = vector.broadcast %shift_right_logical3A_103 : i32 to vector<16xi32>
    %shift_right_logical3A_105 = arith.shrui %get3A_102, %shift_right_logical3A_104 : vector<16xi32>
    %swap3A_106 = arith.constant 0 : i32
    %swap3A_107 = arith.index_cast %swap3A_106 : i32 to index
    %swap3A_108 = arith.constant 64 : index
    %swap3A_109 = tpu.vector_load %arg12[%swap3A_107, %swap3A_108] {strides = array<i32>} : memref<4x128xi32, #tpu.memory_space<vmem>>, vector<16xi32>,
    tpu.vector_store %arg12[%swap3A_107, %swap3A_108], %shift_right_logical3A_105 {strides = array<i32>} : memref<4x128xi32, #tpu.memory_space<vmem>>, vector<16xi32>,
    %get3A_110 = arith.constant 0 : i32
    %get3A_111 = arith.index_cast %get3A_110 : i32 to index
    %get3A_112 = arith.constant 80 : index
    %get3A_113 = tpu.vector_load %arg9[%get3A_111, %get3A_112] {strides = array<i32>} : memref<4x128xi32, #tpu.memory_space<vmem>>, vector<16xi32>,
    %shift_right_logical3A_114 = arith.constant 2 : i32
    %shift_right_logical3A_115 = vector.broadcast %shift_right_logical3A_114 : i32 to vector<16xi32>
    %shift_right_logical3A_116 = arith.shrui %get3A_113, %shift_right_logical3A_115 : vector<16xi32>
    %swap3A_117 = arith.constant 0 : i32
    %swap3A_118 = arith.index_cast %swap3A_117 : i32 to index
    %swap3A_119 = arith.constant 80 : index
    %swap3A_120 = tpu.vector_load %arg11[%swap3A_118, %swap3A_119] {strides = array<i32>} : memref<4x128xi32, #tpu.memory_space<vmem>>, vector<16xi32>,
    tpu.vector_store %arg11[%swap3A_118, %swap3A_119], %shift_right_logical3A_116 {strides = array<i32>} : memref<4x128xi32, #tpu.memory_space<vmem>>, vector<16xi32>,
    %get3A_121 = arith.constant 0 : i32
    %get3A_122 = arith.index_cast %get3A_121 : i32 to index
    %get3A_123 = arith.constant 80 : index
    %get3A_124 = tpu.vector_load %arg10[%get3A_122, %get3A_123] {strides = array<i32>} : memref<4x128xi32, #tpu.memory_space<vmem>>, vector<16xi32>,
    %shift_right_logical3A_125 = arith.constant 2 : i32
    %shift_right_logical3A_126 = vector.broadcast %shift_right_logical3A_125 : i32 to vector<16xi32>
    %shift_right_logical3A_127 = arith.shrui %get3A_124, %shift_right_logical3A_126 : vector<16xi32>
    %swap3A_128 = arith.constant 0 : i32
    %swap3A_129 = arith.index_cast %swap3A_128 : i32 to index
    %swap3A_130 = arith.constant 80 : index
    %swap3A_131 = tpu.vector_load %arg12[%swap3A_129, %swap3A_130] {strides = array<i32>} : memref<4x128xi32, #tpu.memory_space<vmem>>, vector<16xi32>,
    tpu.vector_store %arg12[%swap3A_129, %swap3A_130], %shift_right_logical3A_127 {strides = array<i32>} : memref<4x128xi32, #tpu.memory_space<vmem>>, vector<16xi32>,
    %get3A_132 = arith.constant 0 : i32
    %get3A_133 = arith.index_cast %get3A_132 : i32 to index
    %get3A_134 = arith.constant 96 : index
    %get3A_135 = tpu.vector_load %arg9[%get3A_133, %get3A_134] {strides = array<i32>} : memref<4x128xi32, #tpu.memory_space<vmem>>, vector<16xi32>,
    %shift_right_logical3A_136 = arith.constant 2 : i32
    %shift_right_logical3A_137 = vector.broadcast %shift_right_logical3A_136 : i32 to vector<16xi32>
    %shift_right_logical3A_138 = arith.shrui %get3A_135, %shift_right_logical3A_137 : vector<16xi32>
    %swap3A_139 = arith.constant 0 : i32
    %swap3A_140 = arith.index_cast %swap3A_139 : i32 to index
    %swap3A_141 = arith.constant 96 : index
    %swap3A_142 = tpu.vector_load %arg11[%swap3A_140, %swap3A_141] {strides = array<i32>} : memref<4x128xi32, #tpu.memory_space<vmem>>, vector<16xi32>,
    tpu.vector_store %arg11[%swap3A_140, %swap3A_141], %shift_right_logical3A_138 {strides = array<i32>} : memref<4x128xi32, #tpu.memory_space<vmem>>, vector<16xi32>,
    %get3A_143 = arith.constant 0 : i32
    %get3A_144 = arith.index_cast %get3A_143 : i32 to index
    %get3A_145 = arith.constant 96 : index
    %get3A_146 = tpu.vector_load %arg10[%get3A_144, %get3A_145] {strides = array<i32>} : memref<4x128xi32, #tpu.memory_space<vmem>>, vector<16xi32>,
    %shift_right_logical3A_147 = arith.constant 2 : i32
    %shift_right_logical3A_148 = vector.broadcast %shift_right_logical3A_147 : i32 to vector<16xi32>
    %shift_right_logical3A_149 = arith.shrui %get3A_146, %shift_right_logical3A_148 : vector<16xi32>
    %swap3A_150 = arith.constant 0 : i32
    %swap3A_151 = arith.index_cast %swap3A_150 : i32 to index
    %swap3A_152 = arith.constant 96 : index
    %swap3A_153 = tpu.vector_load %arg12[%swap3A_151, %swap3A_152] {strides = array<i32>} : memref<4x128xi32, #tpu.memory_space<vmem>>, vector<16xi32>,
    tpu.vector_store %arg12[%swap3A_151, %swap3A_152], %shift_right_logical3A_149 {strides = array<i32>} : memref<4x128xi32, #tpu.memory_space<vmem>>, vector<16xi32>,
    %get3A_154 = arith.constant 0 : i32
    %get3A_155 = arith.index_cast %get3A_154 : i32 to index
    %get3A_156 = arith.constant 112 : index
    %get3A_157 = tpu.vector_load %arg9[%get3A_155, %get3A_156] {strides = array<i32>} : memref<4x128xi32, #tpu.memory_space<vmem>>, vector<16xi32>,
    %shift_right_logical3A_158 = arith.constant 2 : i32
    %shift_right_logical3A_159 = vector.broadcast %shift_right_logical3A_158 : i32 to vector<16xi32>
    %shift_right_logical3A_160 = arith.shrui %get3A_157, %shift_right_logical3A_159 : vector<16xi32>
    %swap3A_161 = arith.constant 0 : i32
    %swap3A_162 = arith.index_cast %swap3A_161 : i32 to index
    %swap3A_163 = arith.constant 112 : index
    %swap3A_164 = tpu.vector_load %arg11[%swap3A_162, %swap3A_163] {strides = array<i32>} : memref<4x128xi32, #tpu.memory_space<vmem>>, vector<16xi32>,
    tpu.vector_store %arg11[%swap3A_162, %swap3A_163], %shift_right_logical3A_160 {strides = array<i32>} : memref<4x128xi32, #tpu.memory_space<vmem>>, vector<16xi32>,
    %get3A_165 = arith.constant 0 : i32
    %get3A_166 = arith.index_cast %get3A_165 : i32 to index
    %get3A_167 = arith.constant 112 : index
    %get3A_168 = tpu.vector_load %arg10[%get3A_166, %get3A_167] {strides = array<i32>} : memref<4x128xi32, #tpu.memory_space<vmem>>, vector<16xi32>,
    %shift_right_logical3A_169 = arith.constant 2 : i32
    %shift_right_logical3A_170 = vector.broadcast %shift_right_logical3A_169 : i32 to vector<16xi32>
    %shift_right_logical3A_171 = arith.shrui %get3A_168, %shift_right_logical3A_170 : vector<16xi32>
    %swap3A_172 = arith.constant 0 : i32
    %swap3A_173 = arith.index_cast %swap3A_172 : i32 to index
    %swap3A_174 = arith.constant 112 : index
    %swap3A_175 = tpu.vector_load %arg12[%swap3A_173, %swap3A_174] {strides = array<i32>} : memref<4x128xi32, #tpu.memory_space<vmem>>, vector<16xi32>,
    tpu.vector_store %arg12[%swap3A_173, %swap3A_174], %shift_right_logical3A_171 {strides = array<i32>} : memref<4x128xi32, #tpu.memory_space<vmem>>, vector<16xi32>,
    %get3A_176 = arith.constant 1 : i32
    %get3A_177 = arith.index_cast %get3A_176 : i32 to index
    %get3A_178 = arith.constant 0 : index
    %get3A_179 = tpu.vector_load %arg9[%get3A_177, %get3A_178] {strides = array<i32>} : memref<4x128xi32, #tpu.memory_space<vmem>>, vector<16xi32>,
    %shift_right_logical3A_180 = arith.constant 2 : i32
    %shift_right_logical3A_181 = vector.broadcast %shift_right_logical3A_180 : i32 to vector<16xi32>
    %shift_right_logical3A_182 = arith.shrui %get3A_179, %shift_right_logical3A_181 : vector<16xi32>
    %swap3A_183 = arith.constant 1 : i32
    %swap3A_184 = arith.index_cast %swap3A_183 : i32 to index
    %swap3A_185 = arith.constant 0 : index
    %swap3A_186 = tpu.vector_load %arg11[%swap3A_184, %swap3A_185] {strides = array<i32>} : memref<4x128xi32, #tpu.memory_space<vmem>>, vector<16xi32>,
    tpu.vector_store %arg11[%swap3A_184, %swap3A_185], %shift_right_logical3A_182 {strides = array<i32>} : memref<4x128xi32, #tpu.memory_space<vmem>>, vector<16xi32>,
    %get3A_187 = arith.constant 1 : i32
    %get3A_188 = arith.index_cast %get3A_187 : i32 to index
    %get3A_189 = arith.constant 0 : index
    %get3A_190 = tpu.vector_load %arg10[%get3A_188, %get3A_189] {strides = array<i32>} : memref<4x128xi32, #tpu.memory_space<vmem>>, vector<16xi32>,
    %shift_right_logical3A_191 = arith.constant 2 : i32
    %shift_right_logical3A_192 = vector.broadcast %shift_right_logical3A_191 : i32 to vector<16xi32>
    %shift_right_logical3A_193 = arith.shrui %get3A_190, %shift_right_logical3A_192 : vector<16xi32>
    %swap3A_194 = arith.constant 1 : i32
    %swap3A_195 = arith.index_cast %swap3A_194 : i32 to index
    %swap3A_196 = arith.constant 0 : index
    %swap3A_197 = tpu.vector_load %arg12[%swap3A_195, %swap3A_196] {strides = array<i32>} : memref<4x128xi32, #tpu.memory_space<vmem>>, vector<16xi32>,
    tpu.vector_store %arg12[%swap3A_195, %swap3A_196], %shift_right_logical3A_193 {strides = array<i32>} : memref<4x128xi32, #tpu.memory_space<vmem>>, vector<16xi32>,
    %get3A_198 = arith.constant 1 : i32
    %get3A_199 = arith.index_cast %get3A_198 : i32 to index
    %get3A_200 = arith.constant 16 : index
    %get3A_201 = tpu.vector_load %arg9[%get3A_199, %get3A_200] {strides = array<i32>} : memref<4x128xi32, #tpu.memory_space<vmem>>, vector<16xi32>,
    %shift_right_logical3A_202 = arith.constant 2 : i32
    %shift_right_logical3A_203 = vector.broadcast %shift_right_logical3A_202 : i32 to vector<16xi32>
    %shift_right_logical3A_204 = arith.shrui %get3A_201, %shift_right_logical3A_203 : vector<16xi32>
    %swap3A_205 = arith.constant 1 : i32
    %swap3A_206 = arith.index_cast %swap3A_205 : i32 to index
    %swap3A_207 = arith.constant 16 : index
    %swap3A_208 = tpu.vector_load %arg11[%swap3A_206, %swap3A_207] {strides = array<i32>} : memref<4x128xi32, #tpu.memory_space<vmem>>, vector<16xi32>,
    tpu.vector_store %arg11[%swap3A_206, %swap3A_207], %shift_right_logical3A_204 {strides = array<i32>} : memref<4x128xi32, #tpu.memory_space<vmem>>, vector<16xi32>,
    %get3A_209 = arith.constant 1 : i32
    %get3A_210 = arith.index_cast %get3A_209 : i32 to index
    %get3A_211 = arith.constant 16 : index
    %get3A_212 = tpu.vector_load %arg10[%get3A_210, %get3A_211] {strides = array<i32>} : memref<4x128xi32, #tpu.memory_space<vmem>>, vector<16xi32>,
    %shift_right_logical3A_213 = arith.constant 2 : i32
    %shift_right_logical3A_214 = vector.broadcast %shift_right_logical3A_213 : i32 to vector<16xi32>
    %shift_right_logical3A_215 = arith.shrui %get3A_212, %shift_right_logical3A_214 : vector<16xi32>
    %swap3A_216 = arith.constant 1 : i32
    %swap3A_217 = arith.index_cast %swap3A_216 : i32 to index
    %swap3A_218 = arith.constant 16 : index
    %swap3A_219 = tpu.vector_load %arg12[%swap3A_217, %swap3A_218] {strides = array<i32>} : memref<4x128xi32, #tpu.memory_space<vmem>>, vector<16xi32>,
    tpu.vector_store %arg12[%swap3A_217, %swap3A_218], %shift_right_logical3A_215 {strides = array<i32>} : memref<4x128xi32, #tpu.memory_space<vmem>>, vector<16xi32>,
    %get3A_220 = arith.constant 1 : i32
    %get3A_221 = arith.index_cast %get3A_220 : i32 to index
    %get3A_222 = arith.constant 32 : index
    %get3A_223 = tpu.vector_load %arg9[%get3A_221, %get3A_222] {strides = array<i32>} : memref<4x128xi32, #tpu.memory_space<vmem>>, vector<16xi32>,
    %shift_right_logical3A_224 = arith.constant 2 : i32
    %shift_right_logical3A_225 = vector.broadcast %shift_right_logical3A_224 : i32 to vector<16xi32>
    %shift_right_logical3A_226 = arith.shrui %get3A_223, %shift_right_logical3A_225 : vector<16xi32>
    %swap3A_227 = arith.constant 1 : i32
    %swap3A_228 = arith.index_cast %swap3A_227 : i32 to index
    %swap3A_229 = arith.constant 32 : index
    %swap3A_230 = tpu.vector_load %arg11[%swap3A_228, %swap3A_229] {strides = array<i32>} : memref<4x128xi32, #tpu.memory_space<vmem>>, vector<16xi32>,
    tpu.vector_store %arg11[%swap3A_228, %swap3A_229], %shift_right_logical3A_226 {strides = array<i32>} : memref<4x128xi32, #tpu.memory_space<vmem>>, vector<16xi32>,
    %get3A_231 = arith.constant 1 : i32
    %get3A_232 = arith.index_cast %get3A_231 : i32 to index
    %get3A_233 = arith.constant 32 : index
    %get3A_234 = tpu.vector_load %arg10[%get3A_232, %get3A_233] {strides = array<i32>} : memref<4x128xi32, #tpu.memory_space<vmem>>, vector<16xi32>,
    %shift_right_logical3A_235 = arith.constant 2 : i32
    %shift_right_logical3A_236 = vector.broadcast %shift_right_logical3A_235 : i32 to vector<16xi32>
    %shift_right_logical3A_237 = arith.shrui %get3A_234, %shift_right_logical3A_236 : vector<16xi32>
    %swap3A_238 = arith.constant 1 : i32
    %swap3A_239 = arith.index_cast %swap3A_238 : i32 to index
    %swap3A_240 = arith.constant 32 : index
    %swap3A_241 = tpu.vector_load %arg12[%swap3A_239, %swap3A_240] {strides = array<i32>} : memref<4x128xi32, #tpu.memory_space<vmem>>, vector<16xi32>,
    tpu.vector_store %arg12[%swap3A_239, %swap3A_240], %shift_right_logical3A_237 {strides = array<i32>} : memref<4x128xi32, #tpu.memory_space<vmem>>, vector<16xi32>,
    %get3A_242 = arith.constant 1 : i32
    %get3A_243 = arith.index_cast %get3A_242 : i32 to index
    %get3A_244 = arith.constant 48 : index
    %get3A_245 = tpu.vector_load %arg9[%get3A_243, %get3A_244] {strides = array<i32>} : memref<4x128xi32, #tpu.memory_space<vmem>>, vector<16xi32>,
    %shift_right_logical3A_246 = arith.constant 2 : i32
    %shift_right_logical3A_247 = vector.broadcast %shift_right_logical3A_246 : i32 to vector<16xi32>
    %shift_right_logical3A_248 = arith.shrui %get3A_245, %shift_right_logical3A_247 : vector<16xi32>
    %swap3A_249 = arith.constant 1 : i32
    %swap3A_250 = arith.index_cast %swap3A_249 : i32 to index
    %swap3A_251 = arith.constant 48 : index
    %swap3A_252 = tpu.vector_load %arg11[%swap3A_250, %swap3A_251] {strides = array<i32>} : memref<4x128xi32, #tpu.memory_space<vmem>>, vector<16xi32>,
    tpu.vector_store %arg11[%swap3A_250, %swap3A_251], %shift_right_logical3A_248 {strides = array<i32>} : memref<4x128xi32, #tpu.memory_space<vmem>>, vector<16xi32>,
    %get3A_253 = arith.constant 1 : i32
    %get3A_254 = arith.index_cast %get3A_253 : i32 to index
    %get3A_255 = arith.constant 48 : index
    %get3A_256 = tpu.vector_load %arg10[%get3A_254, %get3A_255] {strides = array<i32>} : memref<4x128xi32, #tpu.memory_space<vmem>>, vector<16xi32>,
    %shift_right_logical3A_257 = arith.constant 2 : i32
    %shift_right_logical3A_258 = vector.broadcast %shift_right_logical3A_257 : i32 to vector<16xi32>
    %shift_right_logical3A_259 = arith.shrui %get3A_256, %shift_right_logical3A_258 : vector<16xi32>
    %swap3A_260 = arith.constant 1 : i32
    %swap3A_261 = arith.index_cast %swap3A_260 : i32 to index
    %swap3A_262 = arith.constant 48 : index
    %swap3A_263 = tpu.vector_load %arg12[%swap3A_261, %swap3A_262] {strides = array<i32>} : memref<4x128xi32, #tpu.memory_space<vmem>>, vector<16xi32>,
    tpu.vector_store %arg12[%swap3A_261, %swap3A_262], %shift_right_logical3A_259 {strides = array<i32>} : memref<4x128xi32, #tpu.memory_space<vmem>>, vector<16xi32>,
    %get3A_264 = arith.constant 1 : i32
    %get3A_265 = arith.index_cast %get3A_264 : i32 to index
    %get3A_266 = arith.constant 64 : index
    %get3A_267 = tpu.vector_load %arg9[%get3A_265, %get3A_266] {strides = array<i32>} : memref<4x128xi32, #tpu.memory_space<vmem>>, vector<16xi32>,
    %shift_right_logical3A_268 = arith.constant 2 : i32
    %shift_right_logical3A_269 = vector.broadcast %shift_right_logical3A_268 : i32 to vector<16xi32>
    %shift_right_logical3A_270 = arith.shrui %get3A_267, %shift_right_logical3A_269 : vector<16xi32>
    %swap3A_271 = arith.constant 1 : i32
    %swap3A_272 = arith.index_cast %swap3A_271 : i32 to index
    %swap3A_273 = arith.constant 64 : index
    %swap3A_274 = tpu.vector_load %arg11[%swap3A_272, %swap3A_273] {strides = array<i32>} : memref<4x128xi32, #tpu.memory_space<vmem>>, vector<16xi32>,
    tpu.vector_store %arg11[%swap3A_272, %swap3A_273], %shift_right_logical3A_270 {strides = array<i32>} : memref<4x128xi32, #tpu.memory_space<vmem>>, vector<16xi32>,
    %get3A_275 = arith.constant 1 : i32
    %get3A_276 = arith.index_cast %get3A_275 : i32 to index
    %get3A_277 = arith.constant 64 : index
    %get3A_278 = tpu.vector_load %arg10[%get3A_276, %get3A_277] {strides = array<i32>} : memref<4x128xi32, #tpu.memory_space<vmem>>, vector<16xi32>,
    %shift_right_logical3A_279 = arith.constant 2 : i32
    %shift_right_logical3A_280 = vector.broadcast %shift_right_logical3A_279 : i32 to vector<16xi32>
    %shift_right_logical3A_281 = arith.shrui %get3A_278, %shift_right_logical3A_280 : vector<16xi32>
    %swap3A_282 = arith.constant 1 : i32
    %swap3A_283 = arith.index_cast %swap3A_282 : i32 to index
    %swap3A_284 = arith.constant 64 : index
    %swap3A_285 = tpu.vector_load %arg12[%swap3A_283, %swap3A_284] {strides = array<i32>} : memref<4x128xi32, #tpu.memory_space<vmem>>, vector<16xi32>,
    tpu.vector_store %arg12[%swap3A_283, %swap3A_284], %shift_right_logical3A_281 {strides = array<i32>} : memref<4x128xi32, #tpu.memory_space<vmem>>, vector<16xi32>,
    %get3A_286 = arith.constant 1 : i32
    %get3A_287 = arith.index_cast %get3A_286 : i32 to index
    %get3A_288 = arith.constant 80 : index
    %get3A_289 = tpu.vector_load %arg9[%get3A_287, %get3A_288] {strides = array<i32>} : memref<4x128xi32, #tpu.memory_space<vmem>>, vector<16xi32>,
    %shift_right_logical3A_290 = arith.constant 2 : i32
    %shift_right_logical3A_291 = vector.broadcast %shift_right_logical3A_290 : i32 to vector<16xi32>
    %shift_right_logical3A_292 = arith.shrui %get3A_289, %shift_right_logical3A_291 : vector<16xi32>
    %swap3A_293 = arith.constant 1 : i32
    %swap3A_294 = arith.index_cast %swap3A_293 : i32 to index
    %swap3A_295 = arith.constant 80 : index
    %swap3A_296 = tpu.vector_load %arg11[%swap3A_294, %swap3A_295] {strides = array<i32>} : memref<4x128xi32, #tpu.memory_space<vmem>>, vector<16xi32>,
    tpu.vector_store %arg11[%swap3A_294, %swap3A_295], %shift_right_logical3A_292 {strides = array<i32>} : memref<4x128xi32, #tpu.memory_space<vmem>>, vector<16xi32>,
    %get3A_297 = arith.constant 1 : i32
    %get3A_298 = arith.index_cast %get3A_297 : i32 to index
    %get3A_299 = arith.constant 80 : index
    %get3A_300 = tpu.vector_load %arg10[%get3A_298, %get3A_299] {strides = array<i32>} : memref<4x128xi32, #tpu.memory_space<vmem>>, vector<16xi32>,
    %shift_right_logical3A_301 = arith.constant 2 : i32
    %shift_right_logical3A_302 = vector.broadcast %shift_right_logical3A_301 : i32 to vector<16xi32>
    %shift_right_logical3A_303 = arith.shrui %get3A_300, %shift_right_logical3A_302 : vector<16xi32>
    %swap3A_304 = arith.constant 1 : i32
    %swap3A_305 = arith.index_cast %swap3A_304 : i32 to index
    %swap3A_306 = arith.constant 80 : index
    %swap3A_307 = tpu.vector_load %arg12[%swap3A_305, %swap3A_306] {strides = array<i32>} : memref<4x128xi32, #tpu.memory_space<vmem>>, vector<16xi32>,
    tpu.vector_store %arg12[%swap3A_305, %swap3A_306], %shift_right_logical3A_303 {strides = array<i32>} : memref<4x128xi32, #tpu.memory_space<vmem>>, vector<16xi32>,
    %get3A_308 = arith.constant 1 : i32
    %get3A_309 = arith.index_cast %get3A_308 : i32 to index
    %get3A_310 = arith.constant 96 : index
    %get3A_311 = tpu.vector_load %arg9[%get3A_309, %get3A_310] {strides = array<i32>} : memref<4x128xi32, #tpu.memory_space<vmem>>, vector<16xi32>,
    %shift_right_logical3A_312 = arith.constant 2 : i32
    %shift_right_logical3A_313 = vector.broadcast %shift_right_logical3A_312 : i32 to vector<16xi32>
    %shift_right_logical3A_314 = arith.shrui %get3A_311, %shift_right_logical3A_313 : vector<16xi32>
    %swap3A_315 = arith.constant 1 : i32
    %swap3A_316 = arith.index_cast %swap3A_315 : i32 to index
    %swap3A_317 = arith.constant 96 : index
    %swap3A_318 = tpu.vector_load %arg11[%swap3A_316, %swap3A_317] {strides = array<i32>} : memref<4x128xi32, #tpu.memory_space<vmem>>, vector<16xi32>,
    tpu.vector_store %arg11[%swap3A_316, %swap3A_317], %shift_right_logical3A_314 {strides = array<i32>} : memref<4x128xi32, #tpu.memory_space<vmem>>, vector<16xi32>,
    %get3A_319 = arith.constant 1 : i32
    %get3A_320 = arith.index_cast %get3A_319 : i32 to index
    %get3A_321 = arith.constant 96 : index
    %get3A_322 = tpu.vector_load %arg10[%get3A_320, %get3A_321] {strides = array<i32>} : memref<4x128xi32, #tpu.memory_space<vmem>>, vector<16xi32>,
    %shift_right_logical3A_323 = arith.constant 2 : i32
    %shift_right_logical3A_324 = vector.broadcast %shift_right_logical3A_323 : i32 to vector<16xi32>
    %shift_right_logical3A_325 = arith.shrui %get3A_322, %shift_right_logical3A_324 : vector<16xi32>
    %swap3A_326 = arith.constant 1 : i32
    %swap3A_327 = arith.index_cast %swap3A_326 : i32 to index
    %swap3A_328 = arith.constant 96 : index
    %swap3A_329 = tpu.vector_load %arg12[%swap3A_327, %swap3A_328] {strides = array<i32>} : memref<4x128xi32, #tpu.memory_space<vmem>>, vector<16xi32>,
    tpu.vector_store %arg12[%swap3A_327, %swap3A_328], %shift_right_logical3A_325 {strides = array<i32>} : memref<4x128xi32, #tpu.memory_space<vmem>>, vector<16xi32>,
    %get3A_330 = arith.constant 1 : i32
    %get3A_331 = arith.index_cast %get3A_330 : i32 to index
    %get3A_332 = arith.constant 112 : index
    %get3A_333 = tpu.vector_load %arg9[%get3A_331, %get3A_332] {strides = array<i32>} : memref<4x128xi32, #tpu.memory_space<vmem>>, vector<16xi32>,
    %shift_right_logical3A_334 = arith.constant 2 : i32
    %shift_right_logical3A_335 = vector.broadcast %shift_right_logical3A_334 : i32 to vector<16xi32>
    %shift_right_logical3A_336 = arith.shrui %get3A_333, %shift_right_logical3A_335 : vector<16xi32>
    %swap3A_337 = arith.constant 1 : i32
    %swap3A_338 = arith.index_cast %swap3A_337 : i32 to index
    %swap3A_339 = arith.constant 112 : index
    %swap3A_340 = tpu.vector_load %arg11[%swap3A_338, %swap3A_339] {strides = array<i32>} : memref<4x128xi32, #tpu.memory_space<vmem>>, vector<16xi32>,
    tpu.vector_store %arg11[%swap3A_338, %swap3A_339], %shift_right_logical3A_336 {strides = array<i32>} : memref<4x128xi32, #tpu.memory_space<vmem>>, vector<16xi32>,
    %get3A_341 = arith.constant 1 : i32
    %get3A_342 = arith.index_cast %get3A_341 : i32 to index
    %get3A_343 = arith.constant 112 : index
    %get3A_344 = tpu.vector_load %arg10[%get3A_342, %get3A_343] {strides = array<i32>} : memref<4x128xi32, #tpu.memory_space<vmem>>, vector<16xi32>,
    %shift_right_logical3A_345 = arith.constant 2 : i32
    %shift_right_logical3A_346 = vector.broadcast %shift_right_logical3A_345 : i32 to vector<16xi32>
    %shift_right_logical3A_347 = arith.shrui %get3A_344, %shift_right_logical3A_346 : vector<16xi32>
    %swap3A_348 = arith.constant 1 : i32
    %swap3A_349 = arith.index_cast %swap3A_348 : i32 to index
    %swap3A_350 = arith.constant 112 : index
    %swap3A_351 = tpu.vector_load %arg12[%swap3A_349, %swap3A_350] {strides = array<i32>} : memref<4x128xi32, #tpu.memory_space<vmem>>, vector<16xi32>,
    tpu.vector_store %arg12[%swap3A_349, %swap3A_350], %shift_right_logical3A_347 {strides = array<i32>} : memref<4x128xi32, #tpu.memory_space<vmem>>, vector<16xi32>,
    %get3A_352 = arith.constant 2 : i32
    %get3A_353 = arith.index_cast %get3A_352 : i32 to index
    %get3A_354 = arith.constant 0 : index
    %get3A_355 = tpu.vector_load %arg9[%get3A_353, %get3A_354] {strides = array<i32>} : memref<4x128xi32, #tpu.memory_space<vmem>>, vector<16xi32>,
    %shift_right_logical3A_356 = arith.constant 2 : i32
    %shift_right_logical3A_357 = vector.broadcast %shift_right_logical3A_356 : i32 to vector<16xi32>
    %shift_right_logical3A_358 = arith.shrui %get3A_355, %shift_right_logical3A_357 : vector<16xi32>
    %swap3A_359 = arith.constant 2 : i32
    %swap3A_360 = arith.index_cast %swap3A_359 : i32 to index
    %swap3A_361 = arith.constant 0 : index
    %swap3A_362 = tpu.vector_load %arg11[%swap3A_360, %swap3A_361] {strides = array<i32>} : memref<4x128xi32, #tpu.memory_space<vmem>>, vector<16xi32>,
    tpu.vector_store %arg11[%swap3A_360, %swap3A_361], %shift_right_logical3A_358 {strides = array<i32>} : memref<4x128xi32, #tpu.memory_space<vmem>>, vector<16xi32>,
    %get3A_363 = arith.constant 2 : i32
    %get3A_364 = arith.index_cast %get3A_363 : i32 to index
    %get3A_365 = arith.constant 0 : index
    %get3A_366 = tpu.vector_load %arg10[%get3A_364, %get3A_365] {strides = array<i32>} : memref<4x128xi32, #tpu.memory_space<vmem>>, vector<16xi32>,
    %shift_right_logical3A_367 = arith.constant 2 : i32
    %shift_right_logical3A_368 = vector.broadcast %shift_right_logical3A_367 : i32 to vector<16xi32>
    %shift_right_logical3A_369 = arith.shrui %get3A_366, %shift_right_logical3A_368 : vector<16xi32>
    %swap3A_370 = arith.constant 2 : i32
    %swap3A_371 = arith.index_cast %swap3A_370 : i32 to index
    %swap3A_372 = arith.constant 0 : index
    %swap3A_373 = tpu.vector_load %arg12[%swap3A_371, %swap3A_372] {strides = array<i32>} : memref<4x128xi32, #tpu.memory_space<vmem>>, vector<16xi32>,
    tpu.vector_store %arg12[%swap3A_371, %swap3A_372], %shift_right_logical3A_369 {strides = array<i32>} : memref<4x128xi32, #tpu.memory_space<vmem>>, vector<16xi32>,
    %get3A_374 = arith.constant 2 : i32
    %get3A_375 = arith.index_cast %get3A_374 : i32 to index
    %get3A_376 = arith.constant 16 : index
    %get3A_377 = tpu.vector_load %arg9[%get3A_375, %get3A_376] {strides = array<i32>} : memref<4x128xi32, #tpu.memory_space<vmem>>, vector<16xi32>,
    %shift_right_logical3A_378 = arith.constant 2 : i32
    %shift_right_logical3A_379 = vector.broadcast %shift_right_logical3A_378 : i32 to vector<16xi32>
    %shift_right_logical3A_380 = arith.shrui %get3A_377, %shift_right_logical3A_379 : vector<16xi32>
    %swap3A_381 = arith.constant 2 : i32
    %swap3A_382 = arith.index_cast %swap3A_381 : i32 to index
    %swap3A_383 = arith.constant 16 : index
    %swap3A_384 = tpu.vector_load %arg11[%swap3A_382, %swap3A_383] {strides = array<i32>} : memref<4x128xi32, #tpu.memory_space<vmem>>, vector<16xi32>,
    tpu.vector_store %arg11[%swap3A_382, %swap3A_383], %shift_right_logical3A_380 {strides = array<i32>} : memref<4x128xi32, #tpu.memory_space<vmem>>, vector<16xi32>,
    %get3A_385 = arith.constant 2 : i32
    %get3A_386 = arith.index_cast %get3A_385 : i32 to index
    %get3A_387 = arith.constant 16 : index
    %get3A_388 = tpu.vector_load %arg10[%get3A_386, %get3A_387] {strides = array<i32>} : memref<4x128xi32, #tpu.memory_space<vmem>>, vector<16xi32>,
    %shift_right_logical3A_389 = arith.constant 2 : i32
    %shift_right_logical3A_390 = vector.broadcast %shift_right_logical3A_389 : i32 to vector<16xi32>
    %shift_right_logical3A_391 = arith.shrui %get3A_388, %shift_right_logical3A_390 : vector<16xi32>
    %swap3A_392 = arith.constant 2 : i32
    %swap3A_393 = arith.index_cast %swap3A_392 : i32 to index
    %swap3A_394 = arith.constant 16 : index
    %swap3A_395 = tpu.vector_load %arg12[%swap3A_393, %swap3A_394] {strides = array<i32>} : memref<4x128xi32, #tpu.memory_space<vmem>>, vector<16xi32>,
    tpu.vector_store %arg12[%swap3A_393, %swap3A_394], %shift_right_logical3A_391 {strides = array<i32>} : memref<4x128xi32, #tpu.memory_space<vmem>>, vector<16xi32>,
    %get3A_396 = arith.constant 2 : i32
    %get3A_397 = arith.index_cast %get3A_396 : i32 to index
    %get3A_398 = arith.constant 32 : index
    %get3A_399 = tpu.vector_load %arg9[%get3A_397, %get3A_398] {strides = array<i32>} : memref<4x128xi32, #tpu.memory_space<vmem>>, vector<16xi32>,
    %shift_right_logical3A_400 = arith.constant 2 : i32
    %shift_right_logical3A_401 = vector.broadcast %shift_right_logical3A_400 : i32 to vector<16xi32>
    %shift_right_logical3A_402 = arith.shrui %get3A_399, %shift_right_logical3A_401 : vector<16xi32>
    %swap3A_403 = arith.constant 2 : i32
    %swap3A_404 = arith.index_cast %swap3A_403 : i32 to index
    %swap3A_405 = arith.constant 32 : index
    %swap3A_406 = tpu.vector_load %arg11[%swap3A_404, %swap3A_405] {strides = array<i32>} : memref<4x128xi32, #tpu.memory_space<vmem>>, vector<16xi32>,
    tpu.vector_store %arg11[%swap3A_404, %swap3A_405], %shift_right_logical3A_402 {strides = array<i32>} : memref<4x128xi32, #tpu.memory_space<vmem>>, vector<16xi32>,
    %get3A_407 = arith.constant 2 : i32
    %get3A_408 = arith.index_cast %get3A_407 : i32 to index
    %get3A_409 = arith.constant 32 : index
    %get3A_410 = tpu.vector_load %arg10[%get3A_408, %get3A_409] {strides = array<i32>} : memref<4x128xi32, #tpu.memory_space<vmem>>, vector<16xi32>,
    %shift_right_logical3A_411 = arith.constant 2 : i32
    %shift_right_logical3A_412 = vector.broadcast %shift_right_logical3A_411 : i32 to vector<16xi32>
    %shift_right_logical3A_413 = arith.shrui %get3A_410, %shift_right_logical3A_412 : vector<16xi32>
    %swap3A_414 = arith.constant 2 : i32
    %swap3A_415 = arith.index_cast %swap3A_414 : i32 to index
    %swap3A_416 = arith.constant 32 : index
    %swap3A_417 = tpu.vector_load %arg12[%swap3A_415, %swap3A_416] {strides = array<i32>} : memref<4x128xi32, #tpu.memory_space<vmem>>, vector<16xi32>,
    tpu.vector_store %arg12[%swap3A_415, %swap3A_416], %shift_right_logical3A_413 {strides = array<i32>} : memref<4x128xi32, #tpu.memory_space<vmem>>, vector<16xi32>,
    %get3A_418 = arith.constant 2 : i32
    %get3A_419 = arith.index_cast %get3A_418 : i32 to index
    %get3A_420 = arith.constant 48 : index
    %get3A_421 = tpu.vector_load %arg9[%get3A_419, %get3A_420] {strides = array<i32>} : memref<4x128xi32, #tpu.memory_space<vmem>>, vector<16xi32>,
    %shift_right_logical3A_422 = arith.constant 2 : i32
    %shift_right_logical3A_423 = vector.broadcast %shift_right_logical3A_422 : i32 to vector<16xi32>
    %shift_right_logical3A_424 = arith.shrui %get3A_421, %shift_right_logical3A_423 : vector<16xi32>
    %swap3A_425 = arith.constant 2 : i32
    %swap3A_426 = arith.index_cast %swap3A_425 : i32 to index
    %swap3A_427 = arith.constant 48 : index
    %swap3A_428 = tpu.vector_load %arg11[%swap3A_426, %swap3A_427] {strides = array<i32>} : memref<4x128xi32, #tpu.memory_space<vmem>>, vector<16xi32>,
    tpu.vector_store %arg11[%swap3A_426, %swap3A_427], %shift_right_logical3A_424 {strides = array<i32>} : memref<4x128xi32, #tpu.memory_space<vmem>>, vector<16xi32>,
    %get3A_429 = arith.constant 2 : i32
    %get3A_430 = arith.index_cast %get3A_429 : i32 to index
    %get3A_431 = arith.constant 48 : index
    %get3A_432 = tpu.vector_load %arg10[%get3A_430, %get3A_431] {strides = array<i32>} : memref<4x128xi32, #tpu.memory_space<vmem>>, vector<16xi32>,
    %shift_right_logical3A_433 = arith.constant 2 : i32
    %shift_right_logical3A_434 = vector.broadcast %shift_right_logical3A_433 : i32 to vector<16xi32>
    %shift_right_logical3A_435 = arith.shrui %get3A_432, %shift_right_logical3A_434 : vector<16xi32>
    %swap3A_436 = arith.constant 2 : i32
    %swap3A_437 = arith.index_cast %swap3A_436 : i32 to index
    %swap3A_438 = arith.constant 48 : index
    %swap3A_439 = tpu.vector_load %arg12[%swap3A_437, %swap3A_438] {strides = array<i32>} : memref<4x128xi32, #tpu.memory_space<vmem>>, vector<16xi32>,
    tpu.vector_store %arg12[%swap3A_437, %swap3A_438], %shift_right_logical3A_435 {strides = array<i32>} : memref<4x128xi32, #tpu.memory_space<vmem>>, vector<16xi32>,
    %get3A_440 = arith.constant 2 : i32
    %get3A_441 = arith.index_cast %get3A_440 : i32 to index
    %get3A_442 = arith.constant 64 : index
    %get3A_443 = tpu.vector_load %arg9[%get3A_441, %get3A_442] {strides = array<i32>} : memref<4x128xi32, #tpu.memory_space<vmem>>, vector<16xi32>,
    %shift_right_logical3A_444 = arith.constant 2 : i32
    %shift_right_logical3A_445 = vector.broadcast %shift_right_logical3A_444 : i32 to vector<16xi32>
    %shift_right_logical3A_446 = arith.shrui %get3A_443, %shift_right_logical3A_445 : vector<16xi32>
    %swap3A_447 = arith.constant 2 : i32
    %swap3A_448 = arith.index_cast %swap3A_447 : i32 to index
    %swap3A_449 = arith.constant 64 : index
    %swap3A_450 = tpu.vector_load %arg11[%swap3A_448, %swap3A_449] {strides = array<i32>} : memref<4x128xi32, #tpu.memory_space<vmem>>, vector<16xi32>,
    tpu.vector_store %arg11[%swap3A_448, %swap3A_449], %shift_right_logical3A_446 {strides = array<i32>} : memref<4x128xi32, #tpu.memory_space<vmem>>, vector<16xi32>,
    %get3A_451 = arith.constant 2 : i32
    %get3A_452 = arith.index_cast %get3A_451 : i32 to index
    %get3A_453 = arith.constant 64 : index
    %get3A_454 = tpu.vector_load %arg10[%get3A_452, %get3A_453] {strides = array<i32>} : memref<4x128xi32, #tpu.memory_space<vmem>>, vector<16xi32>,
    %shift_right_logical3A_455 = arith.constant 2 : i32
    %shift_right_logical3A_456 = vector.broadcast %shift_right_logical3A_455 : i32 to vector<16xi32>
    %shift_right_logical3A_457 = arith.shrui %get3A_454, %shift_right_logical3A_456 : vector<16xi32>
    %swap3A_458 = arith.constant 2 : i32
    %swap3A_459 = arith.index_cast %swap3A_458 : i32 to index
    %swap3A_460 = arith.constant 64 : index
    %swap3A_461 = tpu.vector_load %arg12[%swap3A_459, %swap3A_460] {strides = array<i32>} : memref<4x128xi32, #tpu.memory_space<vmem>>, vector<16xi32>,
    tpu.vector_store %arg12[%swap3A_459, %swap3A_460], %shift_right_logical3A_457 {strides = array<i32>} : memref<4x128xi32, #tpu.memory_space<vmem>>, vector<16xi32>,
    %get3A_462 = arith.constant 2 : i32
    %get3A_463 = arith.index_cast %get3A_462 : i32 to index
    %get3A_464 = arith.constant 80 : index
    %get3A_465 = tpu.vector_load %arg9[%get3A_463, %get3A_464] {strides = array<i32>} : memref<4x128xi32, #tpu.memory_space<vmem>>, vector<16xi32>,
    %shift_right_logical3A_466 = arith.constant 2 : i32
    %shift_right_logical3A_467 = vector.broadcast %shift_right_logical3A_466 : i32 to vector<16xi32>
    %shift_right_logical3A_468 = arith.shrui %get3A_465, %shift_right_logical3A_467 : vector<16xi32>
    %swap3A_469 = arith.constant 2 : i32
    %swap3A_470 = arith.index_cast %swap3A_469 : i32 to index
    %swap3A_471 = arith.constant 80 : index
    %swap3A_472 = tpu.vector_load %arg11[%swap3A_470, %swap3A_471] {strides = array<i32>} : memref<4x128xi32, #tpu.memory_space<vmem>>, vector<16xi32>,
    tpu.vector_store %arg11[%swap3A_470, %swap3A_471], %shift_right_logical3A_468 {strides = array<i32>} : memref<4x128xi32, #tpu.memory_space<vmem>>, vector<16xi32>,
    %get3A_473 = arith.constant 2 : i32
    %get3A_474 = arith.index_cast %get3A_473 : i32 to index
    %get3A_475 = arith.constant 80 : index
    %get3A_476 = tpu.vector_load %arg10[%get3A_474, %get3A_475] {strides = array<i32>} : memref<4x128xi32, #tpu.memory_space<vmem>>, vector<16xi32>,
    %shift_right_logical3A_477 = arith.constant 2 : i32
    %shift_right_logical3A_478 = vector.broadcast %shift_right_logical3A_477 : i32 to vector<16xi32>
    %shift_right_logical3A_479 = arith.shrui %get3A_476, %shift_right_logical3A_478 : vector<16xi32>
    %swap3A_480 = arith.constant 2 : i32
    %swap3A_481 = arith.index_cast %swap3A_480 : i32 to index
    %swap3A_482 = arith.constant 80 : index
    %swap3A_483 = tpu.vector_load %arg12[%swap3A_481, %swap3A_482] {strides = array<i32>} : memref<4x128xi32, #tpu.memory_space<vmem>>, vector<16xi32>,
    tpu.vector_store %arg12[%swap3A_481, %swap3A_482], %shift_right_logical3A_479 {strides = array<i32>} : memref<4x128xi32, #tpu.memory_space<vmem>>, vector<16xi32>,
    %get3A_484 = arith.constant 2 : i32
    %get3A_485 = arith.index_cast %get3A_484 : i32 to index
    %get3A_486 = arith.constant 96 : index
    %get3A_487 = tpu.vector_load %arg9[%get3A_485, %get3A_486] {strides = array<i32>} : memref<4x128xi32, #tpu.memory_space<vmem>>, vector<16xi32>,
    %shift_right_logical3A_488 = arith.constant 2 : i32
    %shift_right_logical3A_489 = vector.broadcast %shift_right_logical3A_488 : i32 to vector<16xi32>
    %shift_right_logical3A_490 = arith.shrui %get3A_487, %shift_right_logical3A_489 : vector<16xi32>
    %swap3A_491 = arith.constant 2 : i32
    %swap3A_492 = arith.index_cast %swap3A_491 : i32 to index
    %swap3A_493 = arith.constant 96 : index
    %swap3A_494 = tpu.vector_load %arg11[%swap3A_492, %swap3A_493] {strides = array<i32>} : memref<4x128xi32, #tpu.memory_space<vmem>>, vector<16xi32>,
    tpu.vector_store %arg11[%swap3A_492, %swap3A_493], %shift_right_logical3A_490 {strides = array<i32>} : memref<4x128xi32, #tpu.memory_space<vmem>>, vector<16xi32>,
    %get3A_495 = arith.constant 2 : i32
    %get3A_496 = arith.index_cast %get3A_495 : i32 to index
    %get3A_497 = arith.constant 96 : index
    %get3A_498 = tpu.vector_load %arg10[%get3A_496, %get3A_497] {strides = array<i32>} : memref<4x128xi32, #tpu.memory_space<vmem>>, vector<16xi32>,
    %shift_right_logical3A_499 = arith.constant 2 : i32
    %shift_right_logical3A_500 = vector.broadcast %shift_right_logical3A_499 : i32 to vector<16xi32>
    %shift_right_logical3A_501 = arith.shrui %get3A_498, %shift_right_logical3A_500 : vector<16xi32>
    %swap3A_502 = arith.constant 2 : i32
    %swap3A_503 = arith.index_cast %swap3A_502 : i32 to index
    %swap3A_504 = arith.constant 96 : index
    %swap3A_505 = tpu.vector_load %arg12[%swap3A_503, %swap3A_504] {strides = array<i32>} : memref<4x128xi32, #tpu.memory_space<vmem>>, vector<16xi32>,
    tpu.vector_store %arg12[%swap3A_503, %swap3A_504], %shift_right_logical3A_501 {strides = array<i32>} : memref<4x128xi32, #tpu.memory_space<vmem>>, vector<16xi32>,
    %get3A_506 = arith.constant 2 : i32
    %get3A_507 = arith.index_cast %get3A_506 : i32 to index
    %get3A_508 = arith.constant 112 : index
    %get3A_509 = tpu.vector_load %arg9[%get3A_507, %get3A_508] {strides = array<i32>} : memref<4x128xi32, #tpu.memory_space<vmem>>, vector<16xi32>,
    %shift_right_logical3A_510 = arith.constant 2 : i32
    %shift_right_logical3A_511 = vector.broadcast %shift_right_logical3A_510 : i32 to vector<16xi32>
    %shift_right_logical3A_512 = arith.shrui %get3A_509, %shift_right_logical3A_511 : vector<16xi32>
    %swap3A_513 = arith.constant 2 : i32
    %swap3A_514 = arith.index_cast %swap3A_513 : i32 to index
    %swap3A_515 = arith.constant 112 : index
    %swap3A_516 = tpu.vector_load %arg11[%swap3A_514, %swap3A_515] {strides = array<i32>} : memref<4x128xi32, #tpu.memory_space<vmem>>, vector<16xi32>,
    tpu.vector_store %arg11[%swap3A_514, %swap3A_515], %shift_right_logical3A_512 {strides = array<i32>} : memref<4x128xi32, #tpu.memory_space<vmem>>, vector<16xi32>,
    %get3A_517 = arith.constant 2 : i32
    %get3A_518 = arith.index_cast %get3A_517 : i32 to index
    %get3A_519 = arith.constant 112 : index
    %get3A_520 = tpu.vector_load %arg10[%get3A_518, %get3A_519] {strides = array<i32>} : memref<4x128xi32, #tpu.memory_space<vmem>>, vector<16xi32>,
    %shift_right_logical3A_521 = arith.constant 2 : i32
    %shift_right_logical3A_522 = vector.broadcast %shift_right_logical3A_521 : i32 to vector<16xi32>
    %shift_right_logical3A_523 = arith.shrui %get3A_520, %shift_right_logical3A_522 : vector<16xi32>
    %swap3A_524 = arith.constant 2 : i32
    %swap3A_525 = arith.index_cast %swap3A_524 : i32 to index
    %swap3A_526 = arith.constant 112 : index
    %swap3A_527 = tpu.vector_load %arg12[%swap3A_525, %swap3A_526] {strides = array<i32>} : memref<4x128xi32, #tpu.memory_space<vmem>>, vector<16xi32>,
    tpu.vector_store %arg12[%swap3A_525, %swap3A_526], %shift_right_logical3A_523 {strides = array<i32>} : memref<4x128xi32, #tpu.memory_space<vmem>>, vector<16xi32>,
    %get3A_528 = arith.constant 3 : i32
    %get3A_529 = arith.index_cast %get3A_528 : i32 to index
    %get3A_530 = arith.constant 0 : index
    %get3A_531 = tpu.vector_load %arg9[%get3A_529, %get3A_530] {strides = array<i32>} : memref<4x128xi32, #tpu.memory_space<vmem>>, vector<16xi32>,
    %shift_right_logical3A_532 = arith.constant 2 : i32
    %shift_right_logical3A_533 = vector.broadcast %shift_right_logical3A_532 : i32 to vector<16xi32>
    %shift_right_logical3A_534 = arith.shrui %get3A_531, %shift_right_logical3A_533 : vector<16xi32>
    %swap3A_535 = arith.constant 3 : i32
    %swap3A_536 = arith.index_cast %swap3A_535 : i32 to index
    %swap3A_537 = arith.constant 0 : index
    %swap3A_538 = tpu.vector_load %arg11[%swap3A_536, %swap3A_537] {strides = array<i32>} : memref<4x128xi32, #tpu.memory_space<vmem>>, vector<16xi32>,
    tpu.vector_store %arg11[%swap3A_536, %swap3A_537], %shift_right_logical3A_534 {strides = array<i32>} : memref<4x128xi32, #tpu.memory_space<vmem>>, vector<16xi32>,
    %get3A_539 = arith.constant 3 : i32
    %get3A_540 = arith.index_cast %get3A_539 : i32 to index
    %get3A_541 = arith.constant 0 : index
    %get3A_542 = tpu.vector_load %arg10[%get3A_540, %get3A_541] {strides = array<i32>} : memref<4x128xi32, #tpu.memory_space<vmem>>, vector<16xi32>,
    %shift_right_logical3A_543 = arith.constant 2 : i32
    %shift_right_logical3A_544 = vector.broadcast %shift_right_logical3A_543 : i32 to vector<16xi32>
    %shift_right_logical3A_545 = arith.shrui %get3A_542, %shift_right_logical3A_544 : vector<16xi32>
    %swap3A_546 = arith.constant 3 : i32
    %swap3A_547 = arith.index_cast %swap3A_546 : i32 to index
    %swap3A_548 = arith.constant 0 : index
    %swap3A_549 = tpu.vector_load %arg12[%swap3A_547, %swap3A_548] {strides = array<i32>} : memref<4x128xi32, #tpu.memory_space<vmem>>, vector<16xi32>,
    tpu.vector_store %arg12[%swap3A_547, %swap3A_548], %shift_right_logical3A_545 {strides = array<i32>} : memref<4x128xi32, #tpu.memory_space<vmem>>, vector<16xi32>,
    %get3A_550 = arith.constant 3 : i32
    %get3A_551 = arith.index_cast %get3A_550 : i32 to index
    %get3A_552 = arith.constant 16 : index
    %get3A_553 = tpu.vector_load %arg9[%get3A_551, %get3A_552] {strides = array<i32>} : memref<4x128xi32, #tpu.memory_space<vmem>>, vector<16xi32>,
    %shift_right_logical3A_554 = arith.constant 2 : i32
    %shift_right_logical3A_555 = vector.broadcast %shift_right_logical3A_554 : i32 to vector<16xi32>
    %shift_right_logical3A_556 = arith.shrui %get3A_553, %shift_right_logical3A_555 : vector<16xi32>
    %swap3A_557 = arith.constant 3 : i32
    %swap3A_558 = arith.index_cast %swap3A_557 : i32 to index
    %swap3A_559 = arith.constant 16 : index
    %swap3A_560 = tpu.vector_load %arg11[%swap3A_558, %swap3A_559] {strides = array<i32>} : memref<4x128xi32, #tpu.memory_space<vmem>>, vector<16xi32>,
    tpu.vector_store %arg11[%swap3A_558, %swap3A_559], %shift_right_logical3A_556 {strides = array<i32>} : memref<4x128xi32, #tpu.memory_space<vmem>>, vector<16xi32>,
    %get3A_561 = arith.constant 3 : i32
    %get3A_562 = arith.index_cast %get3A_561 : i32 to index
    %get3A_563 = arith.constant 16 : index
    %get3A_564 = tpu.vector_load %arg10[%get3A_562, %get3A_563] {strides = array<i32>} : memref<4x128xi32, #tpu.memory_space<vmem>>, vector<16xi32>,
    %shift_right_logical3A_565 = arith.constant 2 : i32
    %shift_right_logical3A_566 = vector.broadcast %shift_right_logical3A_565 : i32 to vector<16xi32>
    %shift_right_logical3A_567 = arith.shrui %get3A_564, %shift_right_logical3A_566 : vector<16xi32>
    %swap3A_568 = arith.constant 3 : i32
    %swap3A_569 = arith.index_cast %swap3A_568 : i32 to index
    %swap3A_570 = arith.constant 16 : index
    %swap3A_571 = tpu.vector_load %arg12[%swap3A_569, %swap3A_570] {strides = array<i32>} : memref<4x128xi32, #tpu.memory_space<vmem>>, vector<16xi32>,
    tpu.vector_store %arg12[%swap3A_569, %swap3A_570], %shift_right_logical3A_567 {strides = array<i32>} : memref<4x128xi32, #tpu.memory_space<vmem>>, vector<16xi32>,
    %get3A_572 = arith.constant 3 : i32
    %get3A_573 = arith.index_cast %get3A_572 : i32 to index
    %get3A_574 = arith.constant 32 : index
    %get3A_575 = tpu.vector_load %arg9[%get3A_573, %get3A_574] {strides = array<i32>} : memref<4x128xi32, #tpu.memory_space<vmem>>, vector<16xi32>,
    %shift_right_logical3A_576 = arith.constant 2 : i32
    %shift_right_logical3A_577 = vector.broadcast %shift_right_logical3A_576 : i32 to vector<16xi32>
    %shift_right_logical3A_578 = arith.shrui %get3A_575, %shift_right_logical3A_577 : vector<16xi32>
    %swap3A_579 = arith.constant 3 : i32
    %swap3A_580 = arith.index_cast %swap3A_579 : i32 to index
    %swap3A_581 = arith.constant 32 : index
    %swap3A_582 = tpu.vector_load %arg11[%swap3A_580, %swap3A_581] {strides = array<i32>} : memref<4x128xi32, #tpu.memory_space<vmem>>, vector<16xi32>,
    tpu.vector_store %arg11[%swap3A_580, %swap3A_581], %shift_right_logical3A_578 {strides = array<i32>} : memref<4x128xi32, #tpu.memory_space<vmem>>, vector<16xi32>,
    %get3A_583 = arith.constant 3 : i32
    %get3A_584 = arith.index_cast %get3A_583 : i32 to index
    %get3A_585 = arith.constant 32 : index
    %get3A_586 = tpu.vector_load %arg10[%get3A_584, %get3A_585] {strides = array<i32>} : memref<4x128xi32, #tpu.memory_space<vmem>>, vector<16xi32>,
    %shift_right_logical3A_587 = arith.constant 2 : i32
    %shift_right_logical3A_588 = vector.broadcast %shift_right_logical3A_587 : i32 to vector<16xi32>
    %shift_right_logical3A_589 = arith.shrui %get3A_586, %shift_right_logical3A_588 : vector<16xi32>
    %swap3A_590 = arith.constant 3 : i32
    %swap3A_591 = arith.index_cast %swap3A_590 : i32 to index
    %swap3A_592 = arith.constant 32 : index
    %swap3A_593 = tpu.vector_load %arg12[%swap3A_591, %swap3A_592] {strides = array<i32>} : memref<4x128xi32, #tpu.memory_space<vmem>>, vector<16xi32>,
    tpu.vector_store %arg12[%swap3A_591, %swap3A_592], %shift_right_logical3A_589 {strides = array<i32>} : memref<4x128xi32, #tpu.memory_space<vmem>>, vector<16xi32>,
    %get3A_594 = arith.constant 3 : i32
    %get3A_595 = arith.index_cast %get3A_594 : i32 to index
    %get3A_596 = arith.constant 48 : index
    %get3A_597 = tpu.vector_load %arg9[%get3A_595, %get3A_596] {strides = array<i32>} : memref<4x128xi32, #tpu.memory_space<vmem>>, vector<16xi32>,
    %shift_right_logical3A_598 = arith.constant 2 : i32
    %shift_right_logical3A_599 = vector.broadcast %shift_right_logical3A_598 : i32 to vector<16xi32>
    %shift_right_logical3A_600 = arith.shrui %get3A_597, %shift_right_logical3A_599 : vector<16xi32>
    %swap3A_601 = arith.constant 3 : i32
    %swap3A_602 = arith.index_cast %swap3A_601 : i32 to index
    %swap3A_603 = arith.constant 48 : index
    %swap3A_604 = tpu.vector_load %arg11[%swap3A_602, %swap3A_603] {strides = array<i32>} : memref<4x128xi32, #tpu.memory_space<vmem>>, vector<16xi32>,
    tpu.vector_store %arg11[%swap3A_602, %swap3A_603], %shift_right_logical3A_600 {strides = array<i32>} : memref<4x128xi32, #tpu.memory_space<vmem>>, vector<16xi32>,
    %get3A_605 = arith.constant 3 : i32
    %get3A_606 = arith.index_cast %get3A_605 : i32 to index
    %get3A_607 = arith.constant 48 : index
    %get3A_608 = tpu.vector_load %arg10[%get3A_606, %get3A_607] {strides = array<i32>} : memref<4x128xi32, #tpu.memory_space<vmem>>, vector<16xi32>,
    %shift_right_logical3A_609 = arith.constant 2 : i32
    %shift_right_logical3A_610 = vector.broadcast %shift_right_logical3A_609 : i32 to vector<16xi32>
    %shift_right_logical3A_611 = arith.shrui %get3A_608, %shift_right_logical3A_610 : vector<16xi32>
    %swap3A_612 = arith.constant 3 : i32
    %swap3A_613 = arith.index_cast %swap3A_612 : i32 to index
    %swap3A_614 = arith.constant 48 : index
    %swap3A_615 = tpu.vector_load %arg12[%swap3A_613, %swap3A_614] {strides = array<i32>} : memref<4x128xi32, #tpu.memory_space<vmem>>, vector<16xi32>,
    tpu.vector_store %arg12[%swap3A_613, %swap3A_614], %shift_right_logical3A_611 {strides = array<i32>} : memref<4x128xi32, #tpu.memory_space<vmem>>, vector<16xi32>,
    %get3A_616 = arith.constant 3 : i32
    %get3A_617 = arith.index_cast %get3A_616 : i32 to index
    %get3A_618 = arith.constant 64 : index
    %get3A_619 = tpu.vector_load %arg9[%get3A_617, %get3A_618] {strides = array<i32>} : memref<4x128xi32, #tpu.memory_space<vmem>>, vector<16xi32>,
    %shift_right_logical3A_620 = arith.constant 2 : i32
    %shift_right_logical3A_621 = vector.broadcast %shift_right_logical3A_620 : i32 to vector<16xi32>
    %shift_right_logical3A_622 = arith.shrui %get3A_619, %shift_right_logical3A_621 : vector<16xi32>
    %swap3A_623 = arith.constant 3 : i32
    %swap3A_624 = arith.index_cast %swap3A_623 : i32 to index
    %swap3A_625 = arith.constant 64 : index
    %swap3A_626 = tpu.vector_load %arg11[%swap3A_624, %swap3A_625] {strides = array<i32>} : memref<4x128xi32, #tpu.memory_space<vmem>>, vector<16xi32>,
    tpu.vector_store %arg11[%swap3A_624, %swap3A_625], %shift_right_logical3A_622 {strides = array<i32>} : memref<4x128xi32, #tpu.memory_space<vmem>>, vector<16xi32>,
    %get3A_627 = arith.constant 3 : i32
    %get3A_628 = arith.index_cast %get3A_627 : i32 to index
    %get3A_629 = arith.constant 64 : index
    %get3A_630 = tpu.vector_load %arg10[%get3A_628, %get3A_629] {strides = array<i32>} : memref<4x128xi32, #tpu.memory_space<vmem>>, vector<16xi32>,
    %shift_right_logical3A_631 = arith.constant 2 : i32
    %shift_right_logical3A_632 = vector.broadcast %shift_right_logical3A_631 : i32 to vector<16xi32>
    %shift_right_logical3A_633 = arith.shrui %get3A_630, %shift_right_logical3A_632 : vector<16xi32>
    %swap3A_634 = arith.constant 3 : i32
    %swap3A_635 = arith.index_cast %swap3A_634 : i32 to index
    %swap3A_636 = arith.constant 64 : index
    %swap3A_637 = tpu.vector_load %arg12[%swap3A_635, %swap3A_636] {strides = array<i32>} : memref<4x128xi32, #tpu.memory_space<vmem>>, vector<16xi32>,
    tpu.vector_store %arg12[%swap3A_635, %swap3A_636], %shift_right_logical3A_633 {strides = array<i32>} : memref<4x128xi32, #tpu.memory_space<vmem>>, vector<16xi32>,
    %get3A_638 = arith.constant 3 : i32
    %get3A_639 = arith.index_cast %get3A_638 : i32 to index
    %get3A_640 = arith.constant 80 : index
    %get3A_641 = tpu.vector_load %arg9[%get3A_639, %get3A_640] {strides = array<i32>} : memref<4x128xi32, #tpu.memory_space<vmem>>, vector<16xi32>,
    %shift_right_logical3A_642 = arith.constant 2 : i32
    %shift_right_logical3A_643 = vector.broadcast %shift_right_logical3A_642 : i32 to vector<16xi32>
    %shift_right_logical3A_644 = arith.shrui %get3A_641, %shift_right_logical3A_643 : vector<16xi32>
    %swap3A_645 = arith.constant 3 : i32
    %swap3A_646 = arith.index_cast %swap3A_645 : i32 to index
    %swap3A_647 = arith.constant 80 : index
    %swap3A_648 = tpu.vector_load %arg11[%swap3A_646, %swap3A_647] {strides = array<i32>} : memref<4x128xi32, #tpu.memory_space<vmem>>, vector<16xi32>,
    tpu.vector_store %arg11[%swap3A_646, %swap3A_647], %shift_right_logical3A_644 {strides = array<i32>} : memref<4x128xi32, #tpu.memory_space<vmem>>, vector<16xi32>,
    %get3A_649 = arith.constant 3 : i32
    %get3A_650 = arith.index_cast %get3A_649 : i32 to index
    %get3A_651 = arith.constant 80 : index
    %get3A_652 = tpu.vector_load %arg10[%get3A_650, %get3A_651] {strides = array<i32>} : memref<4x128xi32, #tpu.memory_space<vmem>>, vector<16xi32>,
    %shift_right_logical3A_653 = arith.constant 2 : i32
    %shift_right_logical3A_654 = vector.broadcast %shift_right_logical3A_653 : i32 to vector<16xi32>
    %shift_right_logical3A_655 = arith.shrui %get3A_652, %shift_right_logical3A_654 : vector<16xi32>
    %swap3A_656 = arith.constant 3 : i32
    %swap3A_657 = arith.index_cast %swap3A_656 : i32 to index
    %swap3A_658 = arith.constant 80 : index
    %swap3A_659 = tpu.vector_load %arg12[%swap3A_657, %swap3A_658] {strides = array<i32>} : memref<4x128xi32, #tpu.memory_space<vmem>>, vector<16xi32>,
    tpu.vector_store %arg12[%swap3A_657, %swap3A_658], %shift_right_logical3A_655 {strides = array<i32>} : memref<4x128xi32, #tpu.memory_space<vmem>>, vector<16xi32>,
    %get3A_660 = arith.constant 3 : i32
    %get3A_661 = arith.index_cast %get3A_660 : i32 to index
    %get3A_662 = arith.constant 96 : index
    %get3A_663 = tpu.vector_load %arg9[%get3A_661, %get3A_662] {strides = array<i32>} : memref<4x128xi32, #tpu.memory_space<vmem>>, vector<16xi32>,
    %shift_right_logical3A_664 = arith.constant 2 : i32
    %shift_right_logical3A_665 = vector.broadcast %shift_right_logical3A_664 : i32 to vector<16xi32>
    %shift_right_logical3A_666 = arith.shrui %get3A_663, %shift_right_logical3A_665 : vector<16xi32>
    %swap3A_667 = arith.constant 3 : i32
    %swap3A_668 = arith.index_cast %swap3A_667 : i32 to index
    %swap3A_669 = arith.constant 96 : index
    %swap3A_670 = tpu.vector_load %arg11[%swap3A_668, %swap3A_669] {strides = array<i32>} : memref<4x128xi32, #tpu.memory_space<vmem>>, vector<16xi32>,
    tpu.vector_store %arg11[%swap3A_668, %swap3A_669], %shift_right_logical3A_666 {strides = array<i32>} : memref<4x128xi32, #tpu.memory_space<vmem>>, vector<16xi32>,
    %get3A_671 = arith.constant 3 : i32
    %get3A_672 = arith.index_cast %get3A_671 : i32 to index
    %get3A_673 = arith.constant 96 : index
    %get3A_674 = tpu.vector_load %arg10[%get3A_672, %get3A_673] {strides = array<i32>} : memref<4x128xi32, #tpu.memory_space<vmem>>, vector<16xi32>,
    %shift_right_logical3A_675 = arith.constant 2 : i32
    %shift_right_logical3A_676 = vector.broadcast %shift_right_logical3A_675 : i32 to vector<16xi32>
    %shift_right_logical3A_677 = arith.shrui %get3A_674, %shift_right_logical3A_676 : vector<16xi32>
    %swap3A_678 = arith.constant 3 : i32
    %swap3A_679 = arith.index_cast %swap3A_678 : i32 to index
    %swap3A_680 = arith.constant 96 : index
    %swap3A_681 = tpu.vector_load %arg12[%swap3A_679, %swap3A_680] {strides = array<i32>} : memref<4x128xi32, #tpu.memory_space<vmem>>, vector<16xi32>,
    tpu.vector_store %arg12[%swap3A_679, %swap3A_680], %shift_right_logical3A_677 {strides = array<i32>} : memref<4x128xi32, #tpu.memory_space<vmem>>, vector<16xi32>,
    %get3A_682 = arith.constant 3 : i32
    %get3A_683 = arith.index_cast %get3A_682 : i32 to index
    %get3A_684 = arith.constant 112 : index
    %get3A_685 = tpu.vector_load %arg9[%get3A_683, %get3A_684] {strides = array<i32>} : memref<4x128xi32, #tpu.memory_space<vmem>>, vector<16xi32>,
    %shift_right_logical3A_686 = arith.constant 2 : i32
    %shift_right_logical3A_687 = vector.broadcast %shift_right_logical3A_686 : i32 to vector<16xi32>
    %shift_right_logical3A_688 = arith.shrui %get3A_685, %shift_right_logical3A_687 : vector<16xi32>
    %swap3A_689 = arith.constant 3 : i32
    %swap3A_690 = arith.index_cast %swap3A_689 : i32 to index
    %swap3A_691 = arith.constant 112 : index
    %swap3A_692 = tpu.vector_load %arg11[%swap3A_690, %swap3A_691] {strides = array<i32>} : memref<4x128xi32, #tpu.memory_space<vmem>>, vector<16xi32>,
    tpu.vector_store %arg11[%swap3A_690, %swap3A_691], %shift_right_logical3A_688 {strides = array<i32>} : memref<4x128xi32, #tpu.memory_space<vmem>>, vector<16xi32>,
    %get3A_693 = arith.constant 3 : i32
    %get3A_694 = arith.index_cast %get3A_693 : i32 to index
    %get3A_695 = arith.constant 112 : index
    %get3A_696 = tpu.vector_load %arg10[%get3A_694, %get3A_695] {strides = array<i32>} : memref<4x128xi32, #tpu.memory_space<vmem>>, vector<16xi32>,
    %shift_right_logical3A_697 = arith.constant 2 : i32
    %shift_right_logical3A_698 = vector.broadcast %shift_right_logical3A_697 : i32 to vector<16xi32>
    %shift_right_logical3A_699 = arith.shrui %get3A_696, %shift_right_logical3A_698 : vector<16xi32>
    %swap3A_700 = arith.constant 3 : i32
    %swap3A_701 = arith.index_cast %swap3A_700 : i32 to index
    %swap3A_702 = arith.constant 112 : index
    %swap3A_703 = tpu.vector_load %arg12[%swap3A_701, %swap3A_702] {strides = array<i32>} : memref<4x128xi32, #tpu.memory_space<vmem>>, vector<16xi32>,
    tpu.vector_store %arg12[%swap3A_701, %swap3A_702], %shift_right_logical3A_699 {strides = array<i32>} : memref<4x128xi32, #tpu.memory_space<vmem>>, vector<16xi32>,
    %dma_start3A = arith.constant 0 : i32
    %dma_start3A_704 = arith.constant 0 : i32
    %dma_start3A_705 = tpu.memref_slice %arg15[%dma_start3A_704] : memref<512xf32, #tpu.memory_space<vmem>> -> memref<128xf32, #tpu.memory_space<vmem>>
    %dma_start3A_706 = arith.constant 0 : i32
    %dma_start3A_707 = tpu.memref_slice %arg9[%dma_start3A, %dma_start3A_706] : memref<4x128xi32, #tpu.memory_space<vmem>> -> memref<1x128xi32, #tpu.memory_space<vmem>>
    %dma_start3A_708 = tpu.memref_squeeze %dma_start3A_707 : memref<1x128xi32, #tpu.memory_space<vmem>> -> memref<128xi32, #tpu.memory_space<vmem>>
    %dma_start3A_709 = arith.constant 0 : i32
    %dma_start3A_710 = tpu.memref_slice %arg6[%dma_start3A_709] : memref<1000000xf32, #tpu.memory_space<hbm>> -> memref<1000000xf32, #tpu.memory_space<hbm>>
    tpu.enqueue_indirect_dma source(%dma_start3A_710 : memref<1000000xf32, #tpu.memory_space<hbm>>) target(%dma_start3A_705 : memref<128xf32, #tpu.memory_space<vmem>>) offsets(%dma_start3A_708 : memref<128xi32, #tpu.memory_space<vmem>>) semaphore(%arg20 : memref<!tpu.dma_semaphore, #tpu.memory_space<semaphore_mem>>)
    %dma_start3A_711 = arith.constant 0 : i32
    %dma_start3A_712 = arith.constant 0 : i32
    %dma_start3A_713 = tpu.memref_slice %arg16[%dma_start3A_712] : memref<512xf32, #tpu.memory_space<vmem>> -> memref<128xf32, #tpu.memory_space<vmem>>
    %dma_start3A_714 = arith.constant 0 : i32
    %dma_start3A_715 = tpu.memref_slice %arg10[%dma_start3A_711, %dma_start3A_714] : memref<4x128xi32, #tpu.memory_space<vmem>> -> memref<1x128xi32, #tpu.memory_space<vmem>>
    %dma_start3A_716 = tpu.memref_squeeze %dma_start3A_715 : memref<1x128xi32, #tpu.memory_space<vmem>> -> memref<128xi32, #tpu.memory_space<vmem>>
    %dma_start3A_717 = arith.constant 0 : i32
    %dma_start3A_718 = tpu.memref_slice %arg7[%dma_start3A_717] : memref<1000000xf32, #tpu.memory_space<hbm>> -> memref<1000000xf32, #tpu.memory_space<hbm>>
    tpu.enqueue_indirect_dma source(%dma_start3A_718 : memref<1000000xf32, #tpu.memory_space<hbm>>) target(%dma_start3A_713 : memref<128xf32, #tpu.memory_space<vmem>>) offsets(%dma_start3A_716 : memref<128xi32, #tpu.memory_space<vmem>>) semaphore(%arg21 : memref<!tpu.dma_semaphore, #tpu.memory_space<semaphore_mem>>)
    %dma_start3A_719 = arith.constant 1 : i32
    %dma_start3A_720 = arith.constant 128 : i32
    %dma_start3A_721 = tpu.memref_slice %arg15[%dma_start3A_720] : memref<512xf32, #tpu.memory_space<vmem>> -> memref<128xf32, #tpu.memory_space<vmem>>
    %dma_start3A_722 = arith.constant 0 : i32
    %dma_start3A_723 = tpu.memref_slice %arg9[%dma_start3A_719, %dma_start3A_722] : memref<4x128xi32, #tpu.memory_space<vmem>> -> memref<1x128xi32, #tpu.memory_space<vmem>>
    %dma_start3A_724 = tpu.memref_squeeze %dma_start3A_723 : memref<1x128xi32, #tpu.memory_space<vmem>> -> memref<128xi32, #tpu.memory_space<vmem>>
    %dma_start3A_725 = arith.constant 0 : i32
    %dma_start3A_726 = tpu.memref_slice %arg6[%dma_start3A_725] : memref<1000000xf32, #tpu.memory_space<hbm>> -> memref<1000000xf32, #tpu.memory_space<hbm>>
    tpu.enqueue_indirect_dma source(%dma_start3A_726 : memref<1000000xf32, #tpu.memory_space<hbm>>) target(%dma_start3A_721 : memref<128xf32, #tpu.memory_space<vmem>>) offsets(%dma_start3A_724 : memref<128xi32, #tpu.memory_space<vmem>>) semaphore(%arg20 : memref<!tpu.dma_semaphore, #tpu.memory_space<semaphore_mem>>)
    %dma_start3A_727 = arith.constant 1 : i32
    %dma_start3A_728 = arith.constant 128 : i32
    %dma_start3A_729 = tpu.memref_slice %arg16[%dma_start3A_728] : memref<512xf32, #tpu.memory_space<vmem>> -> memref<128xf32, #tpu.memory_space<vmem>>
    %dma_start3A_730 = arith.constant 0 : i32
    %dma_start3A_731 = tpu.memref_slice %arg10[%dma_start3A_727, %dma_start3A_730] : memref<4x128xi32, #tpu.memory_space<vmem>> -> memref<1x128xi32, #tpu.memory_space<vmem>>
    %dma_start3A_732 = tpu.memref_squeeze %dma_start3A_731 : memref<1x128xi32, #tpu.memory_space<vmem>> -> memref<128xi32, #tpu.memory_space<vmem>>
    %dma_start3A_733 = arith.constant 0 : i32
    %dma_start3A_734 = tpu.memref_slice %arg7[%dma_start3A_733] : memref<1000000xf32, #tpu.memory_space<hbm>> -> memref<1000000xf32, #tpu.memory_space<hbm>>
    tpu.enqueue_indirect_dma source(%dma_start3A_734 : memref<1000000xf32, #tpu.memory_space<hbm>>) target(%dma_start3A_729 : memref<128xf32, #tpu.memory_space<vmem>>) offsets(%dma_start3A_732 : memref<128xi32, #tpu.memory_space<vmem>>) semaphore(%arg21 : memref<!tpu.dma_semaphore, #tpu.memory_space<semaphore_mem>>)
    %dma_start3A_735 = arith.constant 2 : i32
    %dma_start3A_736 = arith.constant 256 : i32
    %dma_start3A_737 = tpu.memref_slice %arg15[%dma_start3A_736] : memref<512xf32, #tpu.memory_space<vmem>> -> memref<128xf32, #tpu.memory_space<vmem>>
    %dma_start3A_738 = arith.constant 0 : i32
    %dma_start3A_739 = tpu.memref_slice %arg9[%dma_start3A_735, %dma_start3A_738] : memref<4x128xi32, #tpu.memory_space<vmem>> -> memref<1x128xi32, #tpu.memory_space<vmem>>
    %dma_start3A_740 = tpu.memref_squeeze %dma_start3A_739 : memref<1x128xi32, #tpu.memory_space<vmem>> -> memref<128xi32, #tpu.memory_space<vmem>>
    %dma_start3A_741 = arith.constant 0 : i32
    %dma_start3A_742 = tpu.memref_slice %arg6[%dma_start3A_741] : memref<1000000xf32, #tpu.memory_space<hbm>> -> memref<1000000xf32, #tpu.memory_space<hbm>>
    tpu.enqueue_indirect_dma source(%dma_start3A_742 : memref<1000000xf32, #tpu.memory_space<hbm>>) target(%dma_start3A_737 : memref<128xf32, #tpu.memory_space<vmem>>) offsets(%dma_start3A_740 : memref<128xi32, #tpu.memory_space<vmem>>) semaphore(%arg20 : memref<!tpu.dma_semaphore, #tpu.memory_space<semaphore_mem>>)
    %dma_start3A_743 = arith.constant 2 : i32
    %dma_start3A_744 = arith.constant 256 : i32
    %dma_start3A_745 = tpu.memref_slice %arg16[%dma_start3A_744] : memref<512xf32, #tpu.memory_space<vmem>> -> memref<128xf32, #tpu.memory_space<vmem>>
    %dma_start3A_746 = arith.constant 0 : i32
    %dma_start3A_747 = tpu.memref_slice %arg10[%dma_start3A_743, %dma_start3A_746] : memref<4x128xi32, #tpu.memory_space<vmem>> -> memref<1x128xi32, #tpu.memory_space<vmem>>
    %dma_start3A_748 = tpu.memref_squeeze %dma_start3A_747 : memref<1x128xi32, #tpu.memory_space<vmem>> -> memref<128xi32, #tpu.memory_space<vmem>>
    %dma_start3A_749 = arith.constant 0 : i32
    %dma_start3A_750 = tpu.memref_slice %arg7[%dma_start3A_749] : memref<1000000xf32, #tpu.memory_space<hbm>> -> memref<1000000xf32, #tpu.memory_space<hbm>>
    tpu.enqueue_indirect_dma source(%dma_start3A_750 : memref<1000000xf32, #tpu.memory_space<hbm>>) target(%dma_start3A_745 : memref<128xf32, #tpu.memory_space<vmem>>) offsets(%dma_start3A_748 : memref<128xi32, #tpu.memory_space<vmem>>) semaphore(%arg21 : memref<!tpu.dma_semaphore, #tpu.memory_space<semaphore_mem>>)
    %dma_start3A_751 = arith.constant 3 : i32
    %dma_start3A_752 = arith.constant 384 : i32
    %dma_start3A_753 = tpu.memref_slice %arg15[%dma_start3A_752] : memref<512xf32, #tpu.memory_space<vmem>> -> memref<128xf32, #tpu.memory_space<vmem>>
    %dma_start3A_754 = arith.constant 0 : i32
    %dma_start3A_755 = tpu.memref_slice %arg9[%dma_start3A_751, %dma_start3A_754] : memref<4x128xi32, #tpu.memory_space<vmem>> -> memref<1x128xi32, #tpu.memory_space<vmem>>
    %dma_start3A_756 = tpu.memref_squeeze %dma_start3A_755 : memref<1x128xi32, #tpu.memory_space<vmem>> -> memref<128xi32, #tpu.memory_space<vmem>>
    %dma_start3A_757 = arith.constant 0 : i32
    %dma_start3A_758 = tpu.memref_slice %arg6[%dma_start3A_757] : memref<1000000xf32, #tpu.memory_space<hbm>> -> memref<1000000xf32, #tpu.memory_space<hbm>>
    tpu.enqueue_indirect_dma source(%dma_start3A_758 : memref<1000000xf32, #tpu.memory_space<hbm>>) target(%dma_start3A_753 : memref<128xf32, #tpu.memory_space<vmem>>) offsets(%dma_start3A_756 : memref<128xi32, #tpu.memory_space<vmem>>) semaphore(%arg20 : memref<!tpu.dma_semaphore, #tpu.memory_space<semaphore_mem>>)
    %dma_start3A_759 = arith.constant 3 : i32
    %dma_start3A_760 = arith.constant 384 : i32
    %dma_start3A_761 = tpu.memref_slice %arg16[%dma_start3A_760] : memref<512xf32, #tpu.memory_space<vmem>> -> memref<128xf32, #tpu.memory_space<vmem>>
    %dma_start3A_762 = arith.constant 0 : i32
    %dma_start3A_763 = tpu.memref_slice %arg10[%dma_start3A_759, %dma_start3A_762] : memref<4x128xi32, #tpu.memory_space<vmem>> -> memref<1x128xi32, #tpu.memory_space<vmem>>
    %dma_start3A_764 = tpu.memref_squeeze %dma_start3A_763 : memref<1x128xi32, #tpu.memory_space<vmem>> -> memref<128xi32, #tpu.memory_space<vmem>>
    %dma_start3A_765 = arith.constant 0 : i32
    %dma_start3A_766 = tpu.memref_slice %arg7[%dma_start3A_765] : memref<1000000xf32, #tpu.memory_space<hbm>> -> memref<1000000xf32, #tpu.memory_space<hbm>>
    tpu.enqueue_indirect_dma source(%dma_start3A_766 : memref<1000000xf32, #tpu.memory_space<hbm>>) target(%dma_start3A_761 : memref<128xf32, #tpu.memory_space<vmem>>) offsets(%dma_start3A_764 : memref<128xi32, #tpu.memory_space<vmem>>) semaphore(%arg21 : memref<!tpu.dma_semaphore, #tpu.memory_space<semaphore_mem>>)
    %iota3A = tpu.iota {dimensions = array<i32: 0>} : vector<16xi32>
    %dma_wait3A = arith.constant 0 : i32
    %dma_wait3A_767 = arith.constant 0 : i32
    %dma_wait3A_768 = tpu.memref_slice %arg15[%dma_wait3A_767] : memref<512xf32, #tpu.memory_space<vmem>> -> memref<128xf32, #tpu.memory_space<vmem>>
    %dma_wait3A_769 = arith.constant 0 : i32
    %dma_wait3A_770 = tpu.memref_slice %arg9[%dma_wait3A, %dma_wait3A_769] : memref<4x128xi32, #tpu.memory_space<vmem>> -> memref<1x128xi32, #tpu.memory_space<vmem>>
    %dma_wait3A_771 = tpu.memref_squeeze %dma_wait3A_770 : memref<1x128xi32, #tpu.memory_space<vmem>> -> memref<128xi32, #tpu.memory_space<vmem>>
    %dma_wait3A_772 = arith.constant 0 : i32
    %dma_wait3A_773 = tpu.memref_slice %arg6[%dma_wait3A_772] : memref<1000000xf32, #tpu.memory_space<hbm>> -> memref<1000000xf32, #tpu.memory_space<hbm>>
    tpu.wait_indirect_dma semaphore(%arg20 : memref<!tpu.dma_semaphore, #tpu.memory_space<semaphore_mem>>) src(%dma_wait3A_773 : memref<1000000xf32, #tpu.memory_space<hbm>>) dst(%dma_wait3A_768 : memref<128xf32, #tpu.memory_space<vmem>>)
    %dma_wait3A_774 = arith.constant 0 : i32
    %dma_wait3A_775 = arith.constant 0 : i32
    %dma_wait3A_776 = tpu.memref_slice %arg16[%dma_wait3A_775] : memref<512xf32, #tpu.memory_space<vmem>> -> memref<128xf32, #tpu.memory_space<vmem>>
    %dma_wait3A_777 = arith.constant 0 : i32
    %dma_wait3A_778 = tpu.memref_slice %arg10[%dma_wait3A_774, %dma_wait3A_777] : memref<4x128xi32, #tpu.memory_space<vmem>> -> memref<1x128xi32, #tpu.memory_space<vmem>>
    %dma_wait3A_779 = tpu.memref_squeeze %dma_wait3A_778 : memref<1x128xi32, #tpu.memory_space<vmem>> -> memref<128xi32, #tpu.memory_space<vmem>>
    %dma_wait3A_780 = arith.constant 0 : i32
    %dma_wait3A_781 = tpu.memref_slice %arg7[%dma_wait3A_780] : memref<1000000xf32, #tpu.memory_space<hbm>> -> memref<1000000xf32, #tpu.memory_space<hbm>>
    tpu.wait_indirect_dma semaphore(%arg21 : memref<!tpu.dma_semaphore, #tpu.memory_space<semaphore_mem>>) src(%dma_wait3A_781 : memref<1000000xf32, #tpu.memory_space<hbm>>) dst(%dma_wait3A_776 : memref<128xf32, #tpu.memory_space<vmem>>)
    %dma_wait3A_782 = arith.constant 1 : i32
    %dma_wait3A_783 = arith.constant 128 : i32
    %dma_wait3A_784 = tpu.memref_slice %arg15[%dma_wait3A_783] : memref<512xf32, #tpu.memory_space<vmem>> -> memref<128xf32, #tpu.memory_space<vmem>>
    %dma_wait3A_785 = arith.constant 0 : i32
    %dma_wait3A_786 = tpu.memref_slice %arg9[%dma_wait3A_782, %dma_wait3A_785] : memref<4x128xi32, #tpu.memory_space<vmem>> -> memref<1x128xi32, #tpu.memory_space<vmem>>
    %dma_wait3A_787 = tpu.memref_squeeze %dma_wait3A_786 : memref<1x128xi32, #tpu.memory_space<vmem>> -> memref<128xi32, #tpu.memory_space<vmem>>
    %dma_wait3A_788 = arith.constant 0 : i32
    %dma_wait3A_789 = tpu.memref_slice %arg6[%dma_wait3A_788] : memref<1000000xf32, #tpu.memory_space<hbm>> -> memref<1000000xf32, #tpu.memory_space<hbm>>
    tpu.wait_indirect_dma semaphore(%arg20 : memref<!tpu.dma_semaphore, #tpu.memory_space<semaphore_mem>>) src(%dma_wait3A_789 : memref<1000000xf32, #tpu.memory_space<hbm>>) dst(%dma_wait3A_784 : memref<128xf32, #tpu.memory_space<vmem>>)
    %dma_wait3A_790 = arith.constant 1 : i32
    %dma_wait3A_791 = arith.constant 128 : i32
    %dma_wait3A_792 = tpu.memref_slice %arg16[%dma_wait3A_791] : memref<512xf32, #tpu.memory_space<vmem>> -> memref<128xf32, #tpu.memory_space<vmem>>
    %dma_wait3A_793 = arith.constant 0 : i32
    %dma_wait3A_794 = tpu.memref_slice %arg10[%dma_wait3A_790, %dma_wait3A_793] : memref<4x128xi32, #tpu.memory_space<vmem>> -> memref<1x128xi32, #tpu.memory_space<vmem>>
    %dma_wait3A_795 = tpu.memref_squeeze %dma_wait3A_794 : memref<1x128xi32, #tpu.memory_space<vmem>> -> memref<128xi32, #tpu.memory_space<vmem>>
    %dma_wait3A_796 = arith.constant 0 : i32
    %dma_wait3A_797 = tpu.memref_slice %arg7[%dma_wait3A_796] : memref<1000000xf32, #tpu.memory_space<hbm>> -> memref<1000000xf32, #tpu.memory_space<hbm>>
    tpu.wait_indirect_dma semaphore(%arg21 : memref<!tpu.dma_semaphore, #tpu.memory_space<semaphore_mem>>) src(%dma_wait3A_797 : memref<1000000xf32, #tpu.memory_space<hbm>>) dst(%dma_wait3A_792 : memref<128xf32, #tpu.memory_space<vmem>>)
    %dma_wait3A_798 = arith.constant 2 : i32
    %dma_wait3A_799 = arith.constant 256 : i32
    %dma_wait3A_800 = tpu.memref_slice %arg15[%dma_wait3A_799] : memref<512xf32, #tpu.memory_space<vmem>> -> memref<128xf32, #tpu.memory_space<vmem>>
    %dma_wait3A_801 = arith.constant 0 : i32
    %dma_wait3A_802 = tpu.memref_slice %arg9[%dma_wait3A_798, %dma_wait3A_801] : memref<4x128xi32, #tpu.memory_space<vmem>> -> memref<1x128xi32, #tpu.memory_space<vmem>>
    %dma_wait3A_803 = tpu.memref_squeeze %dma_wait3A_802 : memref<1x128xi32, #tpu.memory_space<vmem>> -> memref<128xi32, #tpu.memory_space<vmem>>
    %dma_wait3A_804 = arith.constant 0 : i32
    %dma_wait3A_805 = tpu.memref_slice %arg6[%dma_wait3A_804] : memref<1000000xf32, #tpu.memory_space<hbm>> -> memref<1000000xf32, #tpu.memory_space<hbm>>
    tpu.wait_indirect_dma semaphore(%arg20 : memref<!tpu.dma_semaphore, #tpu.memory_space<semaphore_mem>>) src(%dma_wait3A_805 : memref<1000000xf32, #tpu.memory_space<hbm>>) dst(%dma_wait3A_800 : memref<128xf32, #tpu.memory_space<vmem>>)
    %dma_wait3A_806 = arith.constant 2 : i32
    %dma_wait3A_807 = arith.constant 256 : i32
    %dma_wait3A_808 = tpu.memref_slice %arg16[%dma_wait3A_807] : memref<512xf32, #tpu.memory_space<vmem>> -> memref<128xf32, #tpu.memory_space<vmem>>
    %dma_wait3A_809 = arith.constant 0 : i32
    %dma_wait3A_810 = tpu.memref_slice %arg10[%dma_wait3A_806, %dma_wait3A_809] : memref<4x128xi32, #tpu.memory_space<vmem>> -> memref<1x128xi32, #tpu.memory_space<vmem>>
    %dma_wait3A_811 = tpu.memref_squeeze %dma_wait3A_810 : memref<1x128xi32, #tpu.memory_space<vmem>> -> memref<128xi32, #tpu.memory_space<vmem>>
    %dma_wait3A_812 = arith.constant 0 : i32
    %dma_wait3A_813 = tpu.memref_slice %arg7[%dma_wait3A_812] : memref<1000000xf32, #tpu.memory_space<hbm>> -> memref<1000000xf32, #tpu.memory_space<hbm>>
    tpu.wait_indirect_dma semaphore(%arg21 : memref<!tpu.dma_semaphore, #tpu.memory_space<semaphore_mem>>) src(%dma_wait3A_813 : memref<1000000xf32, #tpu.memory_space<hbm>>) dst(%dma_wait3A_808 : memref<128xf32, #tpu.memory_space<vmem>>)
    %dma_wait3A_814 = arith.constant 3 : i32
    %dma_wait3A_815 = arith.constant 384 : i32
    %dma_wait3A_816 = tpu.memref_slice %arg15[%dma_wait3A_815] : memref<512xf32, #tpu.memory_space<vmem>> -> memref<128xf32, #tpu.memory_space<vmem>>
    %dma_wait3A_817 = arith.constant 0 : i32
    %dma_wait3A_818 = tpu.memref_slice %arg9[%dma_wait3A_814, %dma_wait3A_817] : memref<4x128xi32, #tpu.memory_space<vmem>> -> memref<1x128xi32, #tpu.memory_space<vmem>>
    %dma_wait3A_819 = tpu.memref_squeeze %dma_wait3A_818 : memref<1x128xi32, #tpu.memory_space<vmem>> -> memref<128xi32, #tpu.memory_space<vmem>>
    %dma_wait3A_820 = arith.constant 0 : i32
    %dma_wait3A_821 = tpu.memref_slice %arg6[%dma_wait3A_820] : memref<1000000xf32, #tpu.memory_space<hbm>> -> memref<1000000xf32, #tpu.memory_space<hbm>>
    tpu.wait_indirect_dma semaphore(%arg20 : memref<!tpu.dma_semaphore, #tpu.memory_space<semaphore_mem>>) src(%dma_wait3A_821 : memref<1000000xf32, #tpu.memory_space<hbm>>) dst(%dma_wait3A_816 : memref<128xf32, #tpu.memory_space<vmem>>)
    %dma_wait3A_822 = arith.constant 3 : i32
    %dma_wait3A_823 = arith.constant 384 : i32
    %dma_wait3A_824 = tpu.memref_slice %arg16[%dma_wait3A_823] : memref<512xf32, #tpu.memory_space<vmem>> -> memref<128xf32, #tpu.memory_space<vmem>>
    %dma_wait3A_825 = arith.constant 0 : i32
    %dma_wait3A_826 = tpu.memref_slice %arg10[%dma_wait3A_822, %dma_wait3A_825] : memref<4x128xi32, #tpu.memory_space<vmem>> -> memref<1x128xi32, #tpu.memory_space<vmem>>
    %dma_wait3A_827 = tpu.memref_squeeze %dma_wait3A_826 : memref<1x128xi32, #tpu.memory_space<vmem>> -> memref<128xi32, #tpu.memory_space<vmem>>
    %dma_wait3A_828 = arith.constant 0 : i32
    %dma_wait3A_829 = tpu.memref_slice %arg7[%dma_wait3A_828] : memref<1000000xf32, #tpu.memory_space<hbm>> -> memref<1000000xf32, #tpu.memory_space<hbm>>
    tpu.wait_indirect_dma semaphore(%arg21 : memref<!tpu.dma_semaphore, #tpu.memory_space<semaphore_mem>>) src(%dma_wait3A_829 : memref<1000000xf32, #tpu.memory_space<hbm>>) dst(%dma_wait3A_824 : memref<128xf32, #tpu.memory_space<vmem>>)
    %dma_start3A_830 = arith.constant 0 : i32
    %dma_start3A_831 = arith.constant 0 : i32
    %dma_start3A_832 = arith.constant 0 : i32
    %dma_start3A_833 = tpu.memref_slice %arg13[%dma_start3A_831, %dma_start3A_832] : memref<256x128xf32, #tpu.memory_space<vmem>> -> memref<128x128xf32, #tpu.memory_space<vmem>>
    %dma_start3A_834 = arith.constant 0 : i32
    %dma_start3A_835 = tpu.memref_slice %arg11[%dma_start3A_830, %dma_start3A_834] : memref<4x128xi32, #tpu.memory_space<vmem>> -> memref<1x128xi32, #tpu.memory_space<vmem>>
    %dma_start3A_836 = tpu.memref_squeeze %dma_start3A_835 : memref<1x128xi32, #tpu.memory_space<vmem>> -> memref<128xi32, #tpu.memory_space<vmem>>
    %dma_start3A_837 = arith.constant 0 : i32
    %dma_start3A_838 = arith.constant 0 : i32
    %dma_start3A_839 = tpu.memref_slice %arg4[%dma_start3A_837, %dma_start3A_838] : memref<250000x128xf32, #tpu.memory_space<hbm>> -> memref<250000x128xf32, #tpu.memory_space<hbm>>
    tpu.enqueue_indirect_dma source(%dma_start3A_839 : memref<250000x128xf32, #tpu.memory_space<hbm>>) target(%dma_start3A_833 : memref<128x128xf32, #tpu.memory_space<vmem>>) offsets(%dma_start3A_836 : memref<128xi32, #tpu.memory_space<vmem>>) semaphore(%arg18 : memref<!tpu.dma_semaphore, #tpu.memory_space<semaphore_mem>>)
    %dma_start3A_840 = arith.constant 0 : i32
    %dma_start3A_841 = arith.constant 0 : i32
    %dma_start3A_842 = arith.constant 0 : i32
    %dma_start3A_843 = tpu.memref_slice %arg14[%dma_start3A_841, %dma_start3A_842] : memref<256x128xf32, #tpu.memory_space<vmem>> -> memref<128x128xf32, #tpu.memory_space<vmem>>
    %dma_start3A_844 = arith.constant 0 : i32
    %dma_start3A_845 = tpu.memref_slice %arg12[%dma_start3A_840, %dma_start3A_844] : memref<4x128xi32, #tpu.memory_space<vmem>> -> memref<1x128xi32, #tpu.memory_space<vmem>>
    %dma_start3A_846 = tpu.memref_squeeze %dma_start3A_845 : memref<1x128xi32, #tpu.memory_space<vmem>> -> memref<128xi32, #tpu.memory_space<vmem>>
    %dma_start3A_847 = arith.constant 0 : i32
    %dma_start3A_848 = arith.constant 0 : i32
    %dma_start3A_849 = tpu.memref_slice %arg5[%dma_start3A_847, %dma_start3A_848] : memref<250000x128xf32, #tpu.memory_space<hbm>> -> memref<250000x128xf32, #tpu.memory_space<hbm>>
    tpu.enqueue_indirect_dma source(%dma_start3A_849 : memref<250000x128xf32, #tpu.memory_space<hbm>>) target(%dma_start3A_843 : memref<128x128xf32, #tpu.memory_space<vmem>>) offsets(%dma_start3A_846 : memref<128xi32, #tpu.memory_space<vmem>>) semaphore(%arg19 : memref<!tpu.dma_semaphore, #tpu.memory_space<semaphore_mem>>)
    %dma_start3A_850 = arith.constant 1 : i32
    %dma_start3A_851 = arith.constant 128 : i32
    %dma_start3A_852 = arith.constant 0 : i32
    %dma_start3A_853 = tpu.memref_slice %arg13[%dma_start3A_851, %dma_start3A_852] : memref<256x128xf32, #tpu.memory_space<vmem>> -> memref<128x128xf32, #tpu.memory_space<vmem>>
    %dma_start3A_854 = arith.constant 0 : i32
    %dma_start3A_855 = tpu.memref_slice %arg11[%dma_start3A_850, %dma_start3A_854] : memref<4x128xi32, #tpu.memory_space<vmem>> -> memref<1x128xi32, #tpu.memory_space<vmem>>
    %dma_start3A_856 = tpu.memref_squeeze %dma_start3A_855 : memref<1x128xi32, #tpu.memory_space<vmem>> -> memref<128xi32, #tpu.memory_space<vmem>>
    %dma_start3A_857 = arith.constant 0 : i32
    %dma_start3A_858 = arith.constant 0 : i32
    %dma_start3A_859 = tpu.memref_slice %arg4[%dma_start3A_857, %dma_start3A_858] : memref<250000x128xf32, #tpu.memory_space<hbm>> -> memref<250000x128xf32, #tpu.memory_space<hbm>>
    tpu.enqueue_indirect_dma source(%dma_start3A_859 : memref<250000x128xf32, #tpu.memory_space<hbm>>) target(%dma_start3A_853 : memref<128x128xf32, #tpu.memory_space<vmem>>) offsets(%dma_start3A_856 : memref<128xi32, #tpu.memory_space<vmem>>) semaphore(%arg18 : memref<!tpu.dma_semaphore, #tpu.memory_space<semaphore_mem>>)
    %dma_start3A_860 = arith.constant 1 : i32
    %dma_start3A_861 = arith.constant 128 : i32
    %dma_start3A_862 = arith.constant 0 : i32
    %dma_start3A_863 = tpu.memref_slice %arg14[%dma_start3A_861, %dma_start3A_862] : memref<256x128xf32, #tpu.memory_space<vmem>> -> memref<128x128xf32, #tpu.memory_space<vmem>>
    %dma_start3A_864 = arith.constant 0 : i32
    %dma_start3A_865 = tpu.memref_slice %arg12[%dma_start3A_860, %dma_start3A_864] : memref<4x128xi32, #tpu.memory_space<vmem>> -> memref<1x128xi32, #tpu.memory_space<vmem>>
    %dma_start3A_866 = tpu.memref_squeeze %dma_start3A_865 : memref<1x128xi32, #tpu.memory_space<vmem>> -> memref<128xi32, #tpu.memory_space<vmem>>
    %dma_start3A_867 = arith.constant 0 : i32
    %dma_start3A_868 = arith.constant 0 : i32
    %dma_start3A_869 = tpu.memref_slice %arg5[%dma_start3A_867, %dma_start3A_868] : memref<250000x128xf32, #tpu.memory_space<hbm>> -> memref<250000x128xf32, #tpu.memory_space<hbm>>
    tpu.enqueue_indirect_dma source(%dma_start3A_869 : memref<250000x128xf32, #tpu.memory_space<hbm>>) target(%dma_start3A_863 : memref<128x128xf32, #tpu.memory_space<vmem>>) offsets(%dma_start3A_866 : memref<128xi32, #tpu.memory_space<vmem>>) semaphore(%arg19 : memref<!tpu.dma_semaphore, #tpu.memory_space<semaphore_mem>>)
    %dma_wait3A_870 = arith.constant 0 : i32
    %dma_wait3A_871 = arith.constant 0 : i32
    %dma_wait3A_872 = arith.constant 0 : i32
    %dma_wait3A_873 = tpu.memref_slice %arg13[%dma_wait3A_871, %dma_wait3A_872] : memref<256x128xf32, #tpu.memory_space<vmem>> -> memref<128x128xf32, #tpu.memory_space<vmem>>
    %dma_wait3A_874 = arith.constant 0 : i32
    %dma_wait3A_875 = tpu.memref_slice %arg11[%dma_wait3A_870, %dma_wait3A_874] : memref<4x128xi32, #tpu.memory_space<vmem>> -> memref<1x128xi32, #tpu.memory_space<vmem>>
    %dma_wait3A_876 = tpu.memref_squeeze %dma_wait3A_875 : memref<1x128xi32, #tpu.memory_space<vmem>> -> memref<128xi32, #tpu.memory_space<vmem>>
    %dma_wait3A_877 = arith.constant 0 : i32
    %dma_wait3A_878 = arith.constant 0 : i32
    %dma_wait3A_879 = tpu.memref_slice %arg4[%dma_wait3A_877, %dma_wait3A_878] : memref<250000x128xf32, #tpu.memory_space<hbm>> -> memref<250000x128xf32, #tpu.memory_space<hbm>>
    tpu.wait_indirect_dma semaphore(%arg18 : memref<!tpu.dma_semaphore, #tpu.memory_space<semaphore_mem>>) src(%dma_wait3A_879 : memref<250000x128xf32, #tpu.memory_space<hbm>>) dst(%dma_wait3A_873 : memref<128x128xf32, #tpu.memory_space<vmem>>)
    %dma_wait3A_880 = arith.constant 0 : i32
    %dma_wait3A_881 = arith.constant 0 : i32
    %dma_wait3A_882 = arith.constant 0 : i32
    %dma_wait3A_883 = tpu.memref_slice %arg14[%dma_wait3A_881, %dma_wait3A_882] : memref<256x128xf32, #tpu.memory_space<vmem>> -> memref<128x128xf32, #tpu.memory_space<vmem>>
    %dma_wait3A_884 = arith.constant 0 : i32
    %dma_wait3A_885 = tpu.memref_slice %arg12[%dma_wait3A_880, %dma_wait3A_884] : memref<4x128xi32, #tpu.memory_space<vmem>> -> memref<1x128xi32, #tpu.memory_space<vmem>>
    %dma_wait3A_886 = tpu.memref_squeeze %dma_wait3A_885 : memref<1x128xi32, #tpu.memory_space<vmem>> -> memref<128xi32, #tpu.memory_space<vmem>>
    %dma_wait3A_887 = arith.constant 0 : i32
    %dma_wait3A_888 = arith.constant 0 : i32
    %dma_wait3A_889 = tpu.memref_slice %arg5[%dma_wait3A_887, %dma_wait3A_888] : memref<250000x128xf32, #tpu.memory_space<hbm>> -> memref<250000x128xf32, #tpu.memory_space<hbm>>
    tpu.wait_indirect_dma semaphore(%arg19 : memref<!tpu.dma_semaphore, #tpu.memory_space<semaphore_mem>>) src(%dma_wait3A_889 : memref<250000x128xf32, #tpu.memory_space<hbm>>) dst(%dma_wait3A_883 : memref<128x128xf32, #tpu.memory_space<vmem>>)
    %dma_wait3A_890 = arith.constant 1 : i32
    %dma_wait3A_891 = arith.constant 128 : i32
    %dma_wait3A_892 = arith.constant 0 : i32
    %dma_wait3A_893 = tpu.memref_slice %arg13[%dma_wait3A_891, %dma_wait3A_892] : memref<256x128xf32, #tpu.memory_space<vmem>> -> memref<128x128xf32, #tpu.memory_space<vmem>>
    %dma_wait3A_894 = arith.constant 0 : i32
    %dma_wait3A_895 = tpu.memref_slice %arg11[%dma_wait3A_890, %dma_wait3A_894] : memref<4x128xi32, #tpu.memory_space<vmem>> -> memref<1x128xi32, #tpu.memory_space<vmem>>
    %dma_wait3A_896 = tpu.memref_squeeze %dma_wait3A_895 : memref<1x128xi32, #tpu.memory_space<vmem>> -> memref<128xi32, #tpu.memory_space<vmem>>
    %dma_wait3A_897 = arith.constant 0 : i32
    %dma_wait3A_898 = arith.constant 0 : i32
    %dma_wait3A_899 = tpu.memref_slice %arg4[%dma_wait3A_897, %dma_wait3A_898] : memref<250000x128xf32, #tpu.memory_space<hbm>> -> memref<250000x128xf32, #tpu.memory_space<hbm>>
    tpu.wait_indirect_dma semaphore(%arg18 : memref<!tpu.dma_semaphore, #tpu.memory_space<semaphore_mem>>) src(%dma_wait3A_899 : memref<250000x128xf32, #tpu.memory_space<hbm>>) dst(%dma_wait3A_893 : memref<128x128xf32, #tpu.memory_space<vmem>>)
    %dma_wait3A_900 = arith.constant 1 : i32
    %dma_wait3A_901 = arith.constant 128 : i32
    %dma_wait3A_902 = arith.constant 0 : i32
    %dma_wait3A_903 = tpu.memref_slice %arg14[%dma_wait3A_901, %dma_wait3A_902] : memref<256x128xf32, #tpu.memory_space<vmem>> -> memref<128x128xf32, #tpu.memory_space<vmem>>
    %dma_wait3A_904 = arith.constant 0 : i32
    %dma_wait3A_905 = tpu.memref_slice %arg12[%dma_wait3A_900, %dma_wait3A_904] : memref<4x128xi32, #tpu.memory_space<vmem>> -> memref<1x128xi32, #tpu.memory_space<vmem>>
    %dma_wait3A_906 = tpu.memref_squeeze %dma_wait3A_905 : memref<1x128xi32, #tpu.memory_space<vmem>> -> memref<128xi32, #tpu.memory_space<vmem>>
    %dma_wait3A_907 = arith.constant 0 : i32
    %dma_wait3A_908 = arith.constant 0 : i32
    %dma_wait3A_909 = tpu.memref_slice %arg5[%dma_wait3A_907, %dma_wait3A_908] : memref<250000x128xf32, #tpu.memory_space<hbm>> -> memref<250000x128xf32, #tpu.memory_space<hbm>>
    tpu.wait_indirect_dma semaphore(%arg19 : memref<!tpu.dma_semaphore, #tpu.memory_space<semaphore_mem>>) src(%dma_wait3A_909 : memref<250000x128xf32, #tpu.memory_space<hbm>>) dst(%dma_wait3A_903 : memref<128x128xf32, #tpu.memory_space<vmem>>)
    %scan3A = arith.constant 0 : i32
    %scan3A_910 = arith.constant 0 : i32
    %scan3A_911 = arith.constant 16 : i32
    %scan3A_912 = arith.addi %scan3A_910, %scan3A_911 : i32
    %scan3A_913 = arith.constant 1 : i32
    scf.for %scan3A_1001 = %scan3A_910 to %scan3A_912 step %scan3A_913  : i32 {
      %mul3A_1002 = arith.constant 16 : i32
      %mul3A_1003 = arith.muli %scan3A_1001, %mul3A_1002 : i32
      %multiple_of3A_1004 = tpu.assume_multiple %mul3A_1003, 16 : i32
      %mul3A_1005 = arith.constant 16 : i32
      %mul3A_1006 = arith.muli %scan3A_1001, %mul3A_1005 : i32
      %add3A_1007 = arith.constant 0 : i32
      %add3A_1008 = arith.addi %add3A_1007, %mul3A_1006 : i32
      %multiple_of3A_1009 = tpu.assume_multiple %add3A_1008, 16 : i32
      %add3A_1010 = vector.broadcast %multiple_of3A_1004 : i32 to vector<16xi32>
      %add3A_1011 = arith.addi %add3A_1010, %iota3A : vector<16xi32>
      %jit3A = arith.constant 128 : i32
      %div3A = arith.divsi %multiple_of3A_1009, %jit3A : i32
      %sign3A = arith.constant 0 : i32
      %sign3A_1012 = arith.cmpi sgt, %multiple_of3A_1009, %sign3A : i32
      %sign3A_1013 = arith.extui %sign3A_1012 : i1 to i32
      %sign3A_1014 = arith.constant 0 : i32
      %sign3A_1015 = arith.cmpi slt, %multiple_of3A_1009, %sign3A_1014 : i32
      %sign3A_1016 = arith.extui %sign3A_1015 : i1 to i32
      %sign3A_1017 = arith.subi %sign3A_1013, %sign3A_1016 : i32
      %sign3A_1018 = arith.constant 0 : i32
      %sign3A_1019 = arith.cmpi sgt, %jit3A, %sign3A_1018 : i32
      %sign3A_1020 = arith.extui %sign3A_1019 : i1 to i32
      %sign3A_1021 = arith.constant 0 : i32
      %sign3A_1022 = arith.cmpi slt, %jit3A, %sign3A_1021 : i32
      %sign3A_1023 = arith.extui %sign3A_1022 : i1 to i32
      %sign3A_1024 = arith.subi %sign3A_1020, %sign3A_1023 : i32
      %ne3A = arith.cmpi ne, %sign3A_1017, %sign3A_1024 : i32
      %rem3A = arith.remsi %multiple_of3A_1009, %jit3A : i32
      %ne3A_1025 = arith.constant 0 : i32
      %ne3A_1026 = arith.cmpi ne, %rem3A, %ne3A_1025 : i32
      %and3A = arith.andi %ne3A, %ne3A_1026 : i1
      %sub3A = arith.constant 1 : i32
      %sub3A_1027 = arith.subi %div3A, %sub3A : i32
      %select_n3A = arith.select %and3A, %sub3A_1027, %div3A : i32
      %jit3A_1028 = arith.constant 128 : i32
      %eq3A = arith.constant 0 : i32
      %eq3A_1029 = arith.cmpi eq, %jit3A_1028, %eq3A : i32
      %jit3A_1030 = arith.constant 1 : i32
      %select_n3A_1031 = arith.select %eq3A_1029, %jit3A_1030, %jit3A_1028 : i32
      %rem3A_1032 = arith.remsi %multiple_of3A_1009, %select_n3A_1031 : i32
      %ne3A_1033 = arith.constant 0 : i32
      %ne3A_1034 = arith.cmpi ne, %rem3A_1032, %ne3A_1033 : i32
      %lt3A = arith.constant 0 : i32
      %lt3A_1035 = arith.cmpi slt, %rem3A_1032, %lt3A : i32
      %lt3A_1036 = arith.constant 0 : i32
      %lt3A_1037 = arith.cmpi slt, %select_n3A_1031, %lt3A_1036 : i32
      %ne3A_1038 = arith.xori %lt3A_1035, %lt3A_1037 : i1
      %and3A_1039 = arith.andi %ne3A_1038, %ne3A_1034 : i1
      %add3A_1040 = arith.addi %rem3A_1032, %select_n3A_1031 : i32
      %select_n3A_1041 = arith.select %and3A_1039, %add3A_1040, %rem3A_1032 : i32
      %get3A_1042 = arith.index_cast %select_n3A : i32 to index
      %get3A_1043 = arith.index_cast %select_n3A_1041 : i32 to index
      %get3A_1044 = tpu.vector_load %arg9[%get3A_1042, %get3A_1043] {strides = array<i32>} : memref<4x128xi32, #tpu.memory_space<vmem>>, vector<16xi32>,
      %and3A_1045 = arith.constant 3 : i32
      %and3A_1046 = vector.broadcast %and3A_1045 : i32 to vector<16xi32>
      %and3A_1047 = arith.andi %get3A_1044, %and3A_1046 : vector<16xi32>
      %shift_left3A = arith.constant 5 : i32
      %shift_left3A_1048 = vector.broadcast %shift_left3A : i32 to vector<16xi32>
      %shift_left3A_1049 = arith.shli %and3A_1047, %shift_left3A_1048 : vector<16xi32>
      %get3A_1050 = arith.index_cast %select_n3A : i32 to index
      %get3A_1051 = arith.index_cast %select_n3A_1041 : i32 to index
      %get3A_1052 = tpu.vector_load %arg10[%get3A_1050, %get3A_1051] {strides = array<i32>} : memref<4x128xi32, #tpu.memory_space<vmem>>, vector<16xi32>,
      %and3A_1053 = arith.constant 3 : i32
      %and3A_1054 = vector.broadcast %and3A_1053 : i32 to vector<16xi32>
      %and3A_1055 = arith.andi %get3A_1052, %and3A_1054 : vector<16xi32>
      %shift_left3A_1056 = arith.constant 5 : i32
      %shift_left3A_1057 = vector.broadcast %shift_left3A_1056 : i32 to vector<16xi32>
      %shift_left3A_1058 = arith.shli %and3A_1055, %shift_left3A_1057 : vector<16xi32>
      %get3A_1059 = arith.index_cast %multiple_of3A_1009 : i32 to index
      %get3A_1060 = tpu.vector_load %arg15[%get3A_1059] {strides = array<i32>} : memref<512xf32, #tpu.memory_space<vmem>>, vector<16xf32>,
      %get3A_1061 = arith.index_cast %multiple_of3A_1009 : i32 to index
      %get3A_1062 = tpu.vector_load %arg16[%get3A_1061] {strides = array<i32>} : memref<512xf32, #tpu.memory_space<vmem>>, vector<16xf32>,
      %add3A_1063 = arith.addf %get3A_1060, %get3A_1062 : vector<16xf32>
      %add3A_1064 = arith.constant 0 : i32
      %add3A_1065 = vector.broadcast %add3A_1064 : i32 to vector<16xi32>
      %add3A_1066 = arith.addi %shift_left3A_1049, %add3A_1065 : vector<16xi32>
      %gather3A = tpu.vector_load_idx %arg13[%add3A_1011, %add3A_1066] : memref<256x128xf32, #tpu.memory_space<vmem>>[vector<16xi32>, vector<16xi32>], vector<16xf32>,
      %add3A_1067 = arith.constant 0 : i32
      %add3A_1068 = vector.broadcast %add3A_1067 : i32 to vector<16xi32>
      %add3A_1069 = arith.addi %shift_left3A_1058, %add3A_1068 : vector<16xi32>
      %gather3A_1070 = tpu.vector_load_idx %arg14[%add3A_1011, %add3A_1069] : memref<256x128xf32, #tpu.memory_space<vmem>>[vector<16xi32>, vector<16xi32>], vector<16xf32>,
      %mul3A_1071 = arith.mulf %gather3A, %gather3A_1070 : vector<16xf32>
      %add3A_1072 = arith.addf %add3A_1063, %mul3A_1071 : vector<16xf32>
      %add3A_1073 = arith.constant 1 : i32
      %add3A_1074 = vector.broadcast %add3A_1073 : i32 to vector<16xi32>
      %add3A_1075 = arith.addi %shift_left3A_1049, %add3A_1074 : vector<16xi32>
      %gather3A_1076 = tpu.vector_load_idx %arg13[%add3A_1011, %add3A_1075] : memref<256x128xf32, #tpu.memory_space<vmem>>[vector<16xi32>, vector<16xi32>], vector<16xf32>,
      %add3A_1077 = arith.constant 1 : i32
      %add3A_1078 = vector.broadcast %add3A_1077 : i32 to vector<16xi32>
      %add3A_1079 = arith.addi %shift_left3A_1058, %add3A_1078 : vector<16xi32>
      %gather3A_1080 = tpu.vector_load_idx %arg14[%add3A_1011, %add3A_1079] : memref<256x128xf32, #tpu.memory_space<vmem>>[vector<16xi32>, vector<16xi32>], vector<16xf32>,
      %mul3A_1081 = arith.mulf %gather3A_1076, %gather3A_1080 : vector<16xf32>
      %add3A_1082 = arith.addf %add3A_1072, %mul3A_1081 : vector<16xf32>
      %add3A_1083 = arith.constant 2 : i32
      %add3A_1084 = vector.broadcast %add3A_1083 : i32 to vector<16xi32>
      %add3A_1085 = arith.addi %shift_left3A_1049, %add3A_1084 : vector<16xi32>
      %gather3A_1086 = tpu.vector_load_idx %arg13[%add3A_1011, %add3A_1085] : memref<256x128xf32, #tpu.memory_space<vmem>>[vector<16xi32>, vector<16xi32>], vector<16xf32>,
      %add3A_1087 = arith.constant 2 : i32
      %add3A_1088 = vector.broadcast %add3A_1087 : i32 to vector<16xi32>
      %add3A_1089 = arith.addi %shift_left3A_1058, %add3A_1088 : vector<16xi32>
      %gather3A_1090 = tpu.vector_load_idx %arg14[%add3A_1011, %add3A_1089] : memref<256x128xf32, #tpu.memory_space<vmem>>[vector<16xi32>, vector<16xi32>], vector<16xf32>,
      %mul3A_1091 = arith.mulf %gather3A_1086, %gather3A_1090 : vector<16xf32>
      %add3A_1092 = arith.addf %add3A_1082, %mul3A_1091 : vector<16xf32>
      %add3A_1093 = arith.constant 3 : i32
      %add3A_1094 = vector.broadcast %add3A_1093 : i32 to vector<16xi32>
      %add3A_1095 = arith.addi %shift_left3A_1049, %add3A_1094 : vector<16xi32>
      %gather3A_1096 = tpu.vector_load_idx %arg13[%add3A_1011, %add3A_1095] : memref<256x128xf32, #tpu.memory_space<vmem>>[vector<16xi32>, vector<16xi32>], vector<16xf32>,
      %add3A_1097 = arith.constant 3 : i32
      %add3A_1098 = vector.broadcast %add3A_1097 : i32 to vector<16xi32>
      %add3A_1099 = arith.addi %shift_left3A_1058, %add3A_1098 : vector<16xi32>
      %gather3A_1100 = tpu.vector_load_idx %arg14[%add3A_1011, %add3A_1099] : memref<256x128xf32, #tpu.memory_space<vmem>>[vector<16xi32>, vector<16xi32>], vector<16xf32>,
      %mul3A_1101 = arith.mulf %gather3A_1096, %gather3A_1100 : vector<16xf32>
      %add3A_1102 = arith.addf %add3A_1092, %mul3A_1101 : vector<16xf32>
      %add3A_1103 = arith.constant 4 : i32
      %add3A_1104 = vector.broadcast %add3A_1103 : i32 to vector<16xi32>
      %add3A_1105 = arith.addi %shift_left3A_1049, %add3A_1104 : vector<16xi32>
      %gather3A_1106 = tpu.vector_load_idx %arg13[%add3A_1011, %add3A_1105] : memref<256x128xf32, #tpu.memory_space<vmem>>[vector<16xi32>, vector<16xi32>], vector<16xf32>,
      %add3A_1107 = arith.constant 4 : i32
      %add3A_1108 = vector.broadcast %add3A_1107 : i32 to vector<16xi32>
      %add3A_1109 = arith.addi %shift_left3A_1058, %add3A_1108 : vector<16xi32>
      %gather3A_1110 = tpu.vector_load_idx %arg14[%add3A_1011, %add3A_1109] : memref<256x128xf32, #tpu.memory_space<vmem>>[vector<16xi32>, vector<16xi32>], vector<16xf32>,
      %mul3A_1111 = arith.mulf %gather3A_1106, %gather3A_1110 : vector<16xf32>
      %add3A_1112 = arith.addf %add3A_1102, %mul3A_1111 : vector<16xf32>
      %add3A_1113 = arith.constant 5 : i32
      %add3A_1114 = vector.broadcast %add3A_1113 : i32 to vector<16xi32>
      %add3A_1115 = arith.addi %shift_left3A_1049, %add3A_1114 : vector<16xi32>
      %gather3A_1116 = tpu.vector_load_idx %arg13[%add3A_1011, %add3A_1115] : memref<256x128xf32, #tpu.memory_space<vmem>>[vector<16xi32>, vector<16xi32>], vector<16xf32>,
      %add3A_1117 = arith.constant 5 : i32
      %add3A_1118 = vector.broadcast %add3A_1117 : i32 to vector<16xi32>
      %add3A_1119 = arith.addi %shift_left3A_1058, %add3A_1118 : vector<16xi32>
      %gather3A_1120 = tpu.vector_load_idx %arg14[%add3A_1011, %add3A_1119] : memref<256x128xf32, #tpu.memory_space<vmem>>[vector<16xi32>, vector<16xi32>], vector<16xf32>,
      %mul3A_1121 = arith.mulf %gather3A_1116, %gather3A_1120 : vector<16xf32>
      %add3A_1122 = arith.addf %add3A_1112, %mul3A_1121 : vector<16xf32>
      %add3A_1123 = arith.constant 6 : i32
      %add3A_1124 = vector.broadcast %add3A_1123 : i32 to vector<16xi32>
      %add3A_1125 = arith.addi %shift_left3A_1049, %add3A_1124 : vector<16xi32>
      %gather3A_1126 = tpu.vector_load_idx %arg13[%add3A_1011, %add3A_1125] : memref<256x128xf32, #tpu.memory_space<vmem>>[vector<16xi32>, vector<16xi32>], vector<16xf32>,
      %add3A_1127 = arith.constant 6 : i32
      %add3A_1128 = vector.broadcast %add3A_1127 : i32 to vector<16xi32>
      %add3A_1129 = arith.addi %shift_left3A_1058, %add3A_1128 : vector<16xi32>
      %gather3A_1130 = tpu.vector_load_idx %arg14[%add3A_1011, %add3A_1129] : memref<256x128xf32, #tpu.memory_space<vmem>>[vector<16xi32>, vector<16xi32>], vector<16xf32>,
      %mul3A_1131 = arith.mulf %gather3A_1126, %gather3A_1130 : vector<16xf32>
      %add3A_1132 = arith.addf %add3A_1122, %mul3A_1131 : vector<16xf32>
      %add3A_1133 = arith.constant 7 : i32
      %add3A_1134 = vector.broadcast %add3A_1133 : i32 to vector<16xi32>
      %add3A_1135 = arith.addi %shift_left3A_1049, %add3A_1134 : vector<16xi32>
      %gather3A_1136 = tpu.vector_load_idx %arg13[%add3A_1011, %add3A_1135] : memref<256x128xf32, #tpu.memory_space<vmem>>[vector<16xi32>, vector<16xi32>], vector<16xf32>,
      %add3A_1137 = arith.constant 7 : i32
      %add3A_1138 = vector.broadcast %add3A_1137 : i32 to vector<16xi32>
      %add3A_1139 = arith.addi %shift_left3A_1058, %add3A_1138 : vector<16xi32>
      %gather3A_1140 = tpu.vector_load_idx %arg14[%add3A_1011, %add3A_1139] : memref<256x128xf32, #tpu.memory_space<vmem>>[vector<16xi32>, vector<16xi32>], vector<16xf32>,
      %mul3A_1141 = arith.mulf %gather3A_1136, %gather3A_1140 : vector<16xf32>
      %add3A_1142 = arith.addf %add3A_1132, %mul3A_1141 : vector<16xf32>
      %add3A_1143 = arith.constant 8 : i32
      %add3A_1144 = vector.broadcast %add3A_1143 : i32 to vector<16xi32>
      %add3A_1145 = arith.addi %shift_left3A_1049, %add3A_1144 : vector<16xi32>
      %gather3A_1146 = tpu.vector_load_idx %arg13[%add3A_1011, %add3A_1145] : memref<256x128xf32, #tpu.memory_space<vmem>>[vector<16xi32>, vector<16xi32>], vector<16xf32>,
      %add3A_1147 = arith.constant 8 : i32
      %add3A_1148 = vector.broadcast %add3A_1147 : i32 to vector<16xi32>
      %add3A_1149 = arith.addi %shift_left3A_1058, %add3A_1148 : vector<16xi32>
      %gather3A_1150 = tpu.vector_load_idx %arg14[%add3A_1011, %add3A_1149] : memref<256x128xf32, #tpu.memory_space<vmem>>[vector<16xi32>, vector<16xi32>], vector<16xf32>,
      %mul3A_1151 = arith.mulf %gather3A_1146, %gather3A_1150 : vector<16xf32>
      %add3A_1152 = arith.addf %add3A_1142, %mul3A_1151 : vector<16xf32>
      %add3A_1153 = arith.constant 9 : i32
      %add3A_1154 = vector.broadcast %add3A_1153 : i32 to vector<16xi32>
      %add3A_1155 = arith.addi %shift_left3A_1049, %add3A_1154 : vector<16xi32>
      %gather3A_1156 = tpu.vector_load_idx %arg13[%add3A_1011, %add3A_1155] : memref<256x128xf32, #tpu.memory_space<vmem>>[vector<16xi32>, vector<16xi32>], vector<16xf32>,
      %add3A_1157 = arith.constant 9 : i32
      %add3A_1158 = vector.broadcast %add3A_1157 : i32 to vector<16xi32>
      %add3A_1159 = arith.addi %shift_left3A_1058, %add3A_1158 : vector<16xi32>
      %gather3A_1160 = tpu.vector_load_idx %arg14[%add3A_1011, %add3A_1159] : memref<256x128xf32, #tpu.memory_space<vmem>>[vector<16xi32>, vector<16xi32>], vector<16xf32>,
      %mul3A_1161 = arith.mulf %gather3A_1156, %gather3A_1160 : vector<16xf32>
      %add3A_1162 = arith.addf %add3A_1152, %mul3A_1161 : vector<16xf32>
      %add3A_1163 = arith.constant 10 : i32
      %add3A_1164 = vector.broadcast %add3A_1163 : i32 to vector<16xi32>
      %add3A_1165 = arith.addi %shift_left3A_1049, %add3A_1164 : vector<16xi32>
      %gather3A_1166 = tpu.vector_load_idx %arg13[%add3A_1011, %add3A_1165] : memref<256x128xf32, #tpu.memory_space<vmem>>[vector<16xi32>, vector<16xi32>], vector<16xf32>,
      %add3A_1167 = arith.constant 10 : i32
      %add3A_1168 = vector.broadcast %add3A_1167 : i32 to vector<16xi32>
      %add3A_1169 = arith.addi %shift_left3A_1058, %add3A_1168 : vector<16xi32>
      %gather3A_1170 = tpu.vector_load_idx %arg14[%add3A_1011, %add3A_1169] : memref<256x128xf32, #tpu.memory_space<vmem>>[vector<16xi32>, vector<16xi32>], vector<16xf32>,
      %mul3A_1171 = arith.mulf %gather3A_1166, %gather3A_1170 : vector<16xf32>
      %add3A_1172 = arith.addf %add3A_1162, %mul3A_1171 : vector<16xf32>
      %add3A_1173 = arith.constant 11 : i32
      %add3A_1174 = vector.broadcast %add3A_1173 : i32 to vector<16xi32>
      %add3A_1175 = arith.addi %shift_left3A_1049, %add3A_1174 : vector<16xi32>
      %gather3A_1176 = tpu.vector_load_idx %arg13[%add3A_1011, %add3A_1175] : memref<256x128xf32, #tpu.memory_space<vmem>>[vector<16xi32>, vector<16xi32>], vector<16xf32>,
      %add3A_1177 = arith.constant 11 : i32
      %add3A_1178 = vector.broadcast %add3A_1177 : i32 to vector<16xi32>
      %add3A_1179 = arith.addi %shift_left3A_1058, %add3A_1178 : vector<16xi32>
      %gather3A_1180 = tpu.vector_load_idx %arg14[%add3A_1011, %add3A_1179] : memref<256x128xf32, #tpu.memory_space<vmem>>[vector<16xi32>, vector<16xi32>], vector<16xf32>,
      %mul3A_1181 = arith.mulf %gather3A_1176, %gather3A_1180 : vector<16xf32>
      %add3A_1182 = arith.addf %add3A_1172, %mul3A_1181 : vector<16xf32>
      %add3A_1183 = arith.constant 12 : i32
      %add3A_1184 = vector.broadcast %add3A_1183 : i32 to vector<16xi32>
      %add3A_1185 = arith.addi %shift_left3A_1049, %add3A_1184 : vector<16xi32>
      %gather3A_1186 = tpu.vector_load_idx %arg13[%add3A_1011, %add3A_1185] : memref<256x128xf32, #tpu.memory_space<vmem>>[vector<16xi32>, vector<16xi32>], vector<16xf32>,
      %add3A_1187 = arith.constant 12 : i32
      %add3A_1188 = vector.broadcast %add3A_1187 : i32 to vector<16xi32>
      %add3A_1189 = arith.addi %shift_left3A_1058, %add3A_1188 : vector<16xi32>
      %gather3A_1190 = tpu.vector_load_idx %arg14[%add3A_1011, %add3A_1189] : memref<256x128xf32, #tpu.memory_space<vmem>>[vector<16xi32>, vector<16xi32>], vector<16xf32>,
      %mul3A_1191 = arith.mulf %gather3A_1186, %gather3A_1190 : vector<16xf32>
      %add3A_1192 = arith.addf %add3A_1182, %mul3A_1191 : vector<16xf32>
      %add3A_1193 = arith.constant 13 : i32
      %add3A_1194 = vector.broadcast %add3A_1193 : i32 to vector<16xi32>
      %add3A_1195 = arith.addi %shift_left3A_1049, %add3A_1194 : vector<16xi32>
      %gather3A_1196 = tpu.vector_load_idx %arg13[%add3A_1011, %add3A_1195] : memref<256x128xf32, #tpu.memory_space<vmem>>[vector<16xi32>, vector<16xi32>], vector<16xf32>,
      %add3A_1197 = arith.constant 13 : i32
      %add3A_1198 = vector.broadcast %add3A_1197 : i32 to vector<16xi32>
      %add3A_1199 = arith.addi %shift_left3A_1058, %add3A_1198 : vector<16xi32>
      %gather3A_1200 = tpu.vector_load_idx %arg14[%add3A_1011, %add3A_1199] : memref<256x128xf32, #tpu.memory_space<vmem>>[vector<16xi32>, vector<16xi32>], vector<16xf32>,
      %mul3A_1201 = arith.mulf %gather3A_1196, %gather3A_1200 : vector<16xf32>
      %add3A_1202 = arith.addf %add3A_1192, %mul3A_1201 : vector<16xf32>
      %add3A_1203 = arith.constant 14 : i32
      %add3A_1204 = vector.broadcast %add3A_1203 : i32 to vector<16xi32>
      %add3A_1205 = arith.addi %shift_left3A_1049, %add3A_1204 : vector<16xi32>
      %gather3A_1206 = tpu.vector_load_idx %arg13[%add3A_1011, %add3A_1205] : memref<256x128xf32, #tpu.memory_space<vmem>>[vector<16xi32>, vector<16xi32>], vector<16xf32>,
      %add3A_1207 = arith.constant 14 : i32
      %add3A_1208 = vector.broadcast %add3A_1207 : i32 to vector<16xi32>
      %add3A_1209 = arith.addi %shift_left3A_1058, %add3A_1208 : vector<16xi32>
      %gather3A_1210 = tpu.vector_load_idx %arg14[%add3A_1011, %add3A_1209] : memref<256x128xf32, #tpu.memory_space<vmem>>[vector<16xi32>, vector<16xi32>], vector<16xf32>,
      %mul3A_1211 = arith.mulf %gather3A_1206, %gather3A_1210 : vector<16xf32>
      %add3A_1212 = arith.addf %add3A_1202, %mul3A_1211 : vector<16xf32>
      %add3A_1213 = arith.constant 15 : i32
      %add3A_1214 = vector.broadcast %add3A_1213 : i32 to vector<16xi32>
      %add3A_1215 = arith.addi %shift_left3A_1049, %add3A_1214 : vector<16xi32>
      %gather3A_1216 = tpu.vector_load_idx %arg13[%add3A_1011, %add3A_1215] : memref<256x128xf32, #tpu.memory_space<vmem>>[vector<16xi32>, vector<16xi32>], vector<16xf32>,
      %add3A_1217 = arith.constant 15 : i32
      %add3A_1218 = vector.broadcast %add3A_1217 : i32 to vector<16xi32>
      %add3A_1219 = arith.addi %shift_left3A_1058, %add3A_1218 : vector<16xi32>
      %gather3A_1220 = tpu.vector_load_idx %arg14[%add3A_1011, %add3A_1219] : memref<256x128xf32, #tpu.memory_space<vmem>>[vector<16xi32>, vector<16xi32>], vector<16xf32>,
      %mul3A_1221 = arith.mulf %gather3A_1216, %gather3A_1220 : vector<16xf32>
      %add3A_1222 = arith.addf %add3A_1212, %mul3A_1221 : vector<16xf32>
      %add3A_1223 = arith.constant 16 : i32
      %add3A_1224 = vector.broadcast %add3A_1223 : i32 to vector<16xi32>
      %add3A_1225 = arith.addi %shift_left3A_1049, %add3A_1224 : vector<16xi32>
      %gather3A_1226 = tpu.vector_load_idx %arg13[%add3A_1011, %add3A_1225] : memref<256x128xf32, #tpu.memory_space<vmem>>[vector<16xi32>, vector<16xi32>], vector<16xf32>,
      %add3A_1227 = arith.constant 16 : i32
      %add3A_1228 = vector.broadcast %add3A_1227 : i32 to vector<16xi32>
      %add3A_1229 = arith.addi %shift_left3A_1058, %add3A_1228 : vector<16xi32>
      %gather3A_1230 = tpu.vector_load_idx %arg14[%add3A_1011, %add3A_1229] : memref<256x128xf32, #tpu.memory_space<vmem>>[vector<16xi32>, vector<16xi32>], vector<16xf32>,
      %mul3A_1231 = arith.mulf %gather3A_1226, %gather3A_1230 : vector<16xf32>
      %add3A_1232 = arith.addf %add3A_1222, %mul3A_1231 : vector<16xf32>
      %add3A_1233 = arith.constant 17 : i32
      %add3A_1234 = vector.broadcast %add3A_1233 : i32 to vector<16xi32>
      %add3A_1235 = arith.addi %shift_left3A_1049, %add3A_1234 : vector<16xi32>
      %gather3A_1236 = tpu.vector_load_idx %arg13[%add3A_1011, %add3A_1235] : memref<256x128xf32, #tpu.memory_space<vmem>>[vector<16xi32>, vector<16xi32>], vector<16xf32>,
      %add3A_1237 = arith.constant 17 : i32
      %add3A_1238 = vector.broadcast %add3A_1237 : i32 to vector<16xi32>
      %add3A_1239 = arith.addi %shift_left3A_1058, %add3A_1238 : vector<16xi32>
      %gather3A_1240 = tpu.vector_load_idx %arg14[%add3A_1011, %add3A_1239] : memref<256x128xf32, #tpu.memory_space<vmem>>[vector<16xi32>, vector<16xi32>], vector<16xf32>,
      %mul3A_1241 = arith.mulf %gather3A_1236, %gather3A_1240 : vector<16xf32>
      %add3A_1242 = arith.addf %add3A_1232, %mul3A_1241 : vector<16xf32>
      %add3A_1243 = arith.constant 18 : i32
      %add3A_1244 = vector.broadcast %add3A_1243 : i32 to vector<16xi32>
      %add3A_1245 = arith.addi %shift_left3A_1049, %add3A_1244 : vector<16xi32>
      %gather3A_1246 = tpu.vector_load_idx %arg13[%add3A_1011, %add3A_1245] : memref<256x128xf32, #tpu.memory_space<vmem>>[vector<16xi32>, vector<16xi32>], vector<16xf32>,
      %add3A_1247 = arith.constant 18 : i32
      %add3A_1248 = vector.broadcast %add3A_1247 : i32 to vector<16xi32>
      %add3A_1249 = arith.addi %shift_left3A_1058, %add3A_1248 : vector<16xi32>
      %gather3A_1250 = tpu.vector_load_idx %arg14[%add3A_1011, %add3A_1249] : memref<256x128xf32, #tpu.memory_space<vmem>>[vector<16xi32>, vector<16xi32>], vector<16xf32>,
      %mul3A_1251 = arith.mulf %gather3A_1246, %gather3A_1250 : vector<16xf32>
      %add3A_1252 = arith.addf %add3A_1242, %mul3A_1251 : vector<16xf32>
      %add3A_1253 = arith.constant 19 : i32
      %add3A_1254 = vector.broadcast %add3A_1253 : i32 to vector<16xi32>
      %add3A_1255 = arith.addi %shift_left3A_1049, %add3A_1254 : vector<16xi32>
      %gather3A_1256 = tpu.vector_load_idx %arg13[%add3A_1011, %add3A_1255] : memref<256x128xf32, #tpu.memory_space<vmem>>[vector<16xi32>, vector<16xi32>], vector<16xf32>,
      %add3A_1257 = arith.constant 19 : i32
      %add3A_1258 = vector.broadcast %add3A_1257 : i32 to vector<16xi32>
      %add3A_1259 = arith.addi %shift_left3A_1058, %add3A_1258 : vector<16xi32>
      %gather3A_1260 = tpu.vector_load_idx %arg14[%add3A_1011, %add3A_1259] : memref<256x128xf32, #tpu.memory_space<vmem>>[vector<16xi32>, vector<16xi32>], vector<16xf32>,
      %mul3A_1261 = arith.mulf %gather3A_1256, %gather3A_1260 : vector<16xf32>
      %add3A_1262 = arith.addf %add3A_1252, %mul3A_1261 : vector<16xf32>
      %add3A_1263 = arith.constant 20 : i32
      %add3A_1264 = vector.broadcast %add3A_1263 : i32 to vector<16xi32>
      %add3A_1265 = arith.addi %shift_left3A_1049, %add3A_1264 : vector<16xi32>
      %gather3A_1266 = tpu.vector_load_idx %arg13[%add3A_1011, %add3A_1265] : memref<256x128xf32, #tpu.memory_space<vmem>>[vector<16xi32>, vector<16xi32>], vector<16xf32>,
      %add3A_1267 = arith.constant 20 : i32
      %add3A_1268 = vector.broadcast %add3A_1267 : i32 to vector<16xi32>
      %add3A_1269 = arith.addi %shift_left3A_1058, %add3A_1268 : vector<16xi32>
      %gather3A_1270 = tpu.vector_load_idx %arg14[%add3A_1011, %add3A_1269] : memref<256x128xf32, #tpu.memory_space<vmem>>[vector<16xi32>, vector<16xi32>], vector<16xf32>,
      %mul3A_1271 = arith.mulf %gather3A_1266, %gather3A_1270 : vector<16xf32>
      %add3A_1272 = arith.addf %add3A_1262, %mul3A_1271 : vector<16xf32>
      %add3A_1273 = arith.constant 21 : i32
      %add3A_1274 = vector.broadcast %add3A_1273 : i32 to vector<16xi32>
      %add3A_1275 = arith.addi %shift_left3A_1049, %add3A_1274 : vector<16xi32>
      %gather3A_1276 = tpu.vector_load_idx %arg13[%add3A_1011, %add3A_1275] : memref<256x128xf32, #tpu.memory_space<vmem>>[vector<16xi32>, vector<16xi32>], vector<16xf32>,
      %add3A_1277 = arith.constant 21 : i32
      %add3A_1278 = vector.broadcast %add3A_1277 : i32 to vector<16xi32>
      %add3A_1279 = arith.addi %shift_left3A_1058, %add3A_1278 : vector<16xi32>
      %gather3A_1280 = tpu.vector_load_idx %arg14[%add3A_1011, %add3A_1279] : memref<256x128xf32, #tpu.memory_space<vmem>>[vector<16xi32>, vector<16xi32>], vector<16xf32>,
      %mul3A_1281 = arith.mulf %gather3A_1276, %gather3A_1280 : vector<16xf32>
      %add3A_1282 = arith.addf %add3A_1272, %mul3A_1281 : vector<16xf32>
      %add3A_1283 = arith.constant 22 : i32
      %add3A_1284 = vector.broadcast %add3A_1283 : i32 to vector<16xi32>
      %add3A_1285 = arith.addi %shift_left3A_1049, %add3A_1284 : vector<16xi32>
      %gather3A_1286 = tpu.vector_load_idx %arg13[%add3A_1011, %add3A_1285] : memref<256x128xf32, #tpu.memory_space<vmem>>[vector<16xi32>, vector<16xi32>], vector<16xf32>,
      %add3A_1287 = arith.constant 22 : i32
      %add3A_1288 = vector.broadcast %add3A_1287 : i32 to vector<16xi32>
      %add3A_1289 = arith.addi %shift_left3A_1058, %add3A_1288 : vector<16xi32>
      %gather3A_1290 = tpu.vector_load_idx %arg14[%add3A_1011, %add3A_1289] : memref<256x128xf32, #tpu.memory_space<vmem>>[vector<16xi32>, vector<16xi32>], vector<16xf32>,
      %mul3A_1291 = arith.mulf %gather3A_1286, %gather3A_1290 : vector<16xf32>
      %add3A_1292 = arith.addf %add3A_1282, %mul3A_1291 : vector<16xf32>
      %add3A_1293 = arith.constant 23 : i32
      %add3A_1294 = vector.broadcast %add3A_1293 : i32 to vector<16xi32>
      %add3A_1295 = arith.addi %shift_left3A_1049, %add3A_1294 : vector<16xi32>
      %gather3A_1296 = tpu.vector_load_idx %arg13[%add3A_1011, %add3A_1295] : memref<256x128xf32, #tpu.memory_space<vmem>>[vector<16xi32>, vector<16xi32>], vector<16xf32>,
      %add3A_1297 = arith.constant 23 : i32
      %add3A_1298 = vector.broadcast %add3A_1297 : i32 to vector<16xi32>
      %add3A_1299 = arith.addi %shift_left3A_1058, %add3A_1298 : vector<16xi32>
      %gather3A_1300 = tpu.vector_load_idx %arg14[%add3A_1011, %add3A_1299] : memref<256x128xf32, #tpu.memory_space<vmem>>[vector<16xi32>, vector<16xi32>], vector<16xf32>,
      %mul3A_1301 = arith.mulf %gather3A_1296, %gather3A_1300 : vector<16xf32>
      %add3A_1302 = arith.addf %add3A_1292, %mul3A_1301 : vector<16xf32>
      %add3A_1303 = arith.constant 24 : i32
      %add3A_1304 = vector.broadcast %add3A_1303 : i32 to vector<16xi32>
      %add3A_1305 = arith.addi %shift_left3A_1049, %add3A_1304 : vector<16xi32>
      %gather3A_1306 = tpu.vector_load_idx %arg13[%add3A_1011, %add3A_1305] : memref<256x128xf32, #tpu.memory_space<vmem>>[vector<16xi32>, vector<16xi32>], vector<16xf32>,
      %add3A_1307 = arith.constant 24 : i32
      %add3A_1308 = vector.broadcast %add3A_1307 : i32 to vector<16xi32>
      %add3A_1309 = arith.addi %shift_left3A_1058, %add3A_1308 : vector<16xi32>
      %gather3A_1310 = tpu.vector_load_idx %arg14[%add3A_1011, %add3A_1309] : memref<256x128xf32, #tpu.memory_space<vmem>>[vector<16xi32>, vector<16xi32>], vector<16xf32>,
      %mul3A_1311 = arith.mulf %gather3A_1306, %gather3A_1310 : vector<16xf32>
      %add3A_1312 = arith.addf %add3A_1302, %mul3A_1311 : vector<16xf32>
      %add3A_1313 = arith.constant 25 : i32
      %add3A_1314 = vector.broadcast %add3A_1313 : i32 to vector<16xi32>
      %add3A_1315 = arith.addi %shift_left3A_1049, %add3A_1314 : vector<16xi32>
      %gather3A_1316 = tpu.vector_load_idx %arg13[%add3A_1011, %add3A_1315] : memref<256x128xf32, #tpu.memory_space<vmem>>[vector<16xi32>, vector<16xi32>], vector<16xf32>,
      %add3A_1317 = arith.constant 25 : i32
      %add3A_1318 = vector.broadcast %add3A_1317 : i32 to vector<16xi32>
      %add3A_1319 = arith.addi %shift_left3A_1058, %add3A_1318 : vector<16xi32>
      %gather3A_1320 = tpu.vector_load_idx %arg14[%add3A_1011, %add3A_1319] : memref<256x128xf32, #tpu.memory_space<vmem>>[vector<16xi32>, vector<16xi32>], vector<16xf32>,
      %mul3A_1321 = arith.mulf %gather3A_1316, %gather3A_1320 : vector<16xf32>
      %add3A_1322 = arith.addf %add3A_1312, %mul3A_1321 : vector<16xf32>
      %add3A_1323 = arith.constant 26 : i32
      %add3A_1324 = vector.broadcast %add3A_1323 : i32 to vector<16xi32>
      %add3A_1325 = arith.addi %shift_left3A_1049, %add3A_1324 : vector<16xi32>
      %gather3A_1326 = tpu.vector_load_idx %arg13[%add3A_1011, %add3A_1325] : memref<256x128xf32, #tpu.memory_space<vmem>>[vector<16xi32>, vector<16xi32>], vector<16xf32>,
      %add3A_1327 = arith.constant 26 : i32
      %add3A_1328 = vector.broadcast %add3A_1327 : i32 to vector<16xi32>
      %add3A_1329 = arith.addi %shift_left3A_1058, %add3A_1328 : vector<16xi32>
      %gather3A_1330 = tpu.vector_load_idx %arg14[%add3A_1011, %add3A_1329] : memref<256x128xf32, #tpu.memory_space<vmem>>[vector<16xi32>, vector<16xi32>], vector<16xf32>,
      %mul3A_1331 = arith.mulf %gather3A_1326, %gather3A_1330 : vector<16xf32>
      %add3A_1332 = arith.addf %add3A_1322, %mul3A_1331 : vector<16xf32>
      %add3A_1333 = arith.constant 27 : i32
      %add3A_1334 = vector.broadcast %add3A_1333 : i32 to vector<16xi32>
      %add3A_1335 = arith.addi %shift_left3A_1049, %add3A_1334 : vector<16xi32>
      %gather3A_1336 = tpu.vector_load_idx %arg13[%add3A_1011, %add3A_1335] : memref<256x128xf32, #tpu.memory_space<vmem>>[vector<16xi32>, vector<16xi32>], vector<16xf32>,
      %add3A_1337 = arith.constant 27 : i32
      %add3A_1338 = vector.broadcast %add3A_1337 : i32 to vector<16xi32>
      %add3A_1339 = arith.addi %shift_left3A_1058, %add3A_1338 : vector<16xi32>
      %gather3A_1340 = tpu.vector_load_idx %arg14[%add3A_1011, %add3A_1339] : memref<256x128xf32, #tpu.memory_space<vmem>>[vector<16xi32>, vector<16xi32>], vector<16xf32>,
      %mul3A_1341 = arith.mulf %gather3A_1336, %gather3A_1340 : vector<16xf32>
      %add3A_1342 = arith.addf %add3A_1332, %mul3A_1341 : vector<16xf32>
      %add3A_1343 = arith.constant 28 : i32
      %add3A_1344 = vector.broadcast %add3A_1343 : i32 to vector<16xi32>
      %add3A_1345 = arith.addi %shift_left3A_1049, %add3A_1344 : vector<16xi32>
      %gather3A_1346 = tpu.vector_load_idx %arg13[%add3A_1011, %add3A_1345] : memref<256x128xf32, #tpu.memory_space<vmem>>[vector<16xi32>, vector<16xi32>], vector<16xf32>,
      %add3A_1347 = arith.constant 28 : i32
      %add3A_1348 = vector.broadcast %add3A_1347 : i32 to vector<16xi32>
      %add3A_1349 = arith.addi %shift_left3A_1058, %add3A_1348 : vector<16xi32>
      %gather3A_1350 = tpu.vector_load_idx %arg14[%add3A_1011, %add3A_1349] : memref<256x128xf32, #tpu.memory_space<vmem>>[vector<16xi32>, vector<16xi32>], vector<16xf32>,
      %mul3A_1351 = arith.mulf %gather3A_1346, %gather3A_1350 : vector<16xf32>
      %add3A_1352 = arith.addf %add3A_1342, %mul3A_1351 : vector<16xf32>
      %add3A_1353 = arith.constant 29 : i32
      %add3A_1354 = vector.broadcast %add3A_1353 : i32 to vector<16xi32>
      %add3A_1355 = arith.addi %shift_left3A_1049, %add3A_1354 : vector<16xi32>
      %gather3A_1356 = tpu.vector_load_idx %arg13[%add3A_1011, %add3A_1355] : memref<256x128xf32, #tpu.memory_space<vmem>>[vector<16xi32>, vector<16xi32>], vector<16xf32>,
      %add3A_1357 = arith.constant 29 : i32
      %add3A_1358 = vector.broadcast %add3A_1357 : i32 to vector<16xi32>
      %add3A_1359 = arith.addi %shift_left3A_1058, %add3A_1358 : vector<16xi32>
      %gather3A_1360 = tpu.vector_load_idx %arg14[%add3A_1011, %add3A_1359] : memref<256x128xf32, #tpu.memory_space<vmem>>[vector<16xi32>, vector<16xi32>], vector<16xf32>,
      %mul3A_1361 = arith.mulf %gather3A_1356, %gather3A_1360 : vector<16xf32>
      %add3A_1362 = arith.addf %add3A_1352, %mul3A_1361 : vector<16xf32>
      %add3A_1363 = arith.constant 30 : i32
      %add3A_1364 = vector.broadcast %add3A_1363 : i32 to vector<16xi32>
      %add3A_1365 = arith.addi %shift_left3A_1049, %add3A_1364 : vector<16xi32>
      %gather3A_1366 = tpu.vector_load_idx %arg13[%add3A_1011, %add3A_1365] : memref<256x128xf32, #tpu.memory_space<vmem>>[vector<16xi32>, vector<16xi32>], vector<16xf32>,
      %add3A_1367 = arith.constant 30 : i32
      %add3A_1368 = vector.broadcast %add3A_1367 : i32 to vector<16xi32>
      %add3A_1369 = arith.addi %shift_left3A_1058, %add3A_1368 : vector<16xi32>
      %gather3A_1370 = tpu.vector_load_idx %arg14[%add3A_1011, %add3A_1369] : memref<256x128xf32, #tpu.memory_space<vmem>>[vector<16xi32>, vector<16xi32>], vector<16xf32>,
      %mul3A_1371 = arith.mulf %gather3A_1366, %gather3A_1370 : vector<16xf32>
      %add3A_1372 = arith.addf %add3A_1362, %mul3A_1371 : vector<16xf32>
      %add3A_1373 = arith.constant 31 : i32
      %add3A_1374 = vector.broadcast %add3A_1373 : i32 to vector<16xi32>
      %add3A_1375 = arith.addi %shift_left3A_1049, %add3A_1374 : vector<16xi32>
      %gather3A_1376 = tpu.vector_load_idx %arg13[%add3A_1011, %add3A_1375] : memref<256x128xf32, #tpu.memory_space<vmem>>[vector<16xi32>, vector<16xi32>], vector<16xf32>,
      %add3A_1377 = arith.constant 31 : i32
      %add3A_1378 = vector.broadcast %add3A_1377 : i32 to vector<16xi32>
      %add3A_1379 = arith.addi %shift_left3A_1058, %add3A_1378 : vector<16xi32>
      %gather3A_1380 = tpu.vector_load_idx %arg14[%add3A_1011, %add3A_1379] : memref<256x128xf32, #tpu.memory_space<vmem>>[vector<16xi32>, vector<16xi32>], vector<16xf32>,
      %mul3A_1381 = arith.mulf %gather3A_1376, %gather3A_1380 : vector<16xf32>
      %add3A_1382 = arith.addf %add3A_1372, %mul3A_1381 : vector<16xf32>
      %swap3A_1383 = arith.index_cast %multiple_of3A_1009 : i32 to index
      %swap3A_1384 = tpu.vector_load %arg17[%swap3A_1383] {strides = array<i32>} : memref<512xf32, #tpu.memory_space<vmem>>, vector<16xf32>,
      tpu.vector_store %arg17[%swap3A_1383], %add3A_1382 {strides = array<i32>} : memref<512xf32, #tpu.memory_space<vmem>>, vector<16xf32>,
    }
    %scan3A_914 = arith.constant 16 : i32
    %dma_start3A_915 = arith.constant 2 : i32
    %dma_start3A_916 = arith.constant 0 : i32
    %dma_start3A_917 = arith.constant 0 : i32
    %dma_start3A_918 = tpu.memref_slice %arg13[%dma_start3A_916, %dma_start3A_917] : memref<256x128xf32, #tpu.memory_space<vmem>> -> memref<128x128xf32, #tpu.memory_space<vmem>>
    %dma_start3A_919 = arith.constant 0 : i32
    %dma_start3A_920 = tpu.memref_slice %arg11[%dma_start3A_915, %dma_start3A_919] : memref<4x128xi32, #tpu.memory_space<vmem>> -> memref<1x128xi32, #tpu.memory_space<vmem>>
    %dma_start3A_921 = tpu.memref_squeeze %dma_start3A_920 : memref<1x128xi32, #tpu.memory_space<vmem>> -> memref<128xi32, #tpu.memory_space<vmem>>
    %dma_start3A_922 = arith.constant 0 : i32
    %dma_start3A_923 = arith.constant 0 : i32
    %dma_start3A_924 = tpu.memref_slice %arg4[%dma_start3A_922, %dma_start3A_923] : memref<250000x128xf32, #tpu.memory_space<hbm>> -> memref<250000x128xf32, #tpu.memory_space<hbm>>
    tpu.enqueue_indirect_dma source(%dma_start3A_924 : memref<250000x128xf32, #tpu.memory_space<hbm>>) target(%dma_start3A_918 : memref<128x128xf32, #tpu.memory_space<vmem>>) offsets(%dma_start3A_921 : memref<128xi32, #tpu.memory_space<vmem>>) semaphore(%arg18 : memref<!tpu.dma_semaphore, #tpu.memory_space<semaphore_mem>>)
    %dma_start3A_925 = arith.constant 2 : i32
    %dma_start3A_926 = arith.constant 0 : i32
    %dma_start3A_927 = arith.constant 0 : i32
    %dma_start3A_928 = tpu.memref_slice %arg14[%dma_start3A_926, %dma_start3A_927] : memref<256x128xf32, #tpu.memory_space<vmem>> -> memref<128x128xf32, #tpu.memory_space<vmem>>
    %dma_start3A_929 = arith.constant 0 : i32
    %dma_start3A_930 = tpu.memref_slice %arg12[%dma_start3A_925, %dma_start3A_929] : memref<4x128xi32, #tpu.memory_space<vmem>> -> memref<1x128xi32, #tpu.memory_space<vmem>>
    %dma_start3A_931 = tpu.memref_squeeze %dma_start3A_930 : memref<1x128xi32, #tpu.memory_space<vmem>> -> memref<128xi32, #tpu.memory_space<vmem>>
    %dma_start3A_932 = arith.constant 0 : i32
    %dma_start3A_933 = arith.constant 0 : i32
    %dma_start3A_934 = tpu.memref_slice %arg5[%dma_start3A_932, %dma_start3A_933] : memref<250000x128xf32, #tpu.memory_space<hbm>> -> memref<250000x128xf32, #tpu.memory_space<hbm>>
    tpu.enqueue_indirect_dma source(%dma_start3A_934 : memref<250000x128xf32, #tpu.memory_space<hbm>>) target(%dma_start3A_928 : memref<128x128xf32, #tpu.memory_space<vmem>>) offsets(%dma_start3A_931 : memref<128xi32, #tpu.memory_space<vmem>>) semaphore(%arg19 : memref<!tpu.dma_semaphore, #tpu.memory_space<semaphore_mem>>)
    %dma_start3A_935 = arith.constant 3 : i32
    %dma_start3A_936 = arith.constant 128 : i32
    %dma_start3A_937 = arith.constant 0 : i32
    %dma_start3A_938 = tpu.memref_slice %arg13[%dma_start3A_936, %dma_start3A_937] : memref<256x128xf32, #tpu.memory_space<vmem>> -> memref<128x128xf32, #tpu.memory_space<vmem>>
    %dma_start3A_939 = arith.constant 0 : i32
    %dma_start3A_940 = tpu.memref_slice %arg11[%dma_start3A_935, %dma_start3A_939] : memref<4x128xi32, #tpu.memory_space<vmem>> -> memref<1x128xi32, #tpu.memory_space<vmem>>
    %dma_start3A_941 = tpu.memref_squeeze %dma_start3A_940 : memref<1x128xi32, #tpu.memory_space<vmem>> -> memref<128xi32, #tpu.memory_space<vmem>>
    %dma_start3A_942 = arith.constant 0 : i32
    %dma_start3A_943 = arith.constant 0 : i32
    %dma_start3A_944 = tpu.memref_slice %arg4[%dma_start3A_942, %dma_start3A_943] : memref<250000x128xf32, #tpu.memory_space<hbm>> -> memref<250000x128xf32, #tpu.memory_space<hbm>>
    tpu.enqueue_indirect_dma source(%dma_start3A_944 : memref<250000x128xf32, #tpu.memory_space<hbm>>) target(%dma_start3A_938 : memref<128x128xf32, #tpu.memory_space<vmem>>) offsets(%dma_start3A_941 : memref<128xi32, #tpu.memory_space<vmem>>) semaphore(%arg18 : memref<!tpu.dma_semaphore, #tpu.memory_space<semaphore_mem>>)
    %dma_start3A_945 = arith.constant 3 : i32
    %dma_start3A_946 = arith.constant 128 : i32
    %dma_start3A_947 = arith.constant 0 : i32
    %dma_start3A_948 = tpu.memref_slice %arg14[%dma_start3A_946, %dma_start3A_947] : memref<256x128xf32, #tpu.memory_space<vmem>> -> memref<128x128xf32, #tpu.memory_space<vmem>>
    %dma_start3A_949 = arith.constant 0 : i32
    %dma_start3A_950 = tpu.memref_slice %arg12[%dma_start3A_945, %dma_start3A_949] : memref<4x128xi32, #tpu.memory_space<vmem>> -> memref<1x128xi32, #tpu.memory_space<vmem>>
    %dma_start3A_951 = tpu.memref_squeeze %dma_start3A_950 : memref<1x128xi32, #tpu.memory_space<vmem>> -> memref<128xi32, #tpu.memory_space<vmem>>
    %dma_start3A_952 = arith.constant 0 : i32
    %dma_start3A_953 = arith.constant 0 : i32
    %dma_start3A_954 = tpu.memref_slice %arg5[%dma_start3A_952, %dma_start3A_953] : memref<250000x128xf32, #tpu.memory_space<hbm>> -> memref<250000x128xf32, #tpu.memory_space<hbm>>
    tpu.enqueue_indirect_dma source(%dma_start3A_954 : memref<250000x128xf32, #tpu.memory_space<hbm>>) target(%dma_start3A_948 : memref<128x128xf32, #tpu.memory_space<vmem>>) offsets(%dma_start3A_951 : memref<128xi32, #tpu.memory_space<vmem>>) semaphore(%arg19 : memref<!tpu.dma_semaphore, #tpu.memory_space<semaphore_mem>>)
    %dma_wait3A_955 = arith.constant 2 : i32
    %dma_wait3A_956 = arith.constant 0 : i32
    %dma_wait3A_957 = arith.constant 0 : i32
    %dma_wait3A_958 = tpu.memref_slice %arg13[%dma_wait3A_956, %dma_wait3A_957] : memref<256x128xf32, #tpu.memory_space<vmem>> -> memref<128x128xf32, #tpu.memory_space<vmem>>
    %dma_wait3A_959 = arith.constant 0 : i32
    %dma_wait3A_960 = tpu.memref_slice %arg11[%dma_wait3A_955, %dma_wait3A_959] : memref<4x128xi32, #tpu.memory_space<vmem>> -> memref<1x128xi32, #tpu.memory_space<vmem>>
    %dma_wait3A_961 = tpu.memref_squeeze %dma_wait3A_960 : memref<1x128xi32, #tpu.memory_space<vmem>> -> memref<128xi32, #tpu.memory_space<vmem>>
    %dma_wait3A_962 = arith.constant 0 : i32
    %dma_wait3A_963 = arith.constant 0 : i32
    %dma_wait3A_964 = tpu.memref_slice %arg4[%dma_wait3A_962, %dma_wait3A_963] : memref<250000x128xf32, #tpu.memory_space<hbm>> -> memref<250000x128xf32, #tpu.memory_space<hbm>>
    tpu.wait_indirect_dma semaphore(%arg18 : memref<!tpu.dma_semaphore, #tpu.memory_space<semaphore_mem>>) src(%dma_wait3A_964 : memref<250000x128xf32, #tpu.memory_space<hbm>>) dst(%dma_wait3A_958 : memref<128x128xf32, #tpu.memory_space<vmem>>)
    %dma_wait3A_965 = arith.constant 2 : i32
    %dma_wait3A_966 = arith.constant 0 : i32
    %dma_wait3A_967 = arith.constant 0 : i32
    %dma_wait3A_968 = tpu.memref_slice %arg14[%dma_wait3A_966, %dma_wait3A_967] : memref<256x128xf32, #tpu.memory_space<vmem>> -> memref<128x128xf32, #tpu.memory_space<vmem>>
    %dma_wait3A_969 = arith.constant 0 : i32
    %dma_wait3A_970 = tpu.memref_slice %arg12[%dma_wait3A_965, %dma_wait3A_969] : memref<4x128xi32, #tpu.memory_space<vmem>> -> memref<1x128xi32, #tpu.memory_space<vmem>>
    %dma_wait3A_971 = tpu.memref_squeeze %dma_wait3A_970 : memref<1x128xi32, #tpu.memory_space<vmem>> -> memref<128xi32, #tpu.memory_space<vmem>>
    %dma_wait3A_972 = arith.constant 0 : i32
    %dma_wait3A_973 = arith.constant 0 : i32
    %dma_wait3A_974 = tpu.memref_slice %arg5[%dma_wait3A_972, %dma_wait3A_973] : memref<250000x128xf32, #tpu.memory_space<hbm>> -> memref<250000x128xf32, #tpu.memory_space<hbm>>
    tpu.wait_indirect_dma semaphore(%arg19 : memref<!tpu.dma_semaphore, #tpu.memory_space<semaphore_mem>>) src(%dma_wait3A_974 : memref<250000x128xf32, #tpu.memory_space<hbm>>) dst(%dma_wait3A_968 : memref<128x128xf32, #tpu.memory_space<vmem>>)
    %dma_wait3A_975 = arith.constant 3 : i32
    %dma_wait3A_976 = arith.constant 128 : i32
    %dma_wait3A_977 = arith.constant 0 : i32
    %dma_wait3A_978 = tpu.memref_slice %arg13[%dma_wait3A_976, %dma_wait3A_977] : memref<256x128xf32, #tpu.memory_space<vmem>> -> memref<128x128xf32, #tpu.memory_space<vmem>>
    %dma_wait3A_979 = arith.constant 0 : i32
    %dma_wait3A_980 = tpu.memref_slice %arg11[%dma_wait3A_975, %dma_wait3A_979] : memref<4x128xi32, #tpu.memory_space<vmem>> -> memref<1x128xi32, #tpu.memory_space<vmem>>
    %dma_wait3A_981 = tpu.memref_squeeze %dma_wait3A_980 : memref<1x128xi32, #tpu.memory_space<vmem>> -> memref<128xi32, #tpu.memory_space<vmem>>
    %dma_wait3A_982 = arith.constant 0 : i32
    %dma_wait3A_983 = arith.constant 0 : i32
    %dma_wait3A_984 = tpu.memref_slice %arg4[%dma_wait3A_982, %dma_wait3A_983] : memref<250000x128xf32, #tpu.memory_space<hbm>> -> memref<250000x128xf32, #tpu.memory_space<hbm>>
    tpu.wait_indirect_dma semaphore(%arg18 : memref<!tpu.dma_semaphore, #tpu.memory_space<semaphore_mem>>) src(%dma_wait3A_984 : memref<250000x128xf32, #tpu.memory_space<hbm>>) dst(%dma_wait3A_978 : memref<128x128xf32, #tpu.memory_space<vmem>>)
    %dma_wait3A_985 = arith.constant 3 : i32
    %dma_wait3A_986 = arith.constant 128 : i32
    %dma_wait3A_987 = arith.constant 0 : i32
    %dma_wait3A_988 = tpu.memref_slice %arg14[%dma_wait3A_986, %dma_wait3A_987] : memref<256x128xf32, #tpu.memory_space<vmem>> -> memref<128x128xf32, #tpu.memory_space<vmem>>
    %dma_wait3A_989 = arith.constant 0 : i32
    %dma_wait3A_990 = tpu.memref_slice %arg12[%dma_wait3A_985, %dma_wait3A_989] : memref<4x128xi32, #tpu.memory_space<vmem>> -> memref<1x128xi32, #tpu.memory_space<vmem>>
    %dma_wait3A_991 = tpu.memref_squeeze %dma_wait3A_990 : memref<1x128xi32, #tpu.memory_space<vmem>> -> memref<128xi32, #tpu.memory_space<vmem>>
    %dma_wait3A_992 = arith.constant 0 : i32
    %dma_wait3A_993 = arith.constant 0 : i32
    %dma_wait3A_994 = tpu.memref_slice %arg5[%dma_wait3A_992, %dma_wait3A_993] : memref<250000x128xf32, #tpu.memory_space<hbm>> -> memref<250000x128xf32, #tpu.memory_space<hbm>>
    tpu.wait_indirect_dma semaphore(%arg19 : memref<!tpu.dma_semaphore, #tpu.memory_space<semaphore_mem>>) src(%dma_wait3A_994 : memref<250000x128xf32, #tpu.memory_space<hbm>>) dst(%dma_wait3A_988 : memref<128x128xf32, #tpu.memory_space<vmem>>)
    %scan3A_995 = arith.constant 0 : i32
    %scan3A_996 = arith.constant 0 : i32
    %scan3A_997 = arith.constant 16 : i32
    %scan3A_998 = arith.addi %scan3A_996, %scan3A_997 : i32
    %scan3A_999 = arith.constant 1 : i32
    scf.for %scan3A_1001 = %scan3A_996 to %scan3A_998 step %scan3A_999  : i32 {
      %mul3A_1002 = arith.constant 16 : i32
      %mul3A_1003 = arith.muli %scan3A_1001, %mul3A_1002 : i32
      %multiple_of3A_1004 = tpu.assume_multiple %mul3A_1003, 16 : i32
      %mul3A_1005 = arith.constant 16 : i32
      %mul3A_1006 = arith.muli %scan3A_1001, %mul3A_1005 : i32
      %add3A_1007 = arith.constant 256 : i32
      %add3A_1008 = arith.addi %add3A_1007, %mul3A_1006 : i32
      %multiple_of3A_1009 = tpu.assume_multiple %add3A_1008, 16 : i32
      %add3A_1010 = vector.broadcast %multiple_of3A_1004 : i32 to vector<16xi32>
      %add3A_1011 = arith.addi %add3A_1010, %iota3A : vector<16xi32>
      %jit3A = arith.constant 128 : i32
      %div3A = arith.divsi %multiple_of3A_1009, %jit3A : i32
      %sign3A = arith.constant 0 : i32
      %sign3A_1012 = arith.cmpi sgt, %multiple_of3A_1009, %sign3A : i32
      %sign3A_1013 = arith.extui %sign3A_1012 : i1 to i32
      %sign3A_1014 = arith.constant 0 : i32
      %sign3A_1015 = arith.cmpi slt, %multiple_of3A_1009, %sign3A_1014 : i32
      %sign3A_1016 = arith.extui %sign3A_1015 : i1 to i32
      %sign3A_1017 = arith.subi %sign3A_1013, %sign3A_1016 : i32
      %sign3A_1018 = arith.constant 0 : i32
      %sign3A_1019 = arith.cmpi sgt, %jit3A, %sign3A_1018 : i32
      %sign3A_1020 = arith.extui %sign3A_1019 : i1 to i32
      %sign3A_1021 = arith.constant 0 : i32
      %sign3A_1022 = arith.cmpi slt, %jit3A, %sign3A_1021 : i32
      %sign3A_1023 = arith.extui %sign3A_1022 : i1 to i32
      %sign3A_1024 = arith.subi %sign3A_1020, %sign3A_1023 : i32
      %ne3A = arith.cmpi ne, %sign3A_1017, %sign3A_1024 : i32
      %rem3A = arith.remsi %multiple_of3A_1009, %jit3A : i32
      %ne3A_1025 = arith.constant 0 : i32
      %ne3A_1026 = arith.cmpi ne, %rem3A, %ne3A_1025 : i32
      %and3A = arith.andi %ne3A, %ne3A_1026 : i1
      %sub3A = arith.constant 1 : i32
      %sub3A_1027 = arith.subi %div3A, %sub3A : i32
      %select_n3A = arith.select %and3A, %sub3A_1027, %div3A : i32
      %jit3A_1028 = arith.constant 128 : i32
      %eq3A = arith.constant 0 : i32
      %eq3A_1029 = arith.cmpi eq, %jit3A_1028, %eq3A : i32
      %jit3A_1030 = arith.constant 1 : i32
      %select_n3A_1031 = arith.select %eq3A_1029, %jit3A_1030, %jit3A_1028 : i32
      %rem3A_1032 = arith.remsi %multiple_of3A_1009, %select_n3A_1031 : i32
      %ne3A_1033 = arith.constant 0 : i32
      %ne3A_1034 = arith.cmpi ne, %rem3A_1032, %ne3A_1033 : i32
      %lt3A = arith.constant 0 : i32
      %lt3A_1035 = arith.cmpi slt, %rem3A_1032, %lt3A : i32
      %lt3A_1036 = arith.constant 0 : i32
      %lt3A_1037 = arith.cmpi slt, %select_n3A_1031, %lt3A_1036 : i32
      %ne3A_1038 = arith.xori %lt3A_1035, %lt3A_1037 : i1
      %and3A_1039 = arith.andi %ne3A_1038, %ne3A_1034 : i1
      %add3A_1040 = arith.addi %rem3A_1032, %select_n3A_1031 : i32
      %select_n3A_1041 = arith.select %and3A_1039, %add3A_1040, %rem3A_1032 : i32
      %get3A_1042 = arith.index_cast %select_n3A : i32 to index
      %get3A_1043 = arith.index_cast %select_n3A_1041 : i32 to index
      %get3A_1044 = tpu.vector_load %arg9[%get3A_1042, %get3A_1043] {strides = array<i32>} : memref<4x128xi32, #tpu.memory_space<vmem>>, vector<16xi32>,
      %and3A_1045 = arith.constant 3 : i32
      %and3A_1046 = vector.broadcast %and3A_1045 : i32 to vector<16xi32>
      %and3A_1047 = arith.andi %get3A_1044, %and3A_1046 : vector<16xi32>
      %shift_left3A = arith.constant 5 : i32
      %shift_left3A_1048 = vector.broadcast %shift_left3A : i32 to vector<16xi32>
      %shift_left3A_1049 = arith.shli %and3A_1047, %shift_left3A_1048 : vector<16xi32>
      %get3A_1050 = arith.index_cast %select_n3A : i32 to index
      %get3A_1051 = arith.index_cast %select_n3A_1041 : i32 to index
      %get3A_1052 = tpu.vector_load %arg10[%get3A_1050, %get3A_1051] {strides = array<i32>} : memref<4x128xi32, #tpu.memory_space<vmem>>, vector<16xi32>,
      %and3A_1053 = arith.constant 3 : i32
      %and3A_1054 = vector.broadcast %and3A_1053 : i32 to vector<16xi32>
      %and3A_1055 = arith.andi %get3A_1052, %and3A_1054 : vector<16xi32>
      %shift_left3A_1056 = arith.constant 5 : i32
      %shift_left3A_1057 = vector.broadcast %shift_left3A_1056 : i32 to vector<16xi32>
      %shift_left3A_1058 = arith.shli %and3A_1055, %shift_left3A_1057 : vector<16xi32>
      %get3A_1059 = arith.index_cast %multiple_of3A_1009 : i32 to index
      %get3A_1060 = tpu.vector_load %arg15[%get3A_1059] {strides = array<i32>} : memref<512xf32, #tpu.memory_space<vmem>>, vector<16xf32>,
      %get3A_1061 = arith.index_cast %multiple_of3A_1009 : i32 to index
      %get3A_1062 = tpu.vector_load %arg16[%get3A_1061] {strides = array<i32>} : memref<512xf32, #tpu.memory_space<vmem>>, vector<16xf32>,
      %add3A_1063 = arith.addf %get3A_1060, %get3A_1062 : vector<16xf32>
      %add3A_1064 = arith.constant 0 : i32
      %add3A_1065 = vector.broadcast %add3A_1064 : i32 to vector<16xi32>
      %add3A_1066 = arith.addi %shift_left3A_1049, %add3A_1065 : vector<16xi32>
      %gather3A = tpu.vector_load_idx %arg13[%add3A_1011, %add3A_1066] : memref<256x128xf32, #tpu.memory_space<vmem>>[vector<16xi32>, vector<16xi32>], vector<16xf32>,
      %add3A_1067 = arith.constant 0 : i32
      %add3A_1068 = vector.broadcast %add3A_1067 : i32 to vector<16xi32>
      %add3A_1069 = arith.addi %shift_left3A_1058, %add3A_1068 : vector<16xi32>
      %gather3A_1070 = tpu.vector_load_idx %arg14[%add3A_1011, %add3A_1069] : memref<256x128xf32, #tpu.memory_space<vmem>>[vector<16xi32>, vector<16xi32>], vector<16xf32>,
      %mul3A_1071 = arith.mulf %gather3A, %gather3A_1070 : vector<16xf32>
      %add3A_1072 = arith.addf %add3A_1063, %mul3A_1071 : vector<16xf32>
      %add3A_1073 = arith.constant 1 : i32
      %add3A_1074 = vector.broadcast %add3A_1073 : i32 to vector<16xi32>
      %add3A_1075 = arith.addi %shift_left3A_1049, %add3A_1074 : vector<16xi32>
      %gather3A_1076 = tpu.vector_load_idx %arg13[%add3A_1011, %add3A_1075] : memref<256x128xf32, #tpu.memory_space<vmem>>[vector<16xi32>, vector<16xi32>], vector<16xf32>,
      %add3A_1077 = arith.constant 1 : i32
      %add3A_1078 = vector.broadcast %add3A_1077 : i32 to vector<16xi32>
      %add3A_1079 = arith.addi %shift_left3A_1058, %add3A_1078 : vector<16xi32>
      %gather3A_1080 = tpu.vector_load_idx %arg14[%add3A_1011, %add3A_1079] : memref<256x128xf32, #tpu.memory_space<vmem>>[vector<16xi32>, vector<16xi32>], vector<16xf32>,
      %mul3A_1081 = arith.mulf %gather3A_1076, %gather3A_1080 : vector<16xf32>
      %add3A_1082 = arith.addf %add3A_1072, %mul3A_1081 : vector<16xf32>
      %add3A_1083 = arith.constant 2 : i32
      %add3A_1084 = vector.broadcast %add3A_1083 : i32 to vector<16xi32>
      %add3A_1085 = arith.addi %shift_left3A_1049, %add3A_1084 : vector<16xi32>
      %gather3A_1086 = tpu.vector_load_idx %arg13[%add3A_1011, %add3A_1085] : memref<256x128xf32, #tpu.memory_space<vmem>>[vector<16xi32>, vector<16xi32>], vector<16xf32>,
      %add3A_1087 = arith.constant 2 : i32
      %add3A_1088 = vector.broadcast %add3A_1087 : i32 to vector<16xi32>
      %add3A_1089 = arith.addi %shift_left3A_1058, %add3A_1088 : vector<16xi32>
      %gather3A_1090 = tpu.vector_load_idx %arg14[%add3A_1011, %add3A_1089] : memref<256x128xf32, #tpu.memory_space<vmem>>[vector<16xi32>, vector<16xi32>], vector<16xf32>,
      %mul3A_1091 = arith.mulf %gather3A_1086, %gather3A_1090 : vector<16xf32>
      %add3A_1092 = arith.addf %add3A_1082, %mul3A_1091 : vector<16xf32>
      %add3A_1093 = arith.constant 3 : i32
      %add3A_1094 = vector.broadcast %add3A_1093 : i32 to vector<16xi32>
      %add3A_1095 = arith.addi %shift_left3A_1049, %add3A_1094 : vector<16xi32>
      %gather3A_1096 = tpu.vector_load_idx %arg13[%add3A_1011, %add3A_1095] : memref<256x128xf32, #tpu.memory_space<vmem>>[vector<16xi32>, vector<16xi32>], vector<16xf32>,
      %add3A_1097 = arith.constant 3 : i32
      %add3A_1098 = vector.broadcast %add3A_1097 : i32 to vector<16xi32>
      %add3A_1099 = arith.addi %shift_left3A_1058, %add3A_1098 : vector<16xi32>
      %gather3A_1100 = tpu.vector_load_idx %arg14[%add3A_1011, %add3A_1099] : memref<256x128xf32, #tpu.memory_space<vmem>>[vector<16xi32>, vector<16xi32>], vector<16xf32>,
      %mul3A_1101 = arith.mulf %gather3A_1096, %gather3A_1100 : vector<16xf32>
      %add3A_1102 = arith.addf %add3A_1092, %mul3A_1101 : vector<16xf32>
      %add3A_1103 = arith.constant 4 : i32
      %add3A_1104 = vector.broadcast %add3A_1103 : i32 to vector<16xi32>
      %add3A_1105 = arith.addi %shift_left3A_1049, %add3A_1104 : vector<16xi32>
      %gather3A_1106 = tpu.vector_load_idx %arg13[%add3A_1011, %add3A_1105] : memref<256x128xf32, #tpu.memory_space<vmem>>[vector<16xi32>, vector<16xi32>], vector<16xf32>,
      %add3A_1107 = arith.constant 4 : i32
      %add3A_1108 = vector.broadcast %add3A_1107 : i32 to vector<16xi32>
      %add3A_1109 = arith.addi %shift_left3A_1058, %add3A_1108 : vector<16xi32>
      %gather3A_1110 = tpu.vector_load_idx %arg14[%add3A_1011, %add3A_1109] : memref<256x128xf32, #tpu.memory_space<vmem>>[vector<16xi32>, vector<16xi32>], vector<16xf32>,
      %mul3A_1111 = arith.mulf %gather3A_1106, %gather3A_1110 : vector<16xf32>
      %add3A_1112 = arith.addf %add3A_1102, %mul3A_1111 : vector<16xf32>
      %add3A_1113 = arith.constant 5 : i32
      %add3A_1114 = vector.broadcast %add3A_1113 : i32 to vector<16xi32>
      %add3A_1115 = arith.addi %shift_left3A_1049, %add3A_1114 : vector<16xi32>
      %gather3A_1116 = tpu.vector_load_idx %arg13[%add3A_1011, %add3A_1115] : memref<256x128xf32, #tpu.memory_space<vmem>>[vector<16xi32>, vector<16xi32>], vector<16xf32>,
      %add3A_1117 = arith.constant 5 : i32
      %add3A_1118 = vector.broadcast %add3A_1117 : i32 to vector<16xi32>
      %add3A_1119 = arith.addi %shift_left3A_1058, %add3A_1118 : vector<16xi32>
      %gather3A_1120 = tpu.vector_load_idx %arg14[%add3A_1011, %add3A_1119] : memref<256x128xf32, #tpu.memory_space<vmem>>[vector<16xi32>, vector<16xi32>], vector<16xf32>,
      %mul3A_1121 = arith.mulf %gather3A_1116, %gather3A_1120 : vector<16xf32>
      %add3A_1122 = arith.addf %add3A_1112, %mul3A_1121 : vector<16xf32>
      %add3A_1123 = arith.constant 6 : i32
      %add3A_1124 = vector.broadcast %add3A_1123 : i32 to vector<16xi32>
      %add3A_1125 = arith.addi %shift_left3A_1049, %add3A_1124 : vector<16xi32>
      %gather3A_1126 = tpu.vector_load_idx %arg13[%add3A_1011, %add3A_1125] : memref<256x128xf32, #tpu.memory_space<vmem>>[vector<16xi32>, vector<16xi32>], vector<16xf32>,
      %add3A_1127 = arith.constant 6 : i32
      %add3A_1128 = vector.broadcast %add3A_1127 : i32 to vector<16xi32>
      %add3A_1129 = arith.addi %shift_left3A_1058, %add3A_1128 : vector<16xi32>
      %gather3A_1130 = tpu.vector_load_idx %arg14[%add3A_1011, %add3A_1129] : memref<256x128xf32, #tpu.memory_space<vmem>>[vector<16xi32>, vector<16xi32>], vector<16xf32>,
      %mul3A_1131 = arith.mulf %gather3A_1126, %gather3A_1130 : vector<16xf32>
      %add3A_1132 = arith.addf %add3A_1122, %mul3A_1131 : vector<16xf32>
      %add3A_1133 = arith.constant 7 : i32
      %add3A_1134 = vector.broadcast %add3A_1133 : i32 to vector<16xi32>
      %add3A_1135 = arith.addi %shift_left3A_1049, %add3A_1134 : vector<16xi32>
      %gather3A_1136 = tpu.vector_load_idx %arg13[%add3A_1011, %add3A_1135] : memref<256x128xf32, #tpu.memory_space<vmem>>[vector<16xi32>, vector<16xi32>], vector<16xf32>,
      %add3A_1137 = arith.constant 7 : i32
      %add3A_1138 = vector.broadcast %add3A_1137 : i32 to vector<16xi32>
      %add3A_1139 = arith.addi %shift_left3A_1058, %add3A_1138 : vector<16xi32>
      %gather3A_1140 = tpu.vector_load_idx %arg14[%add3A_1011, %add3A_1139] : memref<256x128xf32, #tpu.memory_space<vmem>>[vector<16xi32>, vector<16xi32>], vector<16xf32>,
      %mul3A_1141 = arith.mulf %gather3A_1136, %gather3A_1140 : vector<16xf32>
      %add3A_1142 = arith.addf %add3A_1132, %mul3A_1141 : vector<16xf32>
      %add3A_1143 = arith.constant 8 : i32
      %add3A_1144 = vector.broadcast %add3A_1143 : i32 to vector<16xi32>
      %add3A_1145 = arith.addi %shift_left3A_1049, %add3A_1144 : vector<16xi32>
      %gather3A_1146 = tpu.vector_load_idx %arg13[%add3A_1011, %add3A_1145] : memref<256x128xf32, #tpu.memory_space<vmem>>[vector<16xi32>, vector<16xi32>], vector<16xf32>,
      %add3A_1147 = arith.constant 8 : i32
      %add3A_1148 = vector.broadcast %add3A_1147 : i32 to vector<16xi32>
      %add3A_1149 = arith.addi %shift_left3A_1058, %add3A_1148 : vector<16xi32>
      %gather3A_1150 = tpu.vector_load_idx %arg14[%add3A_1011, %add3A_1149] : memref<256x128xf32, #tpu.memory_space<vmem>>[vector<16xi32>, vector<16xi32>], vector<16xf32>,
      %mul3A_1151 = arith.mulf %gather3A_1146, %gather3A_1150 : vector<16xf32>
      %add3A_1152 = arith.addf %add3A_1142, %mul3A_1151 : vector<16xf32>
      %add3A_1153 = arith.constant 9 : i32
      %add3A_1154 = vector.broadcast %add3A_1153 : i32 to vector<16xi32>
      %add3A_1155 = arith.addi %shift_left3A_1049, %add3A_1154 : vector<16xi32>
      %gather3A_1156 = tpu.vector_load_idx %arg13[%add3A_1011, %add3A_1155] : memref<256x128xf32, #tpu.memory_space<vmem>>[vector<16xi32>, vector<16xi32>], vector<16xf32>,
      %add3A_1157 = arith.constant 9 : i32
      %add3A_1158 = vector.broadcast %add3A_1157 : i32 to vector<16xi32>
      %add3A_1159 = arith.addi %shift_left3A_1058, %add3A_1158 : vector<16xi32>
      %gather3A_1160 = tpu.vector_load_idx %arg14[%add3A_1011, %add3A_1159] : memref<256x128xf32, #tpu.memory_space<vmem>>[vector<16xi32>, vector<16xi32>], vector<16xf32>,
      %mul3A_1161 = arith.mulf %gather3A_1156, %gather3A_1160 : vector<16xf32>
      %add3A_1162 = arith.addf %add3A_1152, %mul3A_1161 : vector<16xf32>
      %add3A_1163 = arith.constant 10 : i32
      %add3A_1164 = vector.broadcast %add3A_1163 : i32 to vector<16xi32>
      %add3A_1165 = arith.addi %shift_left3A_1049, %add3A_1164 : vector<16xi32>
      %gather3A_1166 = tpu.vector_load_idx %arg13[%add3A_1011, %add3A_1165] : memref<256x128xf32, #tpu.memory_space<vmem>>[vector<16xi32>, vector<16xi32>], vector<16xf32>,
      %add3A_1167 = arith.constant 10 : i32
      %add3A_1168 = vector.broadcast %add3A_1167 : i32 to vector<16xi32>
      %add3A_1169 = arith.addi %shift_left3A_1058, %add3A_1168 : vector<16xi32>
      %gather3A_1170 = tpu.vector_load_idx %arg14[%add3A_1011, %add3A_1169] : memref<256x128xf32, #tpu.memory_space<vmem>>[vector<16xi32>, vector<16xi32>], vector<16xf32>,
      %mul3A_1171 = arith.mulf %gather3A_1166, %gather3A_1170 : vector<16xf32>
      %add3A_1172 = arith.addf %add3A_1162, %mul3A_1171 : vector<16xf32>
      %add3A_1173 = arith.constant 11 : i32
      %add3A_1174 = vector.broadcast %add3A_1173 : i32 to vector<16xi32>
      %add3A_1175 = arith.addi %shift_left3A_1049, %add3A_1174 : vector<16xi32>
      %gather3A_1176 = tpu.vector_load_idx %arg13[%add3A_1011, %add3A_1175] : memref<256x128xf32, #tpu.memory_space<vmem>>[vector<16xi32>, vector<16xi32>], vector<16xf32>,
      %add3A_1177 = arith.constant 11 : i32
      %add3A_1178 = vector.broadcast %add3A_1177 : i32 to vector<16xi32>
      %add3A_1179 = arith.addi %shift_left3A_1058, %add3A_1178 : vector<16xi32>
      %gather3A_1180 = tpu.vector_load_idx %arg14[%add3A_1011, %add3A_1179] : memref<256x128xf32, #tpu.memory_space<vmem>>[vector<16xi32>, vector<16xi32>], vector<16xf32>,
      %mul3A_1181 = arith.mulf %gather3A_1176, %gather3A_1180 : vector<16xf32>
      %add3A_1182 = arith.addf %add3A_1172, %mul3A_1181 : vector<16xf32>
      %add3A_1183 = arith.constant 12 : i32
      %add3A_1184 = vector.broadcast %add3A_1183 : i32 to vector<16xi32>
      %add3A_1185 = arith.addi %shift_left3A_1049, %add3A_1184 : vector<16xi32>
      %gather3A_1186 = tpu.vector_load_idx %arg13[%add3A_1011, %add3A_1185] : memref<256x128xf32, #tpu.memory_space<vmem>>[vector<16xi32>, vector<16xi32>], vector<16xf32>,
      %add3A_1187 = arith.constant 12 : i32
      %add3A_1188 = vector.broadcast %add3A_1187 : i32 to vector<16xi32>
      %add3A_1189 = arith.addi %shift_left3A_1058, %add3A_1188 : vector<16xi32>
      %gather3A_1190 = tpu.vector_load_idx %arg14[%add3A_1011, %add3A_1189] : memref<256x128xf32, #tpu.memory_space<vmem>>[vector<16xi32>, vector<16xi32>], vector<16xf32>,
      %mul3A_1191 = arith.mulf %gather3A_1186, %gather3A_1190 : vector<16xf32>
      %add3A_1192 = arith.addf %add3A_1182, %mul3A_1191 : vector<16xf32>
      %add3A_1193 = arith.constant 13 : i32
      %add3A_1194 = vector.broadcast %add3A_1193 : i32 to vector<16xi32>
      %add3A_1195 = arith.addi %shift_left3A_1049, %add3A_1194 : vector<16xi32>
      %gather3A_1196 = tpu.vector_load_idx %arg13[%add3A_1011, %add3A_1195] : memref<256x128xf32, #tpu.memory_space<vmem>>[vector<16xi32>, vector<16xi32>], vector<16xf32>,
      %add3A_1197 = arith.constant 13 : i32
      %add3A_1198 = vector.broadcast %add3A_1197 : i32 to vector<16xi32>
      %add3A_1199 = arith.addi %shift_left3A_1058, %add3A_1198 : vector<16xi32>
      %gather3A_1200 = tpu.vector_load_idx %arg14[%add3A_1011, %add3A_1199] : memref<256x128xf32, #tpu.memory_space<vmem>>[vector<16xi32>, vector<16xi32>], vector<16xf32>,
      %mul3A_1201 = arith.mulf %gather3A_1196, %gather3A_1200 : vector<16xf32>
      %add3A_1202 = arith.addf %add3A_1192, %mul3A_1201 : vector<16xf32>
      %add3A_1203 = arith.constant 14 : i32
      %add3A_1204 = vector.broadcast %add3A_1203 : i32 to vector<16xi32>
      %add3A_1205 = arith.addi %shift_left3A_1049, %add3A_1204 : vector<16xi32>
      %gather3A_1206 = tpu.vector_load_idx %arg13[%add3A_1011, %add3A_1205] : memref<256x128xf32, #tpu.memory_space<vmem>>[vector<16xi32>, vector<16xi32>], vector<16xf32>,
      %add3A_1207 = arith.constant 14 : i32
      %add3A_1208 = vector.broadcast %add3A_1207 : i32 to vector<16xi32>
      %add3A_1209 = arith.addi %shift_left3A_1058, %add3A_1208 : vector<16xi32>
      %gather3A_1210 = tpu.vector_load_idx %arg14[%add3A_1011, %add3A_1209] : memref<256x128xf32, #tpu.memory_space<vmem>>[vector<16xi32>, vector<16xi32>], vector<16xf32>,
      %mul3A_1211 = arith.mulf %gather3A_1206, %gather3A_1210 : vector<16xf32>
      %add3A_1212 = arith.addf %add3A_1202, %mul3A_1211 : vector<16xf32>
      %add3A_1213 = arith.constant 15 : i32
      %add3A_1214 = vector.broadcast %add3A_1213 : i32 to vector<16xi32>
      %add3A_1215 = arith.addi %shift_left3A_1049, %add3A_1214 : vector<16xi32>
      %gather3A_1216 = tpu.vector_load_idx %arg13[%add3A_1011, %add3A_1215] : memref<256x128xf32, #tpu.memory_space<vmem>>[vector<16xi32>, vector<16xi32>], vector<16xf32>,
      %add3A_1217 = arith.constant 15 : i32
      %add3A_1218 = vector.broadcast %add3A_1217 : i32 to vector<16xi32>
      %add3A_1219 = arith.addi %shift_left3A_1058, %add3A_1218 : vector<16xi32>
      %gather3A_1220 = tpu.vector_load_idx %arg14[%add3A_1011, %add3A_1219] : memref<256x128xf32, #tpu.memory_space<vmem>>[vector<16xi32>, vector<16xi32>], vector<16xf32>,
      %mul3A_1221 = arith.mulf %gather3A_1216, %gather3A_1220 : vector<16xf32>
      %add3A_1222 = arith.addf %add3A_1212, %mul3A_1221 : vector<16xf32>
      %add3A_1223 = arith.constant 16 : i32
      %add3A_1224 = vector.broadcast %add3A_1223 : i32 to vector<16xi32>
      %add3A_1225 = arith.addi %shift_left3A_1049, %add3A_1224 : vector<16xi32>
      %gather3A_1226 = tpu.vector_load_idx %arg13[%add3A_1011, %add3A_1225] : memref<256x128xf32, #tpu.memory_space<vmem>>[vector<16xi32>, vector<16xi32>], vector<16xf32>,
      %add3A_1227 = arith.constant 16 : i32
      %add3A_1228 = vector.broadcast %add3A_1227 : i32 to vector<16xi32>
      %add3A_1229 = arith.addi %shift_left3A_1058, %add3A_1228 : vector<16xi32>
      %gather3A_1230 = tpu.vector_load_idx %arg14[%add3A_1011, %add3A_1229] : memref<256x128xf32, #tpu.memory_space<vmem>>[vector<16xi32>, vector<16xi32>], vector<16xf32>,
      %mul3A_1231 = arith.mulf %gather3A_1226, %gather3A_1230 : vector<16xf32>
      %add3A_1232 = arith.addf %add3A_1222, %mul3A_1231 : vector<16xf32>
      %add3A_1233 = arith.constant 17 : i32
      %add3A_1234 = vector.broadcast %add3A_1233 : i32 to vector<16xi32>
      %add3A_1235 = arith.addi %shift_left3A_1049, %add3A_1234 : vector<16xi32>
      %gather3A_1236 = tpu.vector_load_idx %arg13[%add3A_1011, %add3A_1235] : memref<256x128xf32, #tpu.memory_space<vmem>>[vector<16xi32>, vector<16xi32>], vector<16xf32>,
      %add3A_1237 = arith.constant 17 : i32
      %add3A_1238 = vector.broadcast %add3A_1237 : i32 to vector<16xi32>
      %add3A_1239 = arith.addi %shift_left3A_1058, %add3A_1238 : vector<16xi32>
      %gather3A_1240 = tpu.vector_load_idx %arg14[%add3A_1011, %add3A_1239] : memref<256x128xf32, #tpu.memory_space<vmem>>[vector<16xi32>, vector<16xi32>], vector<16xf32>,
      %mul3A_1241 = arith.mulf %gather3A_1236, %gather3A_1240 : vector<16xf32>
      %add3A_1242 = arith.addf %add3A_1232, %mul3A_1241 : vector<16xf32>
      %add3A_1243 = arith.constant 18 : i32
      %add3A_1244 = vector.broadcast %add3A_1243 : i32 to vector<16xi32>
      %add3A_1245 = arith.addi %shift_left3A_1049, %add3A_1244 : vector<16xi32>
      %gather3A_1246 = tpu.vector_load_idx %arg13[%add3A_1011, %add3A_1245] : memref<256x128xf32, #tpu.memory_space<vmem>>[vector<16xi32>, vector<16xi32>], vector<16xf32>,
      %add3A_1247 = arith.constant 18 : i32
      %add3A_1248 = vector.broadcast %add3A_1247 : i32 to vector<16xi32>
      %add3A_1249 = arith.addi %shift_left3A_1058, %add3A_1248 : vector<16xi32>
      %gather3A_1250 = tpu.vector_load_idx %arg14[%add3A_1011, %add3A_1249] : memref<256x128xf32, #tpu.memory_space<vmem>>[vector<16xi32>, vector<16xi32>], vector<16xf32>,
      %mul3A_1251 = arith.mulf %gather3A_1246, %gather3A_1250 : vector<16xf32>
      %add3A_1252 = arith.addf %add3A_1242, %mul3A_1251 : vector<16xf32>
      %add3A_1253 = arith.constant 19 : i32
      %add3A_1254 = vector.broadcast %add3A_1253 : i32 to vector<16xi32>
      %add3A_1255 = arith.addi %shift_left3A_1049, %add3A_1254 : vector<16xi32>
      %gather3A_1256 = tpu.vector_load_idx %arg13[%add3A_1011, %add3A_1255] : memref<256x128xf32, #tpu.memory_space<vmem>>[vector<16xi32>, vector<16xi32>], vector<16xf32>,
      %add3A_1257 = arith.constant 19 : i32
      %add3A_1258 = vector.broadcast %add3A_1257 : i32 to vector<16xi32>
      %add3A_1259 = arith.addi %shift_left3A_1058, %add3A_1258 : vector<16xi32>
      %gather3A_1260 = tpu.vector_load_idx %arg14[%add3A_1011, %add3A_1259] : memref<256x128xf32, #tpu.memory_space<vmem>>[vector<16xi32>, vector<16xi32>], vector<16xf32>,
      %mul3A_1261 = arith.mulf %gather3A_1256, %gather3A_1260 : vector<16xf32>
      %add3A_1262 = arith.addf %add3A_1252, %mul3A_1261 : vector<16xf32>
      %add3A_1263 = arith.constant 20 : i32
      %add3A_1264 = vector.broadcast %add3A_1263 : i32 to vector<16xi32>
      %add3A_1265 = arith.addi %shift_left3A_1049, %add3A_1264 : vector<16xi32>
      %gather3A_1266 = tpu.vector_load_idx %arg13[%add3A_1011, %add3A_1265] : memref<256x128xf32, #tpu.memory_space<vmem>>[vector<16xi32>, vector<16xi32>], vector<16xf32>,
      %add3A_1267 = arith.constant 20 : i32
      %add3A_1268 = vector.broadcast %add3A_1267 : i32 to vector<16xi32>
      %add3A_1269 = arith.addi %shift_left3A_1058, %add3A_1268 : vector<16xi32>
      %gather3A_1270 = tpu.vector_load_idx %arg14[%add3A_1011, %add3A_1269] : memref<256x128xf32, #tpu.memory_space<vmem>>[vector<16xi32>, vector<16xi32>], vector<16xf32>,
      %mul3A_1271 = arith.mulf %gather3A_1266, %gather3A_1270 : vector<16xf32>
      %add3A_1272 = arith.addf %add3A_1262, %mul3A_1271 : vector<16xf32>
      %add3A_1273 = arith.constant 21 : i32
      %add3A_1274 = vector.broadcast %add3A_1273 : i32 to vector<16xi32>
      %add3A_1275 = arith.addi %shift_left3A_1049, %add3A_1274 : vector<16xi32>
      %gather3A_1276 = tpu.vector_load_idx %arg13[%add3A_1011, %add3A_1275] : memref<256x128xf32, #tpu.memory_space<vmem>>[vector<16xi32>, vector<16xi32>], vector<16xf32>,
      %add3A_1277 = arith.constant 21 : i32
      %add3A_1278 = vector.broadcast %add3A_1277 : i32 to vector<16xi32>
      %add3A_1279 = arith.addi %shift_left3A_1058, %add3A_1278 : vector<16xi32>
      %gather3A_1280 = tpu.vector_load_idx %arg14[%add3A_1011, %add3A_1279] : memref<256x128xf32, #tpu.memory_space<vmem>>[vector<16xi32>, vector<16xi32>], vector<16xf32>,
      %mul3A_1281 = arith.mulf %gather3A_1276, %gather3A_1280 : vector<16xf32>
      %add3A_1282 = arith.addf %add3A_1272, %mul3A_1281 : vector<16xf32>
      %add3A_1283 = arith.constant 22 : i32
      %add3A_1284 = vector.broadcast %add3A_1283 : i32 to vector<16xi32>
      %add3A_1285 = arith.addi %shift_left3A_1049, %add3A_1284 : vector<16xi32>
      %gather3A_1286 = tpu.vector_load_idx %arg13[%add3A_1011, %add3A_1285] : memref<256x128xf32, #tpu.memory_space<vmem>>[vector<16xi32>, vector<16xi32>], vector<16xf32>,
      %add3A_1287 = arith.constant 22 : i32
      %add3A_1288 = vector.broadcast %add3A_1287 : i32 to vector<16xi32>
      %add3A_1289 = arith.addi %shift_left3A_1058, %add3A_1288 : vector<16xi32>
      %gather3A_1290 = tpu.vector_load_idx %arg14[%add3A_1011, %add3A_1289] : memref<256x128xf32, #tpu.memory_space<vmem>>[vector<16xi32>, vector<16xi32>], vector<16xf32>,
      %mul3A_1291 = arith.mulf %gather3A_1286, %gather3A_1290 : vector<16xf32>
      %add3A_1292 = arith.addf %add3A_1282, %mul3A_1291 : vector<16xf32>
      %add3A_1293 = arith.constant 23 : i32
      %add3A_1294 = vector.broadcast %add3A_1293 : i32 to vector<16xi32>
      %add3A_1295 = arith.addi %shift_left3A_1049, %add3A_1294 : vector<16xi32>
      %gather3A_1296 = tpu.vector_load_idx %arg13[%add3A_1011, %add3A_1295] : memref<256x128xf32, #tpu.memory_space<vmem>>[vector<16xi32>, vector<16xi32>], vector<16xf32>,
      %add3A_1297 = arith.constant 23 : i32
      %add3A_1298 = vector.broadcast %add3A_1297 : i32 to vector<16xi32>
      %add3A_1299 = arith.addi %shift_left3A_1058, %add3A_1298 : vector<16xi32>
      %gather3A_1300 = tpu.vector_load_idx %arg14[%add3A_1011, %add3A_1299] : memref<256x128xf32, #tpu.memory_space<vmem>>[vector<16xi32>, vector<16xi32>], vector<16xf32>,
      %mul3A_1301 = arith.mulf %gather3A_1296, %gather3A_1300 : vector<16xf32>
      %add3A_1302 = arith.addf %add3A_1292, %mul3A_1301 : vector<16xf32>
      %add3A_1303 = arith.constant 24 : i32
      %add3A_1304 = vector.broadcast %add3A_1303 : i32 to vector<16xi32>
      %add3A_1305 = arith.addi %shift_left3A_1049, %add3A_1304 : vector<16xi32>
      %gather3A_1306 = tpu.vector_load_idx %arg13[%add3A_1011, %add3A_1305] : memref<256x128xf32, #tpu.memory_space<vmem>>[vector<16xi32>, vector<16xi32>], vector<16xf32>,
      %add3A_1307 = arith.constant 24 : i32
      %add3A_1308 = vector.broadcast %add3A_1307 : i32 to vector<16xi32>
      %add3A_1309 = arith.addi %shift_left3A_1058, %add3A_1308 : vector<16xi32>
      %gather3A_1310 = tpu.vector_load_idx %arg14[%add3A_1011, %add3A_1309] : memref<256x128xf32, #tpu.memory_space<vmem>>[vector<16xi32>, vector<16xi32>], vector<16xf32>,
      %mul3A_1311 = arith.mulf %gather3A_1306, %gather3A_1310 : vector<16xf32>
      %add3A_1312 = arith.addf %add3A_1302, %mul3A_1311 : vector<16xf32>
      %add3A_1313 = arith.constant 25 : i32
      %add3A_1314 = vector.broadcast %add3A_1313 : i32 to vector<16xi32>
      %add3A_1315 = arith.addi %shift_left3A_1049, %add3A_1314 : vector<16xi32>
      %gather3A_1316 = tpu.vector_load_idx %arg13[%add3A_1011, %add3A_1315] : memref<256x128xf32, #tpu.memory_space<vmem>>[vector<16xi32>, vector<16xi32>], vector<16xf32>,
      %add3A_1317 = arith.constant 25 : i32
      %add3A_1318 = vector.broadcast %add3A_1317 : i32 to vector<16xi32>
      %add3A_1319 = arith.addi %shift_left3A_1058, %add3A_1318 : vector<16xi32>
      %gather3A_1320 = tpu.vector_load_idx %arg14[%add3A_1011, %add3A_1319] : memref<256x128xf32, #tpu.memory_space<vmem>>[vector<16xi32>, vector<16xi32>], vector<16xf32>,
      %mul3A_1321 = arith.mulf %gather3A_1316, %gather3A_1320 : vector<16xf32>
      %add3A_1322 = arith.addf %add3A_1312, %mul3A_1321 : vector<16xf32>
      %add3A_1323 = arith.constant 26 : i32
      %add3A_1324 = vector.broadcast %add3A_1323 : i32 to vector<16xi32>
      %add3A_1325 = arith.addi %shift_left3A_1049, %add3A_1324 : vector<16xi32>
      %gather3A_1326 = tpu.vector_load_idx %arg13[%add3A_1011, %add3A_1325] : memref<256x128xf32, #tpu.memory_space<vmem>>[vector<16xi32>, vector<16xi32>], vector<16xf32>,
      %add3A_1327 = arith.constant 26 : i32
      %add3A_1328 = vector.broadcast %add3A_1327 : i32 to vector<16xi32>
      %add3A_1329 = arith.addi %shift_left3A_1058, %add3A_1328 : vector<16xi32>
      %gather3A_1330 = tpu.vector_load_idx %arg14[%add3A_1011, %add3A_1329] : memref<256x128xf32, #tpu.memory_space<vmem>>[vector<16xi32>, vector<16xi32>], vector<16xf32>,
      %mul3A_1331 = arith.mulf %gather3A_1326, %gather3A_1330 : vector<16xf32>
      %add3A_1332 = arith.addf %add3A_1322, %mul3A_1331 : vector<16xf32>
      %add3A_1333 = arith.constant 27 : i32
      %add3A_1334 = vector.broadcast %add3A_1333 : i32 to vector<16xi32>
      %add3A_1335 = arith.addi %shift_left3A_1049, %add3A_1334 : vector<16xi32>
      %gather3A_1336 = tpu.vector_load_idx %arg13[%add3A_1011, %add3A_1335] : memref<256x128xf32, #tpu.memory_space<vmem>>[vector<16xi32>, vector<16xi32>], vector<16xf32>,
      %add3A_1337 = arith.constant 27 : i32
      %add3A_1338 = vector.broadcast %add3A_1337 : i32 to vector<16xi32>
      %add3A_1339 = arith.addi %shift_left3A_1058, %add3A_1338 : vector<16xi32>
      %gather3A_1340 = tpu.vector_load_idx %arg14[%add3A_1011, %add3A_1339] : memref<256x128xf32, #tpu.memory_space<vmem>>[vector<16xi32>, vector<16xi32>], vector<16xf32>,
      %mul3A_1341 = arith.mulf %gather3A_1336, %gather3A_1340 : vector<16xf32>
      %add3A_1342 = arith.addf %add3A_1332, %mul3A_1341 : vector<16xf32>
      %add3A_1343 = arith.constant 28 : i32
      %add3A_1344 = vector.broadcast %add3A_1343 : i32 to vector<16xi32>
      %add3A_1345 = arith.addi %shift_left3A_1049, %add3A_1344 : vector<16xi32>
      %gather3A_1346 = tpu.vector_load_idx %arg13[%add3A_1011, %add3A_1345] : memref<256x128xf32, #tpu.memory_space<vmem>>[vector<16xi32>, vector<16xi32>], vector<16xf32>,
      %add3A_1347 = arith.constant 28 : i32
      %add3A_1348 = vector.broadcast %add3A_1347 : i32 to vector<16xi32>
      %add3A_1349 = arith.addi %shift_left3A_1058, %add3A_1348 : vector<16xi32>
      %gather3A_1350 = tpu.vector_load_idx %arg14[%add3A_1011, %add3A_1349] : memref<256x128xf32, #tpu.memory_space<vmem>>[vector<16xi32>, vector<16xi32>], vector<16xf32>,
      %mul3A_1351 = arith.mulf %gather3A_1346, %gather3A_1350 : vector<16xf32>
      %add3A_1352 = arith.addf %add3A_1342, %mul3A_1351 : vector<16xf32>
      %add3A_1353 = arith.constant 29 : i32
      %add3A_1354 = vector.broadcast %add3A_1353 : i32 to vector<16xi32>
      %add3A_1355 = arith.addi %shift_left3A_1049, %add3A_1354 : vector<16xi32>
      %gather3A_1356 = tpu.vector_load_idx %arg13[%add3A_1011, %add3A_1355] : memref<256x128xf32, #tpu.memory_space<vmem>>[vector<16xi32>, vector<16xi32>], vector<16xf32>,
      %add3A_1357 = arith.constant 29 : i32
      %add3A_1358 = vector.broadcast %add3A_1357 : i32 to vector<16xi32>
      %add3A_1359 = arith.addi %shift_left3A_1058, %add3A_1358 : vector<16xi32>
      %gather3A_1360 = tpu.vector_load_idx %arg14[%add3A_1011, %add3A_1359] : memref<256x128xf32, #tpu.memory_space<vmem>>[vector<16xi32>, vector<16xi32>], vector<16xf32>,
      %mul3A_1361 = arith.mulf %gather3A_1356, %gather3A_1360 : vector<16xf32>
      %add3A_1362 = arith.addf %add3A_1352, %mul3A_1361 : vector<16xf32>
      %add3A_1363 = arith.constant 30 : i32
      %add3A_1364 = vector.broadcast %add3A_1363 : i32 to vector<16xi32>
      %add3A_1365 = arith.addi %shift_left3A_1049, %add3A_1364 : vector<16xi32>
      %gather3A_1366 = tpu.vector_load_idx %arg13[%add3A_1011, %add3A_1365] : memref<256x128xf32, #tpu.memory_space<vmem>>[vector<16xi32>, vector<16xi32>], vector<16xf32>,
      %add3A_1367 = arith.constant 30 : i32
      %add3A_1368 = vector.broadcast %add3A_1367 : i32 to vector<16xi32>
      %add3A_1369 = arith.addi %shift_left3A_1058, %add3A_1368 : vector<16xi32>
      %gather3A_1370 = tpu.vector_load_idx %arg14[%add3A_1011, %add3A_1369] : memref<256x128xf32, #tpu.memory_space<vmem>>[vector<16xi32>, vector<16xi32>], vector<16xf32>,
      %mul3A_1371 = arith.mulf %gather3A_1366, %gather3A_1370 : vector<16xf32>
      %add3A_1372 = arith.addf %add3A_1362, %mul3A_1371 : vector<16xf32>
      %add3A_1373 = arith.constant 31 : i32
      %add3A_1374 = vector.broadcast %add3A_1373 : i32 to vector<16xi32>
      %add3A_1375 = arith.addi %shift_left3A_1049, %add3A_1374 : vector<16xi32>
      %gather3A_1376 = tpu.vector_load_idx %arg13[%add3A_1011, %add3A_1375] : memref<256x128xf32, #tpu.memory_space<vmem>>[vector<16xi32>, vector<16xi32>], vector<16xf32>,
      %add3A_1377 = arith.constant 31 : i32
      %add3A_1378 = vector.broadcast %add3A_1377 : i32 to vector<16xi32>
      %add3A_1379 = arith.addi %shift_left3A_1058, %add3A_1378 : vector<16xi32>
      %gather3A_1380 = tpu.vector_load_idx %arg14[%add3A_1011, %add3A_1379] : memref<256x128xf32, #tpu.memory_space<vmem>>[vector<16xi32>, vector<16xi32>], vector<16xf32>,
      %mul3A_1381 = arith.mulf %gather3A_1376, %gather3A_1380 : vector<16xf32>
      %add3A_1382 = arith.addf %add3A_1372, %mul3A_1381 : vector<16xf32>
      %swap3A_1383 = arith.index_cast %multiple_of3A_1009 : i32 to index
      %swap3A_1384 = tpu.vector_load %arg17[%swap3A_1383] {strides = array<i32>} : memref<512xf32, #tpu.memory_space<vmem>>, vector<16xf32>,
      tpu.vector_store %arg17[%swap3A_1383], %add3A_1382 {strides = array<i32>} : memref<512xf32, #tpu.memory_space<vmem>>, vector<16xf32>,
    }
    %scan3A_1000 = arith.constant 16 : i32
    "tpu.region"() ({
      %run_scoped3A = tpu.sem_alloc : memref<!tpu.dma_semaphore, #tpu.memory_space<semaphore_mem>>
      %dma_start3A_1001 = tpu.memref_slice %arg8[%multiple_of3A] : memref<16384xf32, #tpu.memory_space<hbm>> -> memref<512xf32, #tpu.memory_space<hbm>>
      %dma_start3A_1002 = tpu.memref_slice %arg8[%multiple_of3A] : memref<16384xf32, #tpu.memory_space<hbm>> -> memref<512xf32, #tpu.memory_space<hbm>>
      tpu.enqueue_dma source(%arg17 : memref<512xf32, #tpu.memory_space<vmem>>) target(%dma_start3A_1002 : memref<512xf32, #tpu.memory_space<hbm>>) target_semaphore(%run_scoped3A : memref<!tpu.dma_semaphore, #tpu.memory_space<semaphore_mem>>)
      %dma_wait3A_1003 = tpu.memref_slice %arg8[%multiple_of3A] : memref<16384xf32, #tpu.memory_space<hbm>> -> memref<512xf32, #tpu.memory_space<hbm>>
      %dma_wait3A_1004 = tpu.memref_slice %arg8[%multiple_of3A] : memref<16384xf32, #tpu.memory_space<hbm>> -> memref<512xf32, #tpu.memory_space<hbm>>
      tpu.wait_dma2 semaphore(%run_scoped3A : memref<!tpu.dma_semaphore, #tpu.memory_space<semaphore_mem>>) src(%arg17 : memref<512xf32, #tpu.memory_space<vmem>>) dst(%dma_wait3A_1004 : memref<512xf32, #tpu.memory_space<hbm>>)
      tpu.yield
    }) : () -> ()
    return
  }
}

</mosaic_0001>

<sc_bundles>
// kernel: kernel.3.cloned.1.call-start
scs
__scs_entry_jumppad:
0x0: {  	(pc) =	sbr.rel $0x88, $3  }
0x1: {  	(tag) =	ssettag $0x0;
	lr =	simm.s32 $0x1  }
0x2: {  	[smem:$0x3F9B] =	sst lr;
	_ =	strace $0xD0000000  }
0x3: {  	_ = 	snop  }
0x4: {  	_ = 	snop  }
0x5: {  	_ = 	snop  }
0x6: {  	_ = 	snop  }
0x7: {  	_ = 	snop  }
__scs_overlays_trampoline_lowered:
0x8: {  	[smem:$0x3FAA] =	sst s0  }
0x9: {  	[smem:$0x3FAB] =	sst s1  }
0xa: {  	[smem:$0x3FAC] =	sst s2  }
0xb: {  	[smem:$0x3FAD] =	sst s3  }
0xc: {  	[smem:$0x3FAE] =	sst s4  }
0xd: {  	[smem:$0x3FAF] =	sst s5  }
0xe: {  	[smem:$0x3FB0] =	sst s6  }
0xf: {  	[smem:$0x3FB1] =	sst s7  }
0x10: {  	[smem:$0x3FB2] =	sst s8  }
0x11: {  	[smem:$0x3FB3] =	sst s9;
	s0 =	simm.s32 @!p0 $0x0  }
0x12: {  	s1 =	sld [smem:$0x3F99];
	s0 =	simm.s32 @p0 $0x1  }
0x13: {  	[smem:$0x3FB4] =	sst s0;
	s0 =	simm.s32 @!p1 $0x0  }
0x14: {  	s2 =	sld [smem:$0x3F98];
	s0 =	simm.s32 @p1 $0x1  }
0x15: {  	[smem:$0x3FB5] =	sst s0;
	s0 =	simm.s32 @!p2 $0x0  }
0x16: {  	s3 =	sld [smem:$0x3FDB];
	s0 =	simm.s32 @p2 $0x1  }
0x17: {  	s4 =	simm.s32 $0x1BF5;
	[smem:$0x3FB7] =	sst s0  }
0x18: {  	s0 =	sld [smem:$0x3F9A];
	_ =	swait.ge [sflag:s4], $0x0  }
0x19: {  	s7 =	sld [smem:$0x3F9B]  }
0x1a: {  	s8 =	sadd.s32 $0xFFFFE003, lr  }
0x1b: {  	s9 =	sadd.s32 $0xFFFFFEF7, lr;
	s5 =	simm.s32 $0xFFFFFFFF;
	p2 =	slt.u32 s8, $0xFFFFF086  }
0x1c: {  	p1 =	slt.u32 s9, $0xF7A;
	s5 =	simm.s32 @!p2 $0x0  }
0x1d: {  	s5 =	simm.s32 @p1 $0x1;
	p0 =	seq.s32 s7, s2  }
0x1e: {  	s7 =	smul.u32 @!p0 $0xF7A, s2;
	p2 =	seq.s32 @!p0 s5, $0x0  }
0x1f: {  	s9 =	smul.u32 $0xF7A, s1;
	s8 =	simm.s32 @!p0 $0x1BF5;
	p2 =	por !p2, p0  }
0x20: {  	[sflag:s8] =	ssyncset.s32 @!p0 $0xFFFFF086;
	s6 =	sadd.s32 @!p0 s3, s7;
	s7 =	simm.s32 @!p0 $0x108  }
0x21: {  	s3 =	sadd.s32 s3, s9;
	s6 =	sadd.s32 @!p0 $0x88, s6;
	s7 =	simm.s32 @p2 $0x1082  }
0x22: {  	[simem:s7], [sflag:s8] =	dma.local @!p0 [hbm:s6], $0xF7A  }
0x23: {  	s9 =	sor.u32 $0xD0000000, s2;
	s6 =	simm.s32 $0x108;
	_ =	swait.ge @!p0 [sflag:s8], $0x0  }
0x24: {  	s3 =	sadd.s32 $0x88, s3;
	s6 =	simm.s32 @!p1 $0x1082;
	[sflag:s4] =	ssyncset.s32 $0xFFFFF086  }
0x25: {  	[simem:s6], [sflag:s4] =	dma.local [hbm:s3], $0xF7A  }
0x26: {  	[smem:$0x3F9B] =	sst s1;
	(tag) =	ssettag s2;
	_ =	strace s9  }
0x27: {  	s1 =	sld [smem:$0x3FAB]  }
0x28: {  	s2 =	sld [smem:$0x3FAC]  }
0x29: {  	s4 =	sld [smem:$0x3FAE]  }
0x2a: {  	p0 =	seq.s32 s5, $0x0;
	s5 =	sld [smem:$0x3FAF]  }
0x2b: {  	s6 =	sld [smem:$0x3FB0]  }
0x2c: {  	s7 =	sld [smem:$0x3FB1]  }
0x2d: {  	s3 =	simm.s32 $0x108;
	s8 =	sld [smem:$0x3FB2]  }
0x2e: {  	s3 =	simm.s32 @!p0 $0x1082;
	s9 =	sld [smem:$0x3FB3]  }
0x2f: {  	lr =	sadd.s32 s0, s3;
	s0 =	sld [smem:$0x3FAA]  }
0x30: {  	s3 =	sld [smem:$0x3FAD]  }
0x31: {  	[smem:$0x3FB6] =	sst s10  }
0x32: {  	s10 =	sld [smem:$0x3FB4];
	_ =	sdelay $0x3  }
0x33: {  	p0 =	seq.s32 s10, $0x1;
	s10 =	sld [smem:$0x3FB6];
	_ =	sdelay $0x3  }
0x34: {  	[smem:$0x3FB6] =	sst s10  }
0x35: {  	s10 =	sld [smem:$0x3FB5];
	_ =	sdelay $0x3  }
0x36: {  	p1 =	seq.s32 s10, $0x1;
	s10 =	sld [smem:$0x3FB6];
	_ =	sdelay $0x3  }
0x37: {  	[smem:$0x3FB6] =	sst s10  }
0x38: {  	s10 =	sld [smem:$0x3FB7]  }
0x39: {  	_ = 	snop;
	(pc) =	sbr.ind lr, $3  }
0x3a: {  	_ = 	snop  }
0x3b: {  	_ = 	snop  }
0x3c: {  	p2 =	seq.s32 s10, $0x1;
	s10 =	sld [smem:$0x3FB6]  }
0x3d: {  	_ =	shalt  }
0x3e: {  	_ =	shalt  }
0x3f: {  	_ =	shalt  }
0x40: {  	_ =	shalt  }
0x41: {  	_ =	shalt  }
0x42: {  	_ =	shalt  }
0x43: {  	_ =	shalt  }
0x44: {  	_ =	shalt  }
0x45: {  	_ =	shalt  }
0x46: {  	_ =	shalt  }
0x47: {  	_ =	shalt  }
0x48: {  	_ =	shalt  }
0x49: {  	_ =	shalt  }
0x4a: {  	_ =	shalt  }
0x4b: {  	_ =	shalt  }
0x4c: {  	_ =	shalt  }
0x4d: {  	_ =	shalt  }
0x4e: {  	_ =	shalt  }
0x4f: {  	_ =	shalt  }
0x50: {  	_ =	shalt  }
0x51: {  	_ =	shalt  }
0x52: {  	_ =	shalt  }
0x53: {  	_ =	shalt  }
0x54: {  	_ =	shalt  }
0x55: {  	_ =	shalt  }
0x56: {  	_ =	shalt  }
0x57: {  	_ =	shalt  }
0x58: {  	_ =	shalt  }
0x59: {  	_ =	shalt  }
0x5a: {  	_ =	shalt  }
0x5b: {  	_ =	shalt  }
0x5c: {  	_ =	shalt  }
0x5d: {  	_ =	shalt  }
0x5e: {  	_ =	shalt  }
0x5f: {  	_ =	shalt  }
0x60: {  	_ =	shalt  }
0x61: {  	_ =	shalt  }
0x62: {  	_ =	shalt  }
0x63: {  	_ =	shalt  }
0x64: {  	_ =	shalt  }
0x65: {  	_ =	shalt  }
0x66: {  	_ =	shalt  }
0x67: {  	_ =	shalt  }
0x68: {  	_ =	shalt  }
0x69: {  	_ =	shalt  }
0x6a: {  	_ =	shalt  }
0x6b: {  	_ =	shalt  }
0x6c: {  	_ =	shalt  }
0x6d: {  	_ =	shalt  }
0x6e: {  	_ =	shalt  }
0x6f: {  	_ =	shalt  }
0x70: {  	_ =	shalt  }
0x71: {  	_ =	shalt  }
0x72: {  	_ =	shalt  }
0x73: {  	_ =	shalt  }
0x74: {  	_ =	shalt  }
0x75: {  	_ =	shalt  }
0x76: {  	_ =	shalt  }
0x77: {  	_ =	shalt  }
0x78: {  	_ =	shalt  }
0x79: {  	_ =	shalt  }
0x7a: {  	_ =	shalt  }
0x7b: {  	_ =	shalt  }
0x7c: {  	_ =	shalt  }
0x7d: {  	_ =	shalt  }
0x7e: {  	_ =	shalt  }
0x7f: {  	_ =	shalt  }
0x80: {  	_ =	shalt  }
0x81: {  	_ =	shalt  }
0x82: {  	_ =	shalt  }
0x83: {  	_ =	shalt  }
0x84: {  	_ =	shalt  }
0x85: {  	_ =	shalt  }
0x86: {  	_ =	shalt  }
0x87: {  	_ =	shalt  }
.Lfunc_end0:
.L_simem_size_0:
called_computation_lowered:
.L_overlay_start_0:
0x88: {  	s2 =	sld [smem:$0x3FD9]  }
0x89: {  	s3 =	sld [smem:$0x3FFE];
	_ =	sdelay $0x1  }
0x8a: {  	s1 =	srdreg.scid  }
0x8b: {  	s0 =	sand.u32 $0x1, s1  }
0x8c: {  	s17 =	sshll.u32 s0, $0xA;
	s2 =	sadd.s32 s3, s2  }
0x8d: {  	s2 =	sadd.s32 s2, s17  }
0x8e: {  	[smem:$0x3FC2] =	sst s2  }
0x8f: {  	_ = 	snop  }
0x90: {  	s2 =	sld [smem:$0x3FC9]  }
0x91: {  	s18 =	sld [smem:$0x3FC8]  }
0x92: {  	s4 =	sld [smem:$0x3FD0];
	(tm) =	ssettm $0x1  }
0x93: {  	s5 =	sld [smem:$0x3FFB];
	_ =	sdelay $0x3  }
0x94: {  	_ =	strace s5  }
0x95: {  	s5 =	sld [smem:$0x3FFC];
	_ =	sdelay $0x3  }
0x96: {  	_ =	strace s5  }
0x97: {  	s5 =	sld [smem:$0x3FFD];
	_ =	sdelay $0x3  }
0x98: {  	_ =	strace s5  }
0x99: {  	_ =	strace $0x8FFFFFFF  }
0x9a: {  	s19 =	sld [smem:$0x3FDB];
	_ =	sdelay $0x1  }
0x9b: {  	s6 =	simm.s32 $_scs_section_size  }
0x9c: {  	s7 =	simm.s32 $_size__tile_overlayer_lowered;
	s8 =	simm.s32 $_tile_overlayer_lowered  }
0x9d: {  	s22 =	simm.s32 $0x1BFF;
	s21 =	sshll.u32 s8, $0x1;
	s5 =	sadd.s32 s6, s19  }
0x9e: {  	s9 =	simm.s32 $0x0;
	s20 =	sshll.u32 s7, $0x1;
	s7 =	sadd.s32 s21, s5  }
0x9f: {  	[timem:s9], [sflag:s22] =	dma.local [hbm:s7], s20  }
0xa0: {  	_ =	swait.ge [sflag:s22], s20  }
0xa1: {  	s6 =	ssub.s32 $0x0, s20;
	[sflag:s22] =	ssyncset.done $0x0  }
0xa2: {  	[sflag:s22] =	ssyncadd.s32 s6;
	_ =	sdelay $0x1  }
0xa3: {  	s23 =	simm.s32 $0x1B8B  }
0xa4: {  	_ =	swait.ge [sflag:s23], $0x1  }
0xa5: {  	[sflag:s23] =	ssyncset.done $0x0  }
0xa6: {  	s25 =	simm.s32 $0x1B8E;
	s24 =	sld [smem:$0x3FFE];
	[sflag:s23] =	ssyncadd.s32 $0xFFFFFFFF  }
0xa7: {  	s26 =	simm.s32 $execute0_lowered;
	[smem:$0x3FD2] =	sst s25  }
0xa8: {  	s7 =	sshll.u32 s26, $0x1;
	_ =	strace $0x80000046;
	[dreg:$0x1] =	wrdreg $0xFFFFFFFF  }
0xa9: {  	s28 =	simm.s32 $_size_execute0_lowered;
	s5 =	sadd.s32 s5, s7;
	[dreg:$0x0] =	wrdreg $0x0  }
0xaa: {  	s7 =	sshll.u32 s28, $0x1;
	[dreg:$0x2] =	wrdreg s5  }
0xab: {  	[dreg:$0x3] =	wrdreg s7  }
0xac: {  	[dreg:$0x4] =	wrdreg $0xC0  }
0xad: {  	_ =	task [dreg:s9], $0x5FFFF  }
0xae: {  	[dreg:$0x1] =	wrdreg $0xFFFFFFFF  }
0xaf: {  	[dreg:$0x0] =	wrdreg $0x60  }
0xb0: {  	[dreg:$0x2] =	wrdreg s2  }
0xb1: {  	[dreg:$0x3] =	wrdreg s18  }
0xb2: {  	[dreg:$0x4] =	wrdreg s24  }
0xb3: {  	[dreg:$0x5] =	wrdreg s4  }
0xb4: {  	[dreg:$0x6] =	wrdreg $0x9  }
0xb5: {  	_ =	task.clear_ibuf [dreg:s9], $0x7FFFF;
	_ =	strace $0x90000046  }
0xb6: {  	s29 =	simm.s32 $0x9;
	_ =	strace $0x80000048  }
0xb7: {  	_ =	swait.ge [sflag:s29], $0x1  }
0xb8: {  	[sflag:s29] =	ssyncadd.s32 $0xFFFFFFFF  }
0xb9: {  	_ =	strace $0x90000048  }
0xba: {  	_ =	sfence  }
0xbb: {  	s30 =	sld [smem:$0x0];
	_ =	sdelay $0x2  }
0xbc: {  	s31 =	sshll.u32 s1, $0xD;
	s1 =	sshrl.u32 s1, $0x2  }
0xbd: {  	s3 =	sand.u32 $0x4000, s31;
	s1 =	sadd.s32 s1, s30  }
0xbe: {  	s0 =	sor.u32 s3, s0;
	s1 =	sshll.u32 s1, $0x11  }
0xbf: {  	s0 =	sor.u32 s1, s0  }
0xc0: {  	s0 =	sadd.s32 $0x8F2B, s0  }
0xc1: {  	[sflag:s0] =	ssyncadd.remote.s32 $0x1  }
0xc2: {  	_ =	sfence.sel $0xFFFF  }
0xc3: {  	[dreg:$0x0] =	wrdreg $0xFFFFFFFF;
	(pc) =	sbr.abs _section_cstart, $3  }
0xc4: {  	[dreg:$0x1] =	wrdreg $0xFFFFFFFF  }
0xc5: {  	_ =	task.clear_ibuf [dreg:s9], $0x2FFFF;
	_ =	strace $0x9FFFFFFF  }
0xc6: {  	(tm) =	ssettm $0x7FFFFFFF  }
0xc7: {  	_ =	shalt  }
tec
execute0_lowered:
.L_overlay_start_1:
0x0: {  	(tag) =	ssettag $0x1  }
0x1: {  	s0 =	rddreg [dreg:$0x0]  }
0x2: {  	s3 =	rddreg [dreg:$0x1]  }
0x3: {  	s1 =	rddreg [dreg:$0x2]  }
0x4: {  	s9 =	rddreg [dreg:$0x3];
	s2 =	simm.s32 $0x0  }
0x5: {  	s6 =	srdreg.scid;
	s8 =	stileid.u32;
	s12 =	simm.s32 $0x80  }
0x6: {  	s24 =	simm.s32 $0x3;
	s25 =	simm.s32 $0x4;
	s28 =	simm.s32 $0x800  }
0x7: {  	s30 =	simm.s32 $0x8800;
	s13 =	simm.s32 $0xC800;
	s14 =	simm.s32 $0x1  }
0x8: {  	s15 =	simm.s32 $0x2;
	s17 =	simm.s32 $0x700;
	s18 =	simm.s32 $0x580  }
0x9: {  	s19 =	simm.s32 $0x780;
	s20 =	simm.s32 $0x10C00;
	s21 =	simm.s32 $0x0  }
0xa: {  	[smem:$0x7FF] =	sst s2;
	s4 =	sadd.s32 $0x1312E00, s1;
	s6 =	sand.u32 $0x1, s6  }
0xb: {  	s5 =	sadd.s32 $0xF42400, s1;
	s8 =	sshll.u32 s8, $0x7;
	s7 =	ssub.s32 $0x2, s6  }
0xc: {  	_ =	strace $0x80000047;
	s10 =	sshll.u32 s6, $0x6;
	s11 =	sshrl.u32 s7, $0x1  }
0xd: {  	s6 =	sadd.s32 $0x1EA00, s1;
	s10 =	sor.u32 s10, s8;
	s11 =	ssub.s32 s7, s11  }
0xe: {  	v0 =	vlaneseq.u32;
	s7 =	sadd.s32 s0, s10;
	s8 =	sadd.s32 s3, s10;
	s9 =	sadd.s32 s9, s10  }
0xf: {  	v0 =	vmul.u32 $0x80, v0;
	s0 =	simm.s32 $0x4800;
	s10 =	smax.u32 s11, $0x1;
	s11 =	simm.s32 $0x5  }
.LBB2_1:
0x10: {  	[tilespmem:s2], [sflag:$0x5] =	stream.linear.gather [hbm4b:s7+s2], $0x200, $0x38;
	[tilespmem:$0x10E00] =	vst v63  }
0x11: {  	_ =	swait.ge [sflag:s11], $0x200  }
0x12: {  	[sflag:s11] =	ssyncset.done $0x0  }
0x13: {  	s3 =	simm.s32 $0x200;
	[sflag:s11] =	ssyncadd.s32 $0xFFFFFE00  }
0x14: {  	[tilespmem:s3], [sflag:$0x5] =	stream.linear.gather [hbm4b:s8+s2], $0x200, $0x38;
	[tilespmem:$0x10E00] =	vst v63  }
0x15: {  	_ =	swait.ge [sflag:s11], $0x200  }
0x16: {  	[sflag:s11] =	ssyncset.done $0x0  }
0x17: {  	[sflag:s11] =	ssyncadd.s32 $0xFFFFFE00  }
0x18: {  	v1 =	vld [tilespmem:$0x0]  }
0x19: {  	v2 =	vld [tilespmem:$0x200]  }
0x1a: {  	v3 =	vld [tilespmem:$0x10]  }
0x1b: {  	v4 =	vld [tilespmem:$0x210]  }
0x1c: {  	v5 =	vld [tilespmem:$0x20]  }
0x1d: {  	v6 =	vld [tilespmem:$0x220];
	v1 =	vshrl.u32 v1, $0x2  }
0x1e: {  	[tilespmem:$0x400] =	vst v1;
	v1 =	vshrl.u32 v2, $0x2;
	v2 =	vld [tilespmem:$0x30]  }
0x1f: {  	[tilespmem:$0x600] =	vst v1;
	v1 =	vshrl.u32 v3, $0x2;
	v3 =	vld [tilespmem:$0x230]  }
0x20: {  	v57 =	vld [tilespmem:$0x40];
	[tilespmem:$0x410] =	vst v1;
	v1 =	vshrl.u32 v4, $0x2  }
0x21: {  	v58 =	vld [tilespmem:$0x240];
	[tilespmem:$0x610] =	vst v1;
	v1 =	vshrl.u32 v5, $0x2  }
0x22: {  	v59 =	vld [tilespmem:$0x50];
	[tilespmem:$0x420] =	vst v1;
	v1 =	vshrl.u32 v6, $0x2  }
0x23: {  	[tilespmem:$0x620] =	vst v1;
	v1 =	vshrl.u32 v2, $0x2;
	v2 =	vld [tilespmem:$0x250]  }
0x24: {  	[tilespmem:$0x430] =	vst v1;
	v1 =	vshrl.u32 v3, $0x2;
	v3 =	vld [tilespmem:$0x60]  }
0x25: {  	v60 =	vld [tilespmem:$0x260];
	[tilespmem:$0x630] =	vst v1;
	v1 =	vshrl.u32 v57, $0x2  }
0x26: {  	v61 =	vld [tilespmem:$0x70];
	[tilespmem:$0x440] =	vst v1;
	v1 =	vshrl.u32 v58, $0x2  }
0x27: {  	v62 =	vld [tilespmem:$0x270];
	[tilespmem:$0x640] =	vst v1;
	v1 =	vshrl.u32 v59, $0x2  }
0x28: {  	[tilespmem:$0x450] =	vst v1;
	v1 =	vshrl.u32 v2, $0x2;
	v2 =	vld [tilespmem:$0x80]  }
0x29: {  	[tilespmem:$0x650] =	vst v1;
	v1 =	vshrl.u32 v3, $0x2;
	v3 =	vld [tilespmem:$0x280]  }
0x2a: {  	v63 =	vld [tilespmem:$0x90];
	[tilespmem:$0x460] =	vst v1;
	v1 =	vshrl.u32 v60, $0x2  }
0x2b: {  	v9 =	vld [tilespmem:$0x290];
	[tilespmem:$0x660] =	vst v1;
	v1 =	vshrl.u32 v61, $0x2  }
0x2c: {  	v10 =	vld [tilespmem:$0xA0];
	[tilespmem:$0x470] =	vst v1;
	v1 =	vshrl.u32 v62, $0x2  }
0x2d: {  	[tilespmem:$0x670] =	vst v1;
	v1 =	vshrl.u32 v2, $0x2;
	v2 =	vld [tilespmem:$0x2A0]  }
0x2e: {  	[tilespmem:$0x480] =	vst v1;
	v1 =	vshrl.u32 v3, $0x2;
	v3 =	vld [tilespmem:$0xB0]  }
0x2f: {  	v11 =	vld [tilespmem:$0x2B0];
	[tilespmem:$0x680] =	vst v1;
	v1 =	vshrl.u32 v63, $0x2  }
0x30: {  	v12 =	vld [tilespmem:$0xC0];
	[tilespmem:$0x490] =	vst v1;
	v1 =	vshrl.u32 v9, $0x2  }
0x31: {  	v13 =	vld [tilespmem:$0x2C0];
	[tilespmem:$0x690] =	vst v1;
	v1 =	vshrl.u32 v10, $0x2  }
0x32: {  	[tilespmem:$0x4A0] =	vst v1;
	v1 =	vshrl.u32 v2, $0x2;
	v2 =	vld [tilespmem:$0xD0]  }
0x33: {  	[tilespmem:$0x6A0] =	vst v1;
	v1 =	vshrl.u32 v3, $0x2;
	v3 =	vld [tilespmem:$0x2D0]  }
0x34: {  	v14 =	vld [tilespmem:$0xE0];
	[tilespmem:$0x4B0] =	vst v1;
	v1 =	vshrl.u32 v11, $0x2  }
0x35: {  	v15 =	vld [tilespmem:$0x2E0];
	[tilespmem:$0x6B0] =	vst v1;
	v1 =	vshrl.u32 v12, $0x2  }
0x36: {  	v16 =	vld [tilespmem:$0xF0];
	[tilespmem:$0x4C0] =	vst v1;
	v1 =	vshrl.u32 v13, $0x2  }
0x37: {  	[tilespmem:$0x6C0] =	vst v1;
	v1 =	vshrl.u32 v2, $0x2;
	v2 =	vld [tilespmem:$0x2F0]  }
0x38: {  	[tilespmem:$0x4D0] =	vst v1;
	v1 =	vshrl.u32 v3, $0x2;
	v3 =	vld [tilespmem:$0x100]  }
0x39: {  	v17 =	vld [tilespmem:$0x300];
	[tilespmem:$0x6D0] =	vst v1;
	v1 =	vshrl.u32 v14, $0x2  }
0x3a: {  	v18 =	vld [tilespmem:$0x110];
	[tilespmem:$0x4E0] =	vst v1;
	v1 =	vshrl.u32 v15, $0x2  }
0x3b: {  	v19 =	vld [tilespmem:$0x310];
	[tilespmem:$0x6E0] =	vst v1;
	v1 =	vshrl.u32 v16, $0x2  }
0x3c: {  	[tilespmem:$0x4F0] =	vst v1;
	v1 =	vshrl.u32 v2, $0x2;
	v2 =	vld [tilespmem:$0x120]  }
0x3d: {  	[tilespmem:$0x6F0] =	vst v1;
	v1 =	vshrl.u32 v3, $0x2;
	v3 =	vld [tilespmem:$0x320]  }
0x3e: {  	v20 =	vld [tilespmem:$0x130];
	[tilespmem:$0x500] =	vst v1;
	v1 =	vshrl.u32 v17, $0x2  }
0x3f: {  	v21 =	vld [tilespmem:$0x330];
	[tilespmem:$0x700] =	vst v1;
	v1 =	vshrl.u32 v18, $0x2  }
0x40: {  	v22 =	vld [tilespmem:$0x140];
	[tilespmem:$0x510] =	vst v1;
	v1 =	vshrl.u32 v19, $0x2  }
0x41: {  	[tilespmem:$0x710] =	vst v1;
	v1 =	vshrl.u32 v2, $0x2;
	v2 =	vld [tilespmem:$0x340]  }
0x42: {  	[tilespmem:$0x520] =	vst v1;
	v1 =	vshrl.u32 v3, $0x2;
	v3 =	vld [tilespmem:$0x150]  }
0x43: {  	v23 =	vld [tilespmem:$0x350];
	[tilespmem:$0x720] =	vst v1;
	v1 =	vshrl.u32 v20, $0x2  }
0x44: {  	v24 =	vld [tilespmem:$0x160];
	[tilespmem:$0x530] =	vst v1;
	v1 =	vshrl.u32 v21, $0x2  }
0x45: {  	v25 =	vld [tilespmem:$0x360];
	[tilespmem:$0x730] =	vst v1;
	v1 =	vshrl.u32 v22, $0x2  }
0x46: {  	[tilespmem:$0x540] =	vst v1;
	v1 =	vshrl.u32 v2, $0x2;
	v2 =	vld [tilespmem:$0x170]  }
0x47: {  	[tilespmem:$0x740] =	vst v1;
	v1 =	vshrl.u32 v3, $0x2;
	v3 =	vld [tilespmem:$0x370]  }
0x48: {  	v26 =	vld [tilespmem:$0x180];
	[tilespmem:$0x550] =	vst v1;
	v1 =	vshrl.u32 v23, $0x2  }
0x49: {  	v27 =	vld [tilespmem:$0x380];
	[tilespmem:$0x750] =	vst v1;
	v1 =	vshrl.u32 v24, $0x2  }
0x4a: {  	v28 =	vld [tilespmem:$0x190];
	[tilespmem:$0x560] =	vst v1;
	v1 =	vshrl.u32 v25, $0x2  }
0x4b: {  	[tilespmem:$0x760] =	vst v1;
	v1 =	vshrl.u32 v2, $0x2;
	v2 =	vld [tilespmem:$0x390]  }
0x4c: {  	[tilespmem:$0x570] =	vst v1;
	v1 =	vshrl.u32 v3, $0x2;
	v3 =	vld [tilespmem:$0x1A0]  }
0x4d: {  	v29 =	vld [tilespmem:$0x3A0];
	[tilespmem:$0x770] =	vst v1;
	v1 =	vshrl.u32 v26, $0x2  }
0x4e: {  	v30 =	vld [tilespmem:$0x1B0];
	[tilespmem:$0x580] =	vst v1;
	v1 =	vshrl.u32 v27, $0x2  }
0x4f: {  	v31 =	vld [tilespmem:$0x3B0];
	[tilespmem:$0x780] =	vst v1;
	v1 =	vshrl.u32 v28, $0x2  }
0x50: {  	[tilespmem:$0x590] =	vst v1;
	v1 =	vshrl.u32 v2, $0x2;
	v2 =	vld [tilespmem:$0x1C0]  }
0x51: {  	[tilespmem:$0x790] =	vst v1;
	v1 =	vshrl.u32 v3, $0x2;
	v3 =	vld [tilespmem:$0x3C0]  }
0x52: {  	v32 =	vld [tilespmem:$0x1D0];
	[tilespmem:$0x5A0] =	vst v1;
	v1 =	vshrl.u32 v29, $0x2  }
0x53: {  	v33 =	vld [tilespmem:$0x3D0];
	[tilespmem:$0x7A0] =	vst v1;
	v1 =	vshrl.u32 v30, $0x2  }
0x54: {  	v34 =	vld [tilespmem:$0x1E0];
	[tilespmem:$0x5B0] =	vst v1;
	v1 =	vshrl.u32 v31, $0x2  }
0x55: {  	[tilespmem:$0x7B0] =	vst v1;
	v1 =	vshrl.u32 v2, $0x2;
	v2 =	vld [tilespmem:$0x3E0]  }
0x56: {  	[tilespmem:$0x5C0] =	vst v1;
	v1 =	vshrl.u32 v3, $0x2;
	v3 =	vld [tilespmem:$0x1F0]  }
0x57: {  	v35 =	vld [tilespmem:$0x3F0];
	[tilespmem:$0x7C0] =	vst v1;
	v1 =	vshrl.u32 v32, $0x2  }
0x58: {  	[tilespmem:$0x5D0] =	vst v1;
	v1 =	vshrl.u32 v33, $0x2  }
0x59: {  	[tilespmem:$0x7D0] =	vst v1;
	v1 =	vshrl.u32 v34, $0x2  }
0x5a: {  	[tilespmem:$0x5E0] =	vst v1;
	v1 =	vshrl.u32 v2, $0x2  }
0x5b: {  	[tilespmem:$0x7E0] =	vst v1;
	v1 =	vshrl.u32 v3, $0x2  }
0x5c: {  	[tilespmem:$0x5F0] =	vst v1;
	v1 =	vshrl.u32 v35, $0x2  }
0x5d: {  	s23 =	simm.s32 $0x10800;
	[tilespmem:$0x7F0] =	vst v1  }
0x5e: {  	[tilespmem:s23], [sflag:$0x3] =	stream.indirect.gather [hbm4b:s6+s12], $0x1, s2, s12, $0xb8;
	[tilespmem:$0x10E00] =	vst v63  }
0x5f: {  	s22 =	simm.s32 $0x10A00  }
0x60: {  	[tilespmem:s22], [sflag:$0x4] =	stream.indirect.gather [hbm4b:s1+s12], $0x1, s3, s12, $0xb8;
	[tilespmem:$0x10E00] =	vst v63  }
0x61: {  	s16 =	simm.s32 $0x10880  }
0x62: {  	[tilespmem:s16], [sflag:$0x3] =	stream.indirect.gather [hbm4b:s6+s12], $0x1, s12, s12, $0xb8;
	[tilespmem:$0x10E00] =	vst v63  }
0x63: {  	s26 =	simm.s32 $0x10A80;
	s16 =	simm.s32 $0x280  }
0x64: {  	[tilespmem:s26], [sflag:$0x4] =	stream.indirect.gather [hbm4b:s1+s12], $0x1, s16, s12, $0xb8;
	[tilespmem:$0x10E00] =	vst v63  }
0x65: {  	s16 =	simm.s32 $0x100;
	s26 =	simm.s32 $0x10900  }
0x66: {  	[tilespmem:s26], [sflag:$0x3] =	stream.indirect.gather [hbm4b:s6+s12], $0x1, s16, s12, $0xb8;
	[tilespmem:$0x10E00] =	vst v63  }
0x67: {  	s16 =	simm.s32 $0x300;
	s26 =	simm.s32 $0x10B00  }
0x68: {  	[tilespmem:s26], [sflag:$0x4] =	stream.indirect.gather [hbm4b:s1+s12], $0x1, s16, s12, $0xb8;
	[tilespmem:$0x10E00] =	vst v63  }
0x69: {  	s16 =	simm.s32 $0x180;
	s26 =	simm.s32 $0x10980  }
0x6a: {  	[tilespmem:s26], [sflag:$0x3] =	stream.indirect.gather [hbm4b:s6+s12], $0x1, s16, s12, $0xb8;
	[tilespmem:$0x10E00] =	vst v63  }
0x6b: {  	s16 =	simm.s32 $0x380;
	s26 =	simm.s32 $0x10B80  }
0x6c: {  	[tilespmem:s26], [sflag:$0x4] =	stream.indirect.gather [hbm4b:s1+s12], $0x1, s16, s12, $0xb8;
	[tilespmem:$0x10E00] =	vst v63  }
0x6d: {  	_ =	swait.ge [sflag:s24], $0x80  }
0x6e: {  	[sflag:s24] =	ssyncset.done $0x0  }
0x6f: {  	[sflag:s24] =	ssyncadd.s32 $0xFFFFFF80  }
0x70: {  	_ =	swait.ge [sflag:s25], $0x80  }
0x71: {  	[sflag:s25] =	ssyncset.done $0x0  }
0x72: {  	[sflag:s25] =	ssyncadd.s32 $0xFFFFFF80  }
0x73: {  	_ =	swait.ge [sflag:s24], $0x80  }
0x74: {  	[sflag:s24] =	ssyncset.done $0x0  }
0x75: {  	[sflag:s24] =	ssyncadd.s32 $0xFFFFFF80  }
0x76: {  	_ =	swait.ge [sflag:s25], $0x80  }
0x77: {  	[sflag:s25] =	ssyncset.done $0x0  }
0x78: {  	[sflag:s25] =	ssyncadd.s32 $0xFFFFFF80  }
0x79: {  	_ =	swait.ge [sflag:s24], $0x80  }
0x7a: {  	[sflag:s24] =	ssyncset.done $0x0  }
0x7b: {  	[sflag:s24] =	ssyncadd.s32 $0xFFFFFF80  }
0x7c: {  	_ =	swait.ge [sflag:s25], $0x80  }
0x7d: {  	[sflag:s25] =	ssyncset.done $0x0  }
0x7e: {  	[sflag:s25] =	ssyncadd.s32 $0xFFFFFF80  }
0x7f: {  	_ =	swait.ge [sflag:s24], $0x80  }
0x80: {  	[sflag:s24] =	ssyncset.done $0x0  }
0x81: {  	[sflag:s24] =	ssyncadd.s32 $0xFFFFFF80  }
0x82: {  	_ =	swait.ge [sflag:s25], $0x80  }
0x83: {  	[sflag:s25] =	ssyncset.done $0x0  }
0x84: {  	s26 =	simm.s32 $0x400;
	[sflag:s25] =	ssyncadd.s32 $0xFFFFFF80  }
0x85: {  	[tilespmem:s28], [sflag:$0x1] =	stream.indirect.gather [hbm4b:s4+s12], $0x80, s26, s12, $0xb8;
	[tilespmem:$0x10E00] =	vst v63  }
0x86: {  	s26 =	simm.s32 $0x600  }
0x87: {  	[tilespmem:s30], [sflag:$0x2] =	stream.indirect.gather [hbm4b:s5+s12], $0x80, s26, s12, $0xb8;
	[tilespmem:$0x10E00] =	vst v63  }
0x88: {  	s26 =	simm.s32 $0x480  }
0x89: {  	[tilespmem:s0], [sflag:$0x1] =	stream.indirect.gather [hbm4b:s4+s12], $0x80, s26, s12, $0xb8;
	[tilespmem:$0x10E00] =	vst v63  }
0x8a: {  	s26 =	simm.s32 $0x680  }
0x8b: {  	[tilespmem:s13], [sflag:$0x2] =	stream.indirect.gather [hbm4b:s5+s12], $0x80, s26, s12, $0xb8;
	[tilespmem:$0x10E00] =	vst v63  }
0x8c: {  	_ =	swait.ge [sflag:s14], $0x4000  }
0x8d: {  	[sflag:s14] =	ssyncset.done $0x0  }
0x8e: {  	[sflag:s14] =	ssyncadd.s32 $0xFFFFC000  }
0x8f: {  	_ =	swait.ge [sflag:s15], $0x4000  }
0x90: {  	[sflag:s15] =	ssyncset.done $0x0  }
0x91: {  	[sflag:s15] =	ssyncadd.s32 $0xFFFFC000  }
0x92: {  	_ =	swait.ge [sflag:s14], $0x4000  }
0x93: {  	[sflag:s14] =	ssyncset.done $0x0  }
0x94: {  	[sflag:s14] =	ssyncadd.s32 $0xFFFFC000  }
0x95: {  	_ =	swait.ge [sflag:s15], $0x4000  }
0x96: {  	[sflag:s15] =	ssyncset.done $0x0  }
0x97: {  	[sflag:s15] =	ssyncadd.s32 $0xFFFFC000  }
0x98: {  	v1 =	vld [tilespmem:s2+$0x0]  }
0x99: {  	v2 =	vld [tilespmem:s3+$0x0];
	_ =	sdelay $0x2  }
0x9a: {  	v3 =	vmov s2  }
0x9b: {  	v3 =	vshll.u32 v3, $0x7;
	v1 =	vshll.u32 v1, $0x5  }
0x9c: {  	v3 =	vor.u32 v0, v3;
	v2 =	vshll.u32 v2, $0x5;
	v1 =	vand.u32 $0x60, v1  }
0x9d: {  	v36 =	vand.u32 $0x60, v2;
	v2 =	vor.u32 v3, v1  }
0x9e: {  	v1 =	vor.u32 v3, v36  }
0x9f: {  	v3 =	vor.u32 $0x1, v2  }
0xa0: {  	v37 =	vld [tilespmem:s23+$0x0];
	v38 =	vor.u32 $0x1, v1  }
0xa1: {  	v39 =	vld [tilespmem:s22+$0x0];
	v7 =	vor.u32 $0x2, v2  }
0xa2: {  	v9 =	vor.u32 $0x2, v1;
	v8 =	vld.idx.msk [tilespmem:v2+s28+$0x0], $0xffff  }
0xa3: {  	v11 =	vor.u32 $0x3, v2;
	v10 =	vld.idx.msk [tilespmem:v1+s30+$0x0], $0xffff  }
0xa4: {  	v12 =	vor.u32 $0x3, v1;
	v3 =	vld.idx.msk [tilespmem:v3+s28+$0x0], $0xffff  }
0xa5: {  	v13 =	vor.u32 $0x4, v2;
	v5 =	vld.idx.msk [tilespmem:v38+s30+$0x0], $0xffff  }
0xa6: {  	v14 =	vor.u32 $0x4, v1;
	v7 =	vld.idx.msk [tilespmem:v7+s28+$0x0], $0xffff  }
0xa7: {  	v15 =	vor.u32 $0x5, v2;
	v9 =	vld.idx.msk [tilespmem:v9+s30+$0x0], $0xffff  }
0xa8: {  	v4 =	vadd.f32 v39, v37;
	v16 =	vor.u32 $0x5, v1;
	v11 =	vld.idx.msk [tilespmem:v11+s28+$0x0], $0xffff;
	v40 =	vmul.f32 v10, v8  }
0xa9: {  	v44 =	vor.u32 $0x6, v1;
	v41 =	vld.idx.msk [tilespmem:v12+s30+$0x0], $0xffff  }
0xaa: {  	v42 =	vor.u32 $0x6, v2;
	v43 =	vld.idx.msk [tilespmem:v13+s28+$0x0], $0xffff;
	v3 =	vmul.f32 v5, v3;
	v4 =	vadd.f32 v40, v4  }
0xab: {  	v46 =	vor.u32 $0x7, v2;
	v45 =	vld.idx.msk [tilespmem:v14+s30+$0x0], $0xffff  }
0xac: {  	v48 =	vor.u32 $0x7, v1;
	v47 =	vld.idx.msk [tilespmem:v15+s28+$0x0], $0xffff;
	v49 =	vmul.f32 v9, v7;
	v3 =	vadd.f32 v3, v4  }
0xad: {  	v52 =	vor.u32 $0x8, v1;
	v50 =	vld.idx.msk [tilespmem:v16+s30+$0x0], $0xffff  }
0xae: {  	v51 =	vor.u32 $0x8, v2;
	v54 =	vld.idx.msk [tilespmem:v44+s30+$0x0], $0xffff;
	v53 =	vmul.f32 v41, v11;
	v3 =	vadd.f32 v49, v3  }
0xaf: {  	v56 =	vor.u32 $0x9, v1;
	v10 =	vld.idx.msk [tilespmem:v42+s28+$0x0], $0xffff  }
0xb0: {  	v55 =	vor.u32 $0x9, v2;
	v6 =	vld.idx.msk [tilespmem:v46+s28+$0x0], $0xffff;
	v57 =	vmul.f32 v45, v43;
	v3 =	vadd.f32 v53, v3  }
0xb1: {  	v59 =	vor.u32 $0xA, v2;
	v58 =	vld.idx.msk [tilespmem:v48+s30+$0x0], $0xffff  }
0xb2: {  	v60 =	vor.u32 $0xA, v1;
	v62 =	vld.idx.msk [tilespmem:v52+s30+$0x0], $0xffff;
	v61 =	vmul.f32 v50, v47;
	v3 =	vadd.f32 v57, v3  }
0xb3: {  	v63 =	vor.u32 $0xB, v2;
	v9 =	vld.idx.msk [tilespmem:v51+s28+$0x0], $0xffff  }
0xb4: {  	v20 =	vor.u32 $0xB, v1;
	v22 =	vld.idx.msk [tilespmem:v56+s30+$0x0], $0xffff;
	v21 =	vmul.f32 v54, v10;
	v3 =	vadd.f32 v61, v3  }
0xb5: {  	v24 =	vor.u32 $0xC, v1;
	v11 =	vld.idx.msk [tilespmem:v55+s28+$0x0], $0xffff  }
0xb6: {  	v23 =	vor.u32 $0xC, v2;
	v12 =	vld.idx.msk [tilespmem:v59+s28+$0x0], $0xffff;
	v25 =	vmul.f32 v58, v6;
	v3 =	vadd.f32 v21, v3  }
0xb7: {  	v28 =	vor.u32 $0xD, v1;
	v26 =	vld.idx.msk [tilespmem:v60+s30+$0x0], $0xffff  }
0xb8: {  	v27 =	vor.u32 $0xD, v2;
	v14 =	vld.idx.msk [tilespmem:v63+s28+$0x0], $0xffff;
	v29 =	vmul.f32 v62, v9;
	v3 =	vadd.f32 v25, v3  }
0xb9: {  	v32 =	vor.u32 $0xE, v1;
	v30 =	vld.idx.msk [tilespmem:v20+s30+$0x0], $0xffff  }
0xba: {  	v31 =	vor.u32 $0xE, v2;
	v34 =	vld.idx.msk [tilespmem:v24+s30+$0x0], $0xffff;
	v33 =	vmul.f32 v22, v11;
	v3 =	vadd.f32 v29, v3  }
0xbb: {  	v36 =	vor.u32 $0xF, v1;
	v10 =	vld.idx.msk [tilespmem:v23+s28+$0x0], $0xffff  }
0xbc: {  	v35 =	vor.u32 $0xF, v2;
	v38 =	vld.idx.msk [tilespmem:v28+s30+$0x0], $0xffff;
	v37 =	vmul.f32 v26, v12;
	v3 =	vadd.f32 v33, v3  }
0xbd: {  	v39 =	vor.u32 $0x10, v2;
	v6 =	vld.idx.msk [tilespmem:v27+s28+$0x0], $0xffff  }
0xbe: {  	v42 =	vld.idx.msk [tilespmem:v32+s30+$0x0], $0xffff;
	v41 =	vmul.f32 v30, v14;
	v40 =	vor.u32 $0x10, v1;
	v3 =	vadd.f32 v37, v3  }
0xbf: {  	v44 =	vor.u32 $0x11, v1;
	v9 =	vld.idx.msk [tilespmem:v31+s28+$0x0], $0xffff  }
0xc0: {  	v46 =	vld.idx.msk [tilespmem:v36+s30+$0x0], $0xffff;
	v43 =	vor.u32 $0x11, v2;
	v45 =	vmul.f32 v34, v10;
	v3 =	vadd.f32 v41, v3  }
0xc1: {  	v48 =	vor.u32 $0x12, v1;
	v11 =	vld.idx.msk [tilespmem:v35+s28+$0x0], $0xffff  }
0xc2: {  	v47 =	vor.u32 $0x12, v2;
	v12 =	vld.idx.msk [tilespmem:v39+s28+$0x0], $0xffff;
	v49 =	vmul.f32 v38, v6;
	v3 =	vadd.f32 v45, v3  }
0xc3: {  	v51 =	vor.u32 $0x13, v2;
	v50 =	vld.idx.msk [tilespmem:v40+s30+$0x0], $0xffff  }
0xc4: {  	v52 =	vor.u32 $0x13, v1;
	v54 =	vld.idx.msk [tilespmem:v44+s30+$0x0], $0xffff;
	v53 =	vmul.f32 v42, v9;
	v3 =	vadd.f32 v49, v3  }
0xc5: {  	v56 =	vor.u32 $0x14, v1;
	v14 =	vld.idx.msk [tilespmem:v43+s28+$0x0], $0xffff  }
0xc6: {  	v55 =	vor.u32 $0x14, v2;
	v58 =	vld.idx.msk [tilespmem:v48+s30+$0x0], $0xffff;
	v57 =	vmul.f32 v46, v11;
	v3 =	vadd.f32 v53, v3  }
0xc7: {  	v60 =	vor.u32 $0x15, v1;
	v10 =	vld.idx.msk [tilespmem:v47+s28+$0x0], $0xffff  }
0xc8: {  	v59 =	vor.u32 $0x15, v2;
	v6 =	vld.idx.msk [tilespmem:v51+s28+$0x0], $0xffff;
	v61 =	vmul.f32 v50, v12;
	v3 =	vadd.f32 v57, v3  }
0xc9: {  	v20 =	vor.u32 $0x16, v1;
	v62 =	vld.idx.msk [tilespmem:v52+s30+$0x0], $0xffff  }
0xca: {  	v63 =	vor.u32 $0x16, v2;
	v22 =	vld.idx.msk [tilespmem:v56+s30+$0x0], $0xffff;
	v21 =	vmul.f32 v54, v14;
	v3 =	vadd.f32 v61, v3  }
0xcb: {  	v24 =	vor.u32 $0x17, v1;
	v9 =	vld.idx.msk [tilespmem:v55+s28+$0x0], $0xffff  }
0xcc: {  	v26 =	vld.idx.msk [tilespmem:v60+s30+$0x0], $0xffff;
	v23 =	vor.u32 $0x17, v2;
	v25 =	vmul.f32 v58, v10;
	v3 =	vadd.f32 v21, v3  }
0xcd: {  	v28 =	vor.u32 $0x18, v1;
	v11 =	vld.idx.msk [tilespmem:v59+s28+$0x0], $0xffff  }
0xce: {  	v27 =	vor.u32 $0x18, v2;
	v30 =	vld.idx.msk [tilespmem:v20+s30+$0x0], $0xffff;
	v29 =	vmul.f32 v62, v6;
	v3 =	vadd.f32 v25, v3  }
0xcf: {  	v32 =	vor.u32 $0x19, v1;
	v12 =	vld.idx.msk [tilespmem:v63+s28+$0x0], $0xffff  }
0xd0: {  	v31 =	vor.u32 $0x19, v2;
	v34 =	vld.idx.msk [tilespmem:v24+s30+$0x0], $0xffff;
	v33 =	vmul.f32 v22, v9;
	v3 =	vadd.f32 v29, v3  }
0xd1: {  	v36 =	vor.u32 $0x1A, v1;
	v14 =	vld.idx.msk [tilespmem:v23+s28+$0x0], $0xffff  }
0xd2: {  	v35 =	vor.u32 $0x1A, v2;
	v38 =	vld.idx.msk [tilespmem:v28+s30+$0x0], $0xffff;
	v37 =	vmul.f32 v26, v11;
	v3 =	vadd.f32 v33, v3  }
0xd3: {  	v40 =	vor.u32 $0x1B, v1;
	v10 =	vld.idx.msk [tilespmem:v27+s28+$0x0], $0xffff  }
0xd4: {  	v39 =	vor.u32 $0x1B, v2;
	v42 =	vld.idx.msk [tilespmem:v32+s30+$0x0], $0xffff;
	v41 =	vmul.f32 v30, v12;
	v3 =	vadd.f32 v37, v3  }
0xd5: {  	v44 =	vor.u32 $0x1C, v1;
	v6 =	vld.idx.msk [tilespmem:v31+s28+$0x0], $0xffff  }
0xd6: {  	v43 =	vor.u32 $0x1C, v2;
	v46 =	vld.idx.msk [tilespmem:v36+s30+$0x0], $0xffff;
	v45 =	vmul.f32 v34, v14;
	v3 =	vadd.f32 v41, v3  }
0xd7: {  	v47 =	vor.u32 $0x1D, v2;
	v9 =	vld.idx.msk [tilespmem:v35+s28+$0x0], $0xffff  }
0xd8: {  	v48 =	vor.u32 $0x1D, v1;
	v50 =	vld.idx.msk [tilespmem:v40+s30+$0x0], $0xffff;
	v49 =	vmul.f32 v38, v10;
	v3 =	vadd.f32 v45, v3  }
0xd9: {  	v52 =	vor.u32 $0x1E, v1;
	v11 =	vld.idx.msk [tilespmem:v39+s28+$0x0], $0xffff  }
0xda: {  	v51 =	vor.u32 $0x1E, v2;
	v54 =	vld.idx.msk [tilespmem:v44+s30+$0x0], $0xffff;
	v53 =	vmul.f32 v42, v6;
	v3 =	vadd.f32 v49, v3  }
0xdb: {  	v1 =	vor.u32 $0x1F, v1;
	v12 =	vld.idx.msk [tilespmem:v43+s28+$0x0], $0xffff  }
0xdc: {  	v2 =	vor.u32 $0x1F, v2;
	v55 =	vld.idx.msk [tilespmem:v47+s28+$0x0], $0xffff;
	v56 =	vmul.f32 v46, v9;
	v3 =	vadd.f32 v53, v3  }
0xdd: {  	v57 =	vld.idx.msk [tilespmem:v48+s30+$0x0], $0xffff  }
0xde: {  	v60 =	vld.idx.msk [tilespmem:v52+s30+$0x0], $0xffff;
	v59 =	vmul.f32 v50, v11;
	v3 =	vadd.f32 v56, v3  }
0xdf: {  	v58 =	vld.idx.msk [tilespmem:v51+s28+$0x0], $0xffff  }
0xe0: {  	v1 =	vld.idx.msk [tilespmem:v1+s30+$0x0], $0xffff;
	v61 =	vmul.f32 v54, v12;
	v3 =	vadd.f32 v59, v3  }
0xe1: {  	v2 =	vld.idx.msk [tilespmem:v2+s28+$0x0], $0xffff  }
0xe2: {  	v62 =	vmul.f32 v57, v55;
	v3 =	vadd.f32 v61, v3;
	_ =	sdelay $0x1  }
0xe3: {  	v63 =	vmul.f32 v60, v58;
	v3 =	vadd.f32 v62, v3;
	_ =	sdelay $0x1  }
0xe4: {  	v1 =	vmul.f32 v1, v2;
	v3 =	vadd.f32 v63, v3;
	_ =	sdelay $0x1  }
0xe5: {  	v1 =	vadd.f32 v1, v3;
	_ =	sdelay $0x1  }
0xe6: {  	s29 =	simm.s32 $0x10;
	[tilespmem:s20+$0x0] =	vst v1  }
0xe7: {  	s31 =	simm.s32 $0x210;
	v1 =	vld [tilespmem:s29+$0x0]  }
0xe8: {  	s16 =	simm.s32 $0x10;
	s26 =	simm.s32 $0x10C00;
	s3 =	simm.s32 $0x20;
	v2 =	vld [tilespmem:s31+$0x0]  }
.LBB2_2:
0xe9: {  	p0 =	sne.s32 s3, $0xF0;
	_ =	sdelay $0x1  }
0xea: {  	v3 =	vmov s29;
	s29 =	smov.u32 s3  }
0xeb: {  	v3 =	vshll.u32 v3, $0x7;
	v1 =	vshll.u32 v1, $0x5  }
0xec: {  	v3 =	vor.u32 v0, v3;
	v1 =	vand.u32 $0x60, v1;
	v2 =	vshll.u32 v2, $0x5  }
0xed: {  	v4 =	vand.u32 $0x60, v2;
	v2 =	vor.u32 v3, v1  }
0xee: {  	v1 =	vor.u32 v3, v4  }
0xef: {  	s23 =	sadd.s32 $0x10, s23;
	v3 =	vor.u32 $0x1, v2  }
0xf0: {  	s22 =	sadd.s32 $0x10, s22;
	v5 =	vor.u32 $0x1, v1;
	v4 =	vld [tilespmem:s23+$0x0]  }
0xf1: {  	v7 =	vor.u32 $0x2, v2;
	v6 =	vld [tilespmem:s22+$0x0]  }
0xf2: {  	v9 =	vor.u32 $0x2, v1;
	v8 =	vld.idx.msk [tilespmem:v2+s28+$0x0], $0xffff  }
0xf3: {  	v11 =	vor.u32 $0x3, v2;
	v10 =	vld.idx.msk [tilespmem:v1+s30+$0x0], $0xffff  }
0xf4: {  	v12 =	vor.u32 $0x3, v1;
	v3 =	vld.idx.msk [tilespmem:v3+s28+$0x0], $0xffff  }
0xf5: {  	v13 =	vor.u32 $0x4, v2;
	v5 =	vld.idx.msk [tilespmem:v5+s30+$0x0], $0xffff  }
0xf6: {  	v14 =	vor.u32 $0x4, v1;
	v7 =	vld.idx.msk [tilespmem:v7+s28+$0x0], $0xffff  }
0xf7: {  	v15 =	vor.u32 $0x5, v2;
	v9 =	vld.idx.msk [tilespmem:v9+s30+$0x0], $0xffff  }
0xf8: {  	v16 =	vor.u32 $0x5, v1;
	v11 =	vld.idx.msk [tilespmem:v11+s28+$0x0], $0xffff  }
0xf9: {  	v4 =	vadd.f32 v6, v4;
	v6 =	vmul.f32 v10, v8;
	v10 =	vor.u32 $0x6, v2;
	v8 =	vld.idx.msk [tilespmem:v12+s30+$0x0], $0xffff  }
0xfa: {  	v12 =	vld.idx.msk [tilespmem:v13+s28+$0x0], $0xffff;
	v13 =	vor.u32 $0x6, v1  }
0xfb: {  	v4 =	vadd.f32 v6, v4;
	v3 =	vmul.f32 v5, v3;
	v6 =	vor.u32 $0x7, v2;
	v5 =	vld.idx.msk [tilespmem:v14+s30+$0x0], $0xffff  }
0xfc: {  	v14 =	vld.idx.msk [tilespmem:v15+s28+$0x0], $0xffff;
	v15 =	vor.u32 $0x7, v1  }
0xfd: {  	v3 =	vadd.f32 v3, v4;
	v4 =	vmul.f32 v9, v7;
	v9 =	vor.u32 $0x8, v2;
	v7 =	vld.idx.msk [tilespmem:v16+s30+$0x0], $0xffff  }
0xfe: {  	v16 =	vor.u32 $0x8, v1;
	v10 =	vld.idx.msk [tilespmem:v10+s28+$0x0], $0xffff  }
0xff: {  	v3 =	vadd.f32 v4, v3;
	v4 =	vmul.f32 v8, v11;
	v11 =	vor.u32 $0x9, v2;
	v8 =	vld.idx.msk [tilespmem:v13+s30+$0x0], $0xffff  }
0x100: {  	v13 =	vor.u32 $0x9, v1;
	v6 =	vld.idx.msk [tilespmem:v6+s28+$0x0], $0xffff  }
0x101: {  	v3 =	vadd.f32 v4, v3;
	v4 =	vmul.f32 v5, v12;
	v12 =	vor.u32 $0xA, v2;
	v5 =	vld.idx.msk [tilespmem:v15+s30+$0x0], $0xffff  }
0x102: {  	v15 =	vor.u32 $0xA, v1;
	v9 =	vld.idx.msk [tilespmem:v9+s28+$0x0], $0xffff  }
0x103: {  	v3 =	vadd.f32 v4, v3;
	v4 =	vmul.f32 v7, v14;
	v14 =	vor.u32 $0xB, v2;
	v7 =	vld.idx.msk [tilespmem:v16+s30+$0x0], $0xffff  }
0x104: {  	v16 =	vor.u32 $0xB, v1;
	v11 =	vld.idx.msk [tilespmem:v11+s28+$0x0], $0xffff  }
0x105: {  	v3 =	vadd.f32 v4, v3;
	v4 =	vmul.f32 v8, v10;
	v10 =	vor.u32 $0xC, v2;
	v8 =	vld.idx.msk [tilespmem:v13+s30+$0x0], $0xffff  }
0x106: {  	v13 =	vor.u32 $0xC, v1;
	v12 =	vld.idx.msk [tilespmem:v12+s28+$0x0], $0xffff  }
0x107: {  	v3 =	vadd.f32 v4, v3;
	v4 =	vmul.f32 v5, v6;
	v6 =	vor.u32 $0xD, v2;
	v5 =	vld.idx.msk [tilespmem:v15+s30+$0x0], $0xffff  }
0x108: {  	v15 =	vor.u32 $0xD, v1;
	v14 =	vld.idx.msk [tilespmem:v14+s28+$0x0], $0xffff  }
0x109: {  	v3 =	vadd.f32 v4, v3;
	v4 =	vmul.f32 v7, v9;
	v9 =	vor.u32 $0xE, v2;
	v7 =	vld.idx.msk [tilespmem:v16+s30+$0x0], $0xffff  }
0x10a: {  	v16 =	vor.u32 $0xE, v1;
	v10 =	vld.idx.msk [tilespmem:v10+s28+$0x0], $0xffff  }
0x10b: {  	v3 =	vadd.f32 v4, v3;
	v4 =	vmul.f32 v8, v11;
	v11 =	vor.u32 $0xF, v2;
	v8 =	vld.idx.msk [tilespmem:v13+s30+$0x0], $0xffff  }
0x10c: {  	v13 =	vor.u32 $0xF, v1;
	v6 =	vld.idx.msk [tilespmem:v6+s28+$0x0], $0xffff  }
0x10d: {  	v3 =	vadd.f32 v4, v3;
	v4 =	vmul.f32 v5, v12;
	v12 =	vor.u32 $0x10, v2;
	v5 =	vld.idx.msk [tilespmem:v15+s30+$0x0], $0xffff  }
0x10e: {  	v15 =	vor.u32 $0x10, v1;
	v9 =	vld.idx.msk [tilespmem:v9+s28+$0x0], $0xffff  }
0x10f: {  	v3 =	vadd.f32 v4, v3;
	v4 =	vmul.f32 v7, v14;
	v14 =	vor.u32 $0x11, v2;
	v7 =	vld.idx.msk [tilespmem:v16+s30+$0x0], $0xffff  }
0x110: {  	v16 =	vor.u32 $0x11, v1;
	v11 =	vld.idx.msk [tilespmem:v11+s28+$0x0], $0xffff  }
0x111: {  	v3 =	vadd.f32 v4, v3;
	v4 =	vmul.f32 v8, v10;
	v10 =	vor.u32 $0x12, v2;
	v8 =	vld.idx.msk [tilespmem:v13+s30+$0x0], $0xffff  }
0x112: {  	v13 =	vor.u32 $0x12, v1;
	v12 =	vld.idx.msk [tilespmem:v12+s28+$0x0], $0xffff  }
0x113: {  	v3 =	vadd.f32 v4, v3;
	v4 =	vmul.f32 v5, v6;
	v6 =	vor.u32 $0x13, v2;
	v5 =	vld.idx.msk [tilespmem:v15+s30+$0x0], $0xffff  }
0x114: {  	v15 =	vor.u32 $0x13, v1;
	v14 =	vld.idx.msk [tilespmem:v14+s28+$0x0], $0xffff  }
0x115: {  	v3 =	vadd.f32 v4, v3;
	v4 =	vmul.f32 v7, v9;
	v9 =	vor.u32 $0x14, v2;
	v7 =	vld.idx.msk [tilespmem:v16+s30+$0x0], $0xffff  }
0x116: {  	v16 =	vor.u32 $0x14, v1;
	v10 =	vld.idx.msk [tilespmem:v10+s28+$0x0], $0xffff  }
0x117: {  	v3 =	vadd.f32 v4, v3;
	v4 =	vmul.f32 v8, v11;
	v11 =	vor.u32 $0x15, v2;
	v8 =	vld.idx.msk [tilespmem:v13+s30+$0x0], $0xffff  }
0x118: {  	v13 =	vor.u32 $0x15, v1;
	v6 =	vld.idx.msk [tilespmem:v6+s28+$0x0], $0xffff  }
0x119: {  	v3 =	vadd.f32 v4, v3;
	v4 =	vmul.f32 v5, v12;
	v12 =	vor.u32 $0x16, v2;
	v5 =	vld.idx.msk [tilespmem:v15+s30+$0x0], $0xffff  }
0x11a: {  	v15 =	vor.u32 $0x16, v1;
	v9 =	vld.idx.msk [tilespmem:v9+s28+$0x0], $0xffff  }
0x11b: {  	v3 =	vadd.f32 v4, v3;
	v4 =	vmul.f32 v7, v14;
	v14 =	vor.u32 $0x17, v2;
	v7 =	vld.idx.msk [tilespmem:v16+s30+$0x0], $0xffff  }
0x11c: {  	v16 =	vor.u32 $0x17, v1;
	v11 =	vld.idx.msk [tilespmem:v11+s28+$0x0], $0xffff  }
0x11d: {  	v3 =	vadd.f32 v4, v3;
	v4 =	vmul.f32 v8, v10;
	v10 =	vor.u32 $0x18, v2;
	v8 =	vld.idx.msk [tilespmem:v13+s30+$0x0], $0xffff  }
0x11e: {  	v13 =	vor.u32 $0x18, v1;
	v12 =	vld.idx.msk [tilespmem:v12+s28+$0x0], $0xffff  }
0x11f: {  	v3 =	vadd.f32 v4, v3;
	v4 =	vmul.f32 v5, v6;
	v6 =	vor.u32 $0x19, v2;
	v5 =	vld.idx.msk [tilespmem:v15+s30+$0x0], $0xffff  }
0x120: {  	v15 =	vor.u32 $0x19, v1;
	v14 =	vld.idx.msk [tilespmem:v14+s28+$0x0], $0xffff  }
0x121: {  	v3 =	vadd.f32 v4, v3;
	v4 =	vmul.f32 v7, v9;
	v9 =	vor.u32 $0x1A, v2;
	v7 =	vld.idx.msk [tilespmem:v16+s30+$0x0], $0xffff  }
0x122: {  	v16 =	vor.u32 $0x1A, v1;
	v10 =	vld.idx.msk [tilespmem:v10+s28+$0x0], $0xffff  }
0x123: {  	v3 =	vadd.f32 v4, v3;
	v4 =	vmul.f32 v8, v11;
	v11 =	vor.u32 $0x1B, v2;
	v8 =	vld.idx.msk [tilespmem:v13+s30+$0x0], $0xffff  }
0x124: {  	v13 =	vor.u32 $0x1B, v1;
	v6 =	vld.idx.msk [tilespmem:v6+s28+$0x0], $0xffff  }
0x125: {  	v3 =	vadd.f32 v4, v3;
	v4 =	vmul.f32 v5, v12;
	v12 =	vor.u32 $0x1C, v2;
	v5 =	vld.idx.msk [tilespmem:v15+s30+$0x0], $0xffff  }
0x126: {  	v15 =	vor.u32 $0x1C, v1;
	v9 =	vld.idx.msk [tilespmem:v9+s28+$0x0], $0xffff  }
0x127: {  	v3 =	vadd.f32 v4, v3;
	v4 =	vmul.f32 v7, v14;
	v14 =	vor.u32 $0x1D, v2;
	v7 =	vld.idx.msk [tilespmem:v16+s30+$0x0], $0xffff  }
0x128: {  	v16 =	vor.u32 $0x1D, v1;
	v11 =	vld.idx.msk [tilespmem:v11+s28+$0x0], $0xffff  }
0x129: {  	v3 =	vadd.f32 v4, v3;
	v4 =	vmul.f32 v8, v10;
	v10 =	vor.u32 $0x1E, v2;
	v8 =	vld.idx.msk [tilespmem:v13+s30+$0x0], $0xffff  }
0x12a: {  	v13 =	vor.u32 $0x1E, v1;
	v12 =	vld.idx.msk [tilespmem:v12+s28+$0x0], $0xffff  }
0x12b: {  	v2 =	vor.u32 $0x1F, v2;
	v3 =	vadd.f32 v4, v3;
	v4 =	vmul.f32 v5, v6;
	v5 =	vld.idx.msk [tilespmem:v15+s30+$0x0], $0xffff  }
0x12c: {  	v1 =	vor.u32 $0x1F, v1;
	v6 =	vld.idx.msk [tilespmem:v14+s28+$0x0], $0xffff  }
0x12d: {  	v3 =	vadd.f32 v4, v3;
	v4 =	vmul.f32 v7, v9;
	v7 =	vld.idx.msk [tilespmem:v16+s30+$0x0], $0xffff  }
0x12e: {  	v9 =	vld.idx.msk [tilespmem:v10+s28+$0x0], $0xffff  }
0x12f: {  	v3 =	vadd.f32 v4, v3;
	v4 =	vmul.f32 v8, v11;
	v8 =	vld.idx.msk [tilespmem:v13+s30+$0x0], $0xffff  }
0x130: {  	v2 =	vld.idx.msk [tilespmem:v2+s28+$0x0], $0xffff  }
0x131: {  	v3 =	vadd.f32 v4, v3;
	v4 =	vmul.f32 v5, v12;
	v1 =	vld.idx.msk [tilespmem:v1+s30+$0x0], $0xffff;
	_ =	sdelay $0x1  }
0x132: {  	v3 =	vadd.f32 v4, v3;
	v4 =	vmul.f32 v7, v6;
	_ =	sdelay $0x1  }
0x133: {  	v3 =	vadd.f32 v4, v3;
	v4 =	vmul.f32 v8, v9;
	_ =	sdelay $0x1  }
0x134: {  	v3 =	vadd.f32 v4, v3;
	v1 =	vmul.f32 v1, v2;
	_ =	sdelay $0x1  }
.Ltmp0:
0x135: {  	v1 =	vadd.f32 v1, v3;
	(pc) =	sbr.rel @p0 .LBB2_2-.Ltmp0, $4  }
0x136: {  	s26 =	sadd.s32 $0x10, s26  }
0x137: {  	s16 =	sadd.s32 $0x10, s16;
	[tilespmem:s26+$0x0] =	vst v1  }
0x138: {  	s31 =	sadd.s32 $0x10, s31;
	v1 =	vld [tilespmem:s16+$0x0]  }
0x139: {  	s3 =	sadd.s32 $0x10, s3;
	v2 =	vld [tilespmem:s31+$0x0]  }
0x13a: {  	_ =	sdelay $0x1  }
0x13b: {  	v3 =	vmov s29  }
0x13c: {  	v3 =	vshll.u32 v3, $0x7;
	v1 =	vshll.u32 v1, $0x5  }
0x13d: {  	v3 =	vor.u32 v0, v3;
	v1 =	vand.u32 $0x60, v1;
	v2 =	vshll.u32 v2, $0x5  }
0x13e: {  	v4 =	vand.u32 $0x60, v2;
	v2 =	vor.u32 v3, v1  }
0x13f: {  	v1 =	vor.u32 v3, v4  }
0x140: {  	s3 =	sadd.s32 $0x10, s23;
	v3 =	vor.u32 $0x1, v2  }
0x141: {  	s23 =	sadd.s32 $0x10, s22;
	v50 =	vld [tilespmem:s3+$0x0];
	v5 =	vor.u32 $0x1, v1  }
0x142: {  	v6 =	vld [tilespmem:s23+$0x0];
	v7 =	vor.u32 $0x2, v2  }
0x143: {  	v9 =	vor.u32 $0x2, v1;
	v8 =	vld.idx.msk [tilespmem:v2+s28+$0x0], $0xffff  }
0x144: {  	v11 =	vor.u32 $0x3, v2;
	v10 =	vld.idx.msk [tilespmem:v1+s30+$0x0], $0xffff  }
0x145: {  	v12 =	vor.u32 $0x3, v1;
	v3 =	vld.idx.msk [tilespmem:v3+s28+$0x0], $0xffff  }
0x146: {  	v13 =	vor.u32 $0x4, v2;
	v5 =	vld.idx.msk [tilespmem:v5+s30+$0x0], $0xffff  }
0x147: {  	v14 =	vor.u32 $0x4, v1;
	v7 =	vld.idx.msk [tilespmem:v7+s28+$0x0], $0xffff  }
0x148: {  	v15 =	vor.u32 $0x5, v2;
	v9 =	vld.idx.msk [tilespmem:v9+s30+$0x0], $0xffff  }
0x149: {  	v4 =	vadd.f32 v6, v50;
	v16 =	vor.u32 $0x5, v1;
	v11 =	vld.idx.msk [tilespmem:v11+s28+$0x0], $0xffff;
	v51 =	vmul.f32 v10, v8  }
0x14a: {  	v55 =	vor.u32 $0x6, v1;
	v52 =	vld.idx.msk [tilespmem:v12+s30+$0x0], $0xffff  }
0x14b: {  	v53 =	vor.u32 $0x6, v2;
	v54 =	vld.idx.msk [tilespmem:v13+s28+$0x0], $0xffff;
	v3 =	vmul.f32 v5, v3;
	v4 =	vadd.f32 v51, v4  }
0x14c: {  	v57 =	vor.u32 $0x7, v2;
	v56 =	vld.idx.msk [tilespmem:v14+s30+$0x0], $0xffff  }
0x14d: {  	v59 =	vor.u32 $0x7, v1;
	v58 =	vld.idx.msk [tilespmem:v15+s28+$0x0], $0xffff;
	v60 =	vmul.f32 v9, v7;
	v3 =	vadd.f32 v3, v4  }
0x14e: {  	v63 =	vor.u32 $0x8, v1;
	v61 =	vld.idx.msk [tilespmem:v16+s30+$0x0], $0xffff  }
0x14f: {  	v62 =	vor.u32 $0x8, v2;
	v20 =	vld.idx.msk [tilespmem:v55+s30+$0x0], $0xffff;
	v19 =	vmul.f32 v52, v11;
	v3 =	vadd.f32 v60, v3  }
0x150: {  	v22 =	vor.u32 $0x9, v1;
	v10 =	vld.idx.msk [tilespmem:v53+s28+$0x0], $0xffff  }
0x151: {  	v21 =	vor.u32 $0x9, v2;
	v6 =	vld.idx.msk [tilespmem:v57+s28+$0x0], $0xffff;
	v23 =	vmul.f32 v56, v54;
	v3 =	vadd.f32 v19, v3  }
0x152: {  	v25 =	vor.u32 $0xA, v2;
	v24 =	vld.idx.msk [tilespmem:v59+s30+$0x0], $0xffff  }
0x153: {  	v26 =	vor.u32 $0xA, v1;
	v28 =	vld.idx.msk [tilespmem:v63+s30+$0x0], $0xffff;
	v27 =	vmul.f32 v61, v58;
	v3 =	vadd.f32 v23, v3  }
0x154: {  	v29 =	vor.u32 $0xB, v2;
	v9 =	vld.idx.msk [tilespmem:v62+s28+$0x0], $0xffff  }
0x155: {  	v30 =	vor.u32 $0xB, v1;
	v32 =	vld.idx.msk [tilespmem:v22+s30+$0x0], $0xffff;
	v31 =	vmul.f32 v20, v10;
	v3 =	vadd.f32 v27, v3  }
0x156: {  	v34 =	vor.u32 $0xC, v1;
	v11 =	vld.idx.msk [tilespmem:v21+s28+$0x0], $0xffff  }
0x157: {  	v33 =	vor.u32 $0xC, v2;
	v12 =	vld.idx.msk [tilespmem:v25+s28+$0x0], $0xffff;
	v35 =	vmul.f32 v24, v6;
	v3 =	vadd.f32 v31, v3  }
0x158: {  	v38 =	vor.u32 $0xD, v1;
	v36 =	vld.idx.msk [tilespmem:v26+s30+$0x0], $0xffff  }
0x159: {  	v37 =	vor.u32 $0xD, v2;
	v14 =	vld.idx.msk [tilespmem:v29+s28+$0x0], $0xffff;
	v39 =	vmul.f32 v28, v9;
	v3 =	vadd.f32 v35, v3  }
0x15a: {  	v42 =	vor.u32 $0xE, v1;
	v40 =	vld.idx.msk [tilespmem:v30+s30+$0x0], $0xffff  }
0x15b: {  	v41 =	vor.u32 $0xE, v2;
	v44 =	vld.idx.msk [tilespmem:v34+s30+$0x0], $0xffff;
	v43 =	vmul.f32 v32, v11;
	v3 =	vadd.f32 v39, v3  }
0x15c: {  	v46 =	vor.u32 $0xF, v1;
	v10 =	vld.idx.msk [tilespmem:v33+s28+$0x0], $0xffff  }
0x15d: {  	v45 =	vor.u32 $0xF, v2;
	v48 =	vld.idx.msk [tilespmem:v38+s30+$0x0], $0xffff;
	v47 =	vmul.f32 v36, v12;
	v3 =	vadd.f32 v43, v3  }
0x15e: {  	v49 =	vor.u32 $0x10, v2;
	v6 =	vld.idx.msk [tilespmem:v37+s28+$0x0], $0xffff  }
0x15f: {  	v50 =	vor.u32 $0x10, v1;
	v52 =	vld.idx.msk [tilespmem:v42+s30+$0x0], $0xffff;
	v51 =	vmul.f32 v40, v14;
	v3 =	vadd.f32 v47, v3  }
0x160: {  	v53 =	vor.u32 $0x11, v2;
	v9 =	vld.idx.msk [tilespmem:v41+s28+$0x0], $0xffff  }
0x161: {  	v54 =	vor.u32 $0x11, v1;
	v56 =	vld.idx.msk [tilespmem:v46+s30+$0x0], $0xffff;
	v55 =	vmul.f32 v44, v10;
	v3 =	vadd.f32 v51, v3  }
0x162: {  	v58 =	vor.u32 $0x12, v1;
	v11 =	vld.idx.msk [tilespmem:v45+s28+$0x0], $0xffff  }
0x163: {  	v57 =	vor.u32 $0x12, v2;
	v12 =	vld.idx.msk [tilespmem:v49+s28+$0x0], $0xffff;
	v59 =	vmul.f32 v48, v6;
	v3 =	vadd.f32 v55, v3  }
0x164: {  	v61 =	vor.u32 $0x13, v2;
	v60 =	vld.idx.msk [tilespmem:v50+s30+$0x0], $0xffff  }
0x165: {  	v62 =	vor.u32 $0x13, v1;
	v14 =	vld.idx.msk [tilespmem:v53+s28+$0x0], $0xffff;
	v63 =	vmul.f32 v52, v9;
	v3 =	vadd.f32 v59, v3  }
0x166: {  	v22 =	vor.u32 $0x14, v1;
	v20 =	vld.idx.msk [tilespmem:v54+s30+$0x0], $0xffff  }
0x167: {  	v21 =	vor.u32 $0x14, v2;
	v24 =	vld.idx.msk [tilespmem:v58+s30+$0x0], $0xffff;
	v23 =	vmul.f32 v56, v11;
	v3 =	vadd.f32 v63, v3  }
0x168: {  	v26 =	vor.u32 $0x15, v1;
	v10 =	vld.idx.msk [tilespmem:v57+s28+$0x0], $0xffff  }
0x169: {  	v25 =	vor.u32 $0x15, v2;
	v6 =	vld.idx.msk [tilespmem:v61+s28+$0x0], $0xffff;
	v27 =	vmul.f32 v60, v12;
	v3 =	vadd.f32 v23, v3  }
0x16a: {  	v30 =	vor.u32 $0x16, v1;
	v28 =	vld.idx.msk [tilespmem:v62+s30+$0x0], $0xffff  }
0x16b: {  	v29 =	vor.u32 $0x16, v2;
	v32 =	vld.idx.msk [tilespmem:v22+s30+$0x0], $0xffff;
	v31 =	vmul.f32 v20, v14;
	v3 =	vadd.f32 v27, v3  }
0x16c: {  	v34 =	vor.u32 $0x17, v1;
	v9 =	vld.idx.msk [tilespmem:v21+s28+$0x0], $0xffff  }
0x16d: {  	v36 =	vld.idx.msk [tilespmem:v26+s30+$0x0], $0xffff;
	v33 =	vor.u32 $0x17, v2;
	v35 =	vmul.f32 v24, v10;
	v3 =	vadd.f32 v31, v3  }
0x16e: {  	v38 =	vor.u32 $0x18, v1;
	v11 =	vld.idx.msk [tilespmem:v25+s28+$0x0], $0xffff  }
0x16f: {  	v37 =	vor.u32 $0x18, v2;
	v40 =	vld.idx.msk [tilespmem:v30+s30+$0x0], $0xffff;
	v39 =	vmul.f32 v28, v6;
	v3 =	vadd.f32 v35, v3  }
0x170: {  	v42 =	vor.u32 $0x19, v1;
	v12 =	vld.idx.msk [tilespmem:v29+s28+$0x0], $0xffff  }
0x171: {  	v41 =	vor.u32 $0x19, v2;
	v44 =	vld.idx.msk [tilespmem:v34+s30+$0x0], $0xffff;
	v43 =	vmul.f32 v32, v9;
	v3 =	vadd.f32 v39, v3  }
0x172: {  	v46 =	vor.u32 $0x1A, v1;
	v14 =	vld.idx.msk [tilespmem:v33+s28+$0x0], $0xffff  }
0x173: {  	v45 =	vor.u32 $0x1A, v2;
	v48 =	vld.idx.msk [tilespmem:v38+s30+$0x0], $0xffff;
	v47 =	vmul.f32 v36, v11;
	v3 =	vadd.f32 v43, v3  }
0x174: {  	v50 =	vor.u32 $0x1B, v1;
	v10 =	vld.idx.msk [tilespmem:v37+s28+$0x0], $0xffff  }
0x175: {  	v49 =	vor.u32 $0x1B, v2;
	v52 =	vld.idx.msk [tilespmem:v42+s30+$0x0], $0xffff;
	v51 =	vmul.f32 v40, v12;
	v3 =	vadd.f32 v47, v3  }
0x176: {  	v54 =	vor.u32 $0x1C, v1;
	v6 =	vld.idx.msk [tilespmem:v41+s28+$0x0], $0xffff  }
0x177: {  	v53 =	vor.u32 $0x1C, v2;
	v56 =	vld.idx.msk [tilespmem:v46+s30+$0x0], $0xffff;
	v55 =	vmul.f32 v44, v14;
	v3 =	vadd.f32 v51, v3  }
0x178: {  	v58 =	vor.u32 $0x1D, v1;
	v9 =	vld.idx.msk [tilespmem:v45+s28+$0x0], $0xffff  }
0x179: {  	v57 =	vor.u32 $0x1D, v2;
	v60 =	vld.idx.msk [tilespmem:v50+s30+$0x0], $0xffff;
	v59 =	vmul.f32 v48, v10;
	v3 =	vadd.f32 v55, v3  }
0x17a: {  	v62 =	vor.u32 $0x1E, v1;
	v11 =	vld.idx.msk [tilespmem:v49+s28+$0x0], $0xffff  }
0x17b: {  	v61 =	vor.u32 $0x1E, v2;
	v15 =	vld.idx.msk [tilespmem:v54+s30+$0x0], $0xffff;
	v63 =	vmul.f32 v52, v6;
	v3 =	vadd.f32 v59, v3  }
0x17c: {  	v1 =	vor.u32 $0x1F, v1;
	v12 =	vld.idx.msk [tilespmem:v53+s28+$0x0], $0xffff  }
0x17d: {  	v2 =	vor.u32 $0x1F, v2;
	v19 =	vld.idx.msk [tilespmem:v58+s30+$0x0], $0xffff;
	v18 =	vmul.f32 v56, v9;
	v3 =	vadd.f32 v63, v3  }
0x17e: {  	v17 =	vld.idx.msk [tilespmem:v57+s28+$0x0], $0xffff  }
0x17f: {  	v22 =	vld.idx.msk [tilespmem:v62+s30+$0x0], $0xffff;
	v21 =	vmul.f32 v60, v11;
	v3 =	vadd.f32 v18, v3  }
0x180: {  	v20 =	vld.idx.msk [tilespmem:v61+s28+$0x0], $0xffff  }
0x181: {  	v1 =	vld.idx.msk [tilespmem:v1+s30+$0x0], $0xffff;
	v23 =	vmul.f32 v15, v12;
	v3 =	vadd.f32 v21, v3  }
0x182: {  	v2 =	vld.idx.msk [tilespmem:v2+s28+$0x0], $0xffff  }
0x183: {  	v24 =	vmul.f32 v19, v17;
	v3 =	vadd.f32 v23, v3;
	_ =	sdelay $0x1  }
0x184: {  	v25 =	vmul.f32 v22, v20;
	v3 =	vadd.f32 v24, v3;
	_ =	sdelay $0x1  }
0x185: {  	v1 =	vmul.f32 v1, v2;
	v3 =	vadd.f32 v25, v3;
	_ =	sdelay $0x1  }
0x186: {  	v1 =	vadd.f32 v1, v3  }
0x187: {  	s16 =	sadd.s32 $0x10, s26  }
0x188: {  	s22 =	simm.s32 $0x500;
	[tilespmem:s16+$0x0] =	vst v1  }
0x189: {  	[tilespmem:s28], [sflag:$0x1] =	stream.indirect.gather [hbm4b:s4+s12], $0x80, s22, s12, $0xb8;
	[tilespmem:$0x10E00] =	vst v63  }
0x18a: {  	_ = 	snop  }
0x18b: {  	[tilespmem:s30], [sflag:$0x2] =	stream.indirect.gather [hbm4b:s5+s12], $0x80, s17, s12, $0xb8;
	[tilespmem:$0x10E00] =	vst v63  }
0x18c: {  	_ = 	snop  }
0x18d: {  	[tilespmem:s0], [sflag:$0x1] =	stream.indirect.gather [hbm4b:s4+s12], $0x80, s18, s12, $0xb8;
	[tilespmem:$0x10E00] =	vst v63  }
0x18e: {  	_ = 	snop  }
0x18f: {  	[tilespmem:s13], [sflag:$0x2] =	stream.indirect.gather [hbm4b:s5+s12], $0x80, s19, s12, $0xb8;
	[tilespmem:$0x10E00] =	vst v63  }
0x190: {  	_ =	swait.ge [sflag:s14], $0x4000  }
0x191: {  	[sflag:s14] =	ssyncset.done $0x0  }
0x192: {  	[sflag:s14] =	ssyncadd.s32 $0xFFFFC000  }
0x193: {  	_ =	swait.ge [sflag:s15], $0x4000  }
0x194: {  	[sflag:s15] =	ssyncset.done $0x0  }
0x195: {  	[sflag:s15] =	ssyncadd.s32 $0xFFFFC000  }
0x196: {  	_ =	swait.ge [sflag:s14], $0x4000  }
0x197: {  	[sflag:s14] =	ssyncset.done $0x0  }
0x198: {  	[sflag:s14] =	ssyncadd.s32 $0xFFFFC000  }
0x199: {  	_ =	swait.ge [sflag:s15], $0x4000  }
0x19a: {  	[sflag:s15] =	ssyncset.done $0x0  }
0x19b: {  	s23 =	simm.s32 $0x100;
	[sflag:s15] =	ssyncadd.s32 $0xFFFFC000  }
0x19c: {  	s16 =	simm.s32 $0x300;
	v1 =	vld [tilespmem:s23+$0x0]  }
0x19d: {  	v2 =	vld [tilespmem:s16+$0x0];
	_ =	sdelay $0x1  }
0x19e: {  	s26 =	simm.s32 $0x0  }
0x19f: {  	v3 =	vmov s26  }
0x1a0: {  	v3 =	vshll.u32 v3, $0x7;
	v1 =	vshll.u32 v1, $0x5  }
0x1a1: {  	v3 =	vor.u32 v0, v3;
	v2 =	vshll.u32 v2, $0x5;
	v1 =	vand.u32 $0x60, v1  }
0x1a2: {  	v26 =	vand.u32 $0x60, v2;
	v2 =	vor.u32 v3, v1  }
0x1a3: {  	v1 =	vor.u32 v3, v26  }
0x1a4: {  	s22 =	simm.s32 $0x10B00;
	v3 =	vor.u32 $0x1, v2  }
0x1a5: {  	s23 =	simm.s32 $0x10900;
	v29 =	vld [tilespmem:s22+$0x0];
	v28 =	vor.u32 $0x1, v1  }
0x1a6: {  	v27 =	vld [tilespmem:s23+$0x0];
	v30 =	vor.u32 $0x2, v2  }
0x1a7: {  	v32 =	vor.u32 $0x2, v1;
	v31 =	vld.idx.msk [tilespmem:v2+s28+$0x0], $0xffff  }
0x1a8: {  	v34 =	vor.u32 $0x3, v2;
	v33 =	vld.idx.msk [tilespmem:v1+s30+$0x0], $0xffff  }
0x1a9: {  	v35 =	vor.u32 $0x3, v1;
	v3 =	vld.idx.msk [tilespmem:v3+s28+$0x0], $0xffff  }
0x1aa: {  	v36 =	vor.u32 $0x4, v2;
	v5 =	vld.idx.msk [tilespmem:v28+s30+$0x0], $0xffff  }
0x1ab: {  	v37 =	vor.u32 $0x4, v1;
	v7 =	vld.idx.msk [tilespmem:v30+s28+$0x0], $0xffff  }
0x1ac: {  	v38 =	vor.u32 $0x5, v2;
	v9 =	vld.idx.msk [tilespmem:v32+s30+$0x0], $0xffff  }
0x1ad: {  	v4 =	vadd.f32 v29, v27;
	v39 =	vor.u32 $0x5, v1;
	v11 =	vld.idx.msk [tilespmem:v34+s28+$0x0], $0xffff;
	v40 =	vmul.f32 v33, v31  }
0x1ae: {  	v42 =	vor.u32 $0x6, v2;
	v41 =	vld.idx.msk [tilespmem:v35+s30+$0x0], $0xffff  }
0x1af: {  	v44 =	vor.u32 $0x6, v1;
	v43 =	vld.idx.msk [tilespmem:v36+s28+$0x0], $0xffff;
	v3 =	vmul.f32 v5, v3;
	v4 =	vadd.f32 v40, v4  }
0x1b0: {  	v46 =	vor.u32 $0x7, v2;
	v45 =	vld.idx.msk [tilespmem:v37+s30+$0x0], $0xffff  }
0x1b1: {  	v48 =	vor.u32 $0x7, v1;
	v47 =	vld.idx.msk [tilespmem:v38+s28+$0x0], $0xffff;
	v49 =	vmul.f32 v9, v7;
	v3 =	vadd.f32 v3, v4  }
0x1b2: {  	v52 =	vor.u32 $0x8, v1;
	v50 =	vld.idx.msk [tilespmem:v39+s30+$0x0], $0xffff  }
0x1b3: {  	v51 =	vor.u32 $0x8, v2;
	v10 =	vld.idx.msk [tilespmem:v42+s28+$0x0], $0xffff;
	v53 =	vmul.f32 v41, v11;
	v3 =	vadd.f32 v49, v3  }
0x1b4: {  	v56 =	vor.u32 $0x9, v1;
	v54 =	vld.idx.msk [tilespmem:v44+s30+$0x0], $0xffff  }
0x1b5: {  	v55 =	vor.u32 $0x9, v2;
	v6 =	vld.idx.msk [tilespmem:v46+s28+$0x0], $0xffff;
	v57 =	vmul.f32 v45, v43;
	v3 =	vadd.f32 v53, v3  }
0x1b6: {  	v59 =	vor.u32 $0xA, v2;
	v58 =	vld.idx.msk [tilespmem:v48+s30+$0x0], $0xffff  }
0x1b7: {  	v60 =	vor.u32 $0xA, v1;
	v62 =	vld.idx.msk [tilespmem:v52+s30+$0x0], $0xffff;
	v61 =	vmul.f32 v50, v47;
	v3 =	vadd.f32 v57, v3  }
0x1b8: {  	v63 =	vor.u32 $0xB, v2;
	v9 =	vld.idx.msk [tilespmem:v51+s28+$0x0], $0xffff  }
0x1b9: {  	v20 =	vor.u32 $0xB, v1;
	v22 =	vld.idx.msk [tilespmem:v56+s30+$0x0], $0xffff;
	v21 =	vmul.f32 v54, v10;
	v3 =	vadd.f32 v61, v3  }
0x1ba: {  	v24 =	vor.u32 $0xC, v1;
	v11 =	vld.idx.msk [tilespmem:v55+s28+$0x0], $0xffff  }
0x1bb: {  	v23 =	vor.u32 $0xC, v2;
	v12 =	vld.idx.msk [tilespmem:v59+s28+$0x0], $0xffff;
	v25 =	vmul.f32 v58, v6;
	v3 =	vadd.f32 v21, v3  }
0x1bc: {  	v27 =	vor.u32 $0xD, v2;
	v26 =	vld.idx.msk [tilespmem:v60+s30+$0x0], $0xffff  }
0x1bd: {  	v14 =	vld.idx.msk [tilespmem:v63+s28+$0x0], $0xffff;
	v28 =	vor.u32 $0xD, v1;
	v29 =	vmul.f32 v62, v9;
	v3 =	vadd.f32 v25, v3  }
0x1be: {  	v30 =	vld.idx.msk [tilespmem:v20+s30+$0x0], $0xffff;
	v32 =	vor.u32 $0xE, v1  }
0x1bf: {  	v34 =	vld.idx.msk [tilespmem:v24+s30+$0x0], $0xffff;
	v31 =	vor.u32 $0xE, v2;
	v33 =	vmul.f32 v22, v11;
	v3 =	vadd.f32 v29, v3  }
0x1c0: {  	v36 =	vor.u32 $0xF, v1;
	v10 =	vld.idx.msk [tilespmem:v23+s28+$0x0], $0xffff  }
0x1c1: {  	v35 =	vor.u32 $0xF, v2;
	v6 =	vld.idx.msk [tilespmem:v27+s28+$0x0], $0xffff;
	v37 =	vmul.f32 v26, v12;
	v3 =	vadd.f32 v33, v3  }
0x1c2: {  	v39 =	vor.u32 $0x10, v2;
	v38 =	vld.idx.msk [tilespmem:v28+s30+$0x0], $0xffff  }
0x1c3: {  	v41 =	vmul.f32 v30, v14;
	v42 =	vld.idx.msk [tilespmem:v32+s30+$0x0], $0xffff;
	v40 =	vor.u32 $0x10, v1;
	v3 =	vadd.f32 v37, v3  }
0x1c4: {  	v44 =	vor.u32 $0x11, v1;
	v9 =	vld.idx.msk [tilespmem:v31+s28+$0x0], $0xffff  }
0x1c5: {  	v43 =	vor.u32 $0x11, v2;
	v46 =	vld.idx.msk [tilespmem:v36+s30+$0x0], $0xffff;
	v45 =	vmul.f32 v34, v10;
	v3 =	vadd.f32 v41, v3  }
0x1c6: {  	v48 =	vor.u32 $0x12, v1;
	v11 =	vld.idx.msk [tilespmem:v35+s28+$0x0], $0xffff  }
0x1c7: {  	v47 =	vor.u32 $0x12, v2;
	v12 =	vld.idx.msk [tilespmem:v39+s28+$0x0], $0xffff;
	v49 =	vmul.f32 v38, v6;
	v3 =	vadd.f32 v45, v3  }
0x1c8: {  	v51 =	vor.u32 $0x13, v2;
	v50 =	vld.idx.msk [tilespmem:v40+s30+$0x0], $0xffff  }
0x1c9: {  	v52 =	vor.u32 $0x13, v1;
	v54 =	vld.idx.msk [tilespmem:v44+s30+$0x0], $0xffff;
	v53 =	vmul.f32 v42, v9;
	v3 =	vadd.f32 v49, v3  }
0x1ca: {  	v56 =	vor.u32 $0x14, v1;
	v14 =	vld.idx.msk [tilespmem:v43+s28+$0x0], $0xffff  }
0x1cb: {  	v55 =	vor.u32 $0x14, v2;
	v58 =	vld.idx.msk [tilespmem:v48+s30+$0x0], $0xffff;
	v57 =	vmul.f32 v46, v11;
	v3 =	vadd.f32 v53, v3  }
0x1cc: {  	v60 =	vor.u32 $0x15, v1;
	v10 =	vld.idx.msk [tilespmem:v47+s28+$0x0], $0xffff  }
0x1cd: {  	v59 =	vor.u32 $0x15, v2;
	v6 =	vld.idx.msk [tilespmem:v51+s28+$0x0], $0xffff;
	v61 =	vmul.f32 v50, v12;
	v3 =	vadd.f32 v57, v3  }
0x1ce: {  	v20 =	vor.u32 $0x16, v1;
	v62 =	vld.idx.msk [tilespmem:v52+s30+$0x0], $0xffff  }
0x1cf: {  	v63 =	vor.u32 $0x16, v2;
	v22 =	vld.idx.msk [tilespmem:v56+s30+$0x0], $0xffff;
	v21 =	vmul.f32 v54, v14;
	v3 =	vadd.f32 v61, v3  }
0x1d0: {  	v24 =	vor.u32 $0x17, v1;
	v9 =	vld.idx.msk [tilespmem:v55+s28+$0x0], $0xffff  }
0x1d1: {  	v23 =	vor.u32 $0x17, v2;
	v26 =	vld.idx.msk [tilespmem:v60+s30+$0x0], $0xffff;
	v25 =	vmul.f32 v58, v10;
	v3 =	vadd.f32 v21, v3  }
0x1d2: {  	v28 =	vor.u32 $0x18, v1;
	v11 =	vld.idx.msk [tilespmem:v59+s28+$0x0], $0xffff  }
0x1d3: {  	v27 =	vor.u32 $0x18, v2;
	v30 =	vld.idx.msk [tilespmem:v20+s30+$0x0], $0xffff;
	v29 =	vmul.f32 v62, v6;
	v3 =	vadd.f32 v25, v3  }
0x1d4: {  	v32 =	vor.u32 $0x19, v1;
	v12 =	vld.idx.msk [tilespmem:v63+s28+$0x0], $0xffff  }
0x1d5: {  	v31 =	vor.u32 $0x19, v2;
	v34 =	vld.idx.msk [tilespmem:v24+s30+$0x0], $0xffff;
	v33 =	vmul.f32 v22, v9;
	v3 =	vadd.f32 v29, v3  }
0x1d6: {  	v36 =	vor.u32 $0x1A, v1;
	v14 =	vld.idx.msk [tilespmem:v23+s28+$0x0], $0xffff  }
0x1d7: {  	v35 =	vor.u32 $0x1A, v2;
	v38 =	vld.idx.msk [tilespmem:v28+s30+$0x0], $0xffff;
	v37 =	vmul.f32 v26, v11;
	v3 =	vadd.f32 v33, v3  }
0x1d8: {  	v40 =	vor.u32 $0x1B, v1;
	v10 =	vld.idx.msk [tilespmem:v27+s28+$0x0], $0xffff  }
0x1d9: {  	v39 =	vor.u32 $0x1B, v2;
	v42 =	vld.idx.msk [tilespmem:v32+s30+$0x0], $0xffff;
	v41 =	vmul.f32 v30, v12;
	v3 =	vadd.f32 v37, v3  }
0x1da: {  	v44 =	vor.u32 $0x1C, v1;
	v6 =	vld.idx.msk [tilespmem:v31+s28+$0x0], $0xffff  }
0x1db: {  	v43 =	vor.u32 $0x1C, v2;
	v46 =	vld.idx.msk [tilespmem:v36+s30+$0x0], $0xffff;
	v45 =	vmul.f32 v34, v14;
	v3 =	vadd.f32 v41, v3  }
0x1dc: {  	v47 =	vor.u32 $0x1D, v2;
	v9 =	vld.idx.msk [tilespmem:v35+s28+$0x0], $0xffff  }
0x1dd: {  	v48 =	vor.u32 $0x1D, v1;
	v50 =	vld.idx.msk [tilespmem:v40+s30+$0x0], $0xffff;
	v49 =	vmul.f32 v38, v10;
	v3 =	vadd.f32 v45, v3  }
0x1de: {  	v52 =	vor.u32 $0x1E, v1;
	v11 =	vld.idx.msk [tilespmem:v39+s28+$0x0], $0xffff  }
0x1df: {  	v51 =	vor.u32 $0x1E, v2;
	v54 =	vld.idx.msk [tilespmem:v44+s30+$0x0], $0xffff;
	v53 =	vmul.f32 v42, v6;
	v3 =	vadd.f32 v49, v3  }
0x1e0: {  	v2 =	vor.u32 $0x1F, v2;
	v12 =	vld.idx.msk [tilespmem:v43+s28+$0x0], $0xffff  }
0x1e1: {  	v1 =	vor.u32 $0x1F, v1;
	v55 =	vld.idx.msk [tilespmem:v47+s28+$0x0], $0xffff;
	v56 =	vmul.f32 v46, v9;
	v3 =	vadd.f32 v53, v3  }
0x1e2: {  	v57 =	vld.idx.msk [tilespmem:v48+s30+$0x0], $0xffff  }
0x1e3: {  	v60 =	vld.idx.msk [tilespmem:v52+s30+$0x0], $0xffff;
	v59 =	vmul.f32 v50, v11;
	v3 =	vadd.f32 v56, v3  }
0x1e4: {  	v58 =	vld.idx.msk [tilespmem:v51+s28+$0x0], $0xffff  }
0x1e5: {  	v2 =	vld.idx.msk [tilespmem:v2+s28+$0x0], $0xffff;
	v61 =	vmul.f32 v54, v12;
	v3 =	vadd.f32 v59, v3  }
0x1e6: {  	v1 =	vld.idx.msk [tilespmem:v1+s30+$0x0], $0xffff  }
0x1e7: {  	v62 =	vmul.f32 v57, v55;
	v3 =	vadd.f32 v61, v3;
	_ =	sdelay $0x1  }
0x1e8: {  	v63 =	vmul.f32 v60, v58;
	v3 =	vadd.f32 v62, v3;
	_ =	sdelay $0x1  }
0x1e9: {  	v1 =	vmul.f32 v1, v2;
	v3 =	vadd.f32 v63, v3;
	_ =	sdelay $0x1  }
0x1ea: {  	v1 =	vadd.f32 v1, v3  }
0x1eb: {  	s26 =	simm.s32 $0x10D00  }
0x1ec: {  	s29 =	simm.s32 $0x110;
	[tilespmem:s26+$0x0] =	vst v1  }
0x1ed: {  	s31 =	simm.s32 $0x310;
	v1 =	vld [tilespmem:s29+$0x0]  }
0x1ee: {  	s3 =	simm.s32 $0x10;
	s16 =	simm.s32 $0x20;
	v2 =	vld [tilespmem:s31+$0x0]  }
.LBB2_4:
0x1ef: {  	p0 =	sne.s32 s16, $0xF0;
	_ =	sdelay $0x1  }
0x1f0: {  	v3 =	vmov s3;
	s3 =	smov.u32 s16  }
0x1f1: {  	v3 =	vshll.u32 v3, $0x7;
	v1 =	vshll.u32 v1, $0x5  }
0x1f2: {  	v3 =	vor.u32 v0, v3;
	v1 =	vand.u32 $0x60, v1;
	v2 =	vshll.u32 v2, $0x5  }
0x1f3: {  	v4 =	vand.u32 $0x60, v2;
	v2 =	vor.u32 v3, v1  }
0x1f4: {  	v1 =	vor.u32 v3, v4  }
0x1f5: {  	s23 =	sadd.s32 $0x10, s23;
	v3 =	vor.u32 $0x1, v2  }
0x1f6: {  	s22 =	sadd.s32 $0x10, s22;
	v5 =	vor.u32 $0x1, v1;
	v4 =	vld [tilespmem:s23+$0x0]  }
0x1f7: {  	v7 =	vor.u32 $0x2, v2;
	v6 =	vld [tilespmem:s22+$0x0]  }
0x1f8: {  	v9 =	vor.u32 $0x2, v1;
	v8 =	vld.idx.msk [tilespmem:v2+s28+$0x0], $0xffff  }
0x1f9: {  	v11 =	vor.u32 $0x3, v2;
	v10 =	vld.idx.msk [tilespmem:v1+s30+$0x0], $0xffff  }
0x1fa: {  	v12 =	vor.u32 $0x3, v1;
	v3 =	vld.idx.msk [tilespmem:v3+s28+$0x0], $0xffff  }
0x1fb: {  	v13 =	vor.u32 $0x4, v2;
	v5 =	vld.idx.msk [tilespmem:v5+s30+$0x0], $0xffff  }
0x1fc: {  	v14 =	vor.u32 $0x4, v1;
	v7 =	vld.idx.msk [tilespmem:v7+s28+$0x0], $0xffff  }
0x1fd: {  	v15 =	vor.u32 $0x5, v2;
	v9 =	vld.idx.msk [tilespmem:v9+s30+$0x0], $0xffff  }
0x1fe: {  	v16 =	vor.u32 $0x5, v1;
	v11 =	vld.idx.msk [tilespmem:v11+s28+$0x0], $0xffff  }
0x1ff: {  	v4 =	vadd.f32 v6, v4;
	v6 =	vmul.f32 v10, v8;
	v10 =	vor.u32 $0x6, v2;
	v8 =	vld.idx.msk [tilespmem:v12+s30+$0x0], $0xffff  }
0x200: {  	v12 =	vld.idx.msk [tilespmem:v13+s28+$0x0], $0xffff;
	v13 =	vor.u32 $0x6, v1  }
0x201: {  	v4 =	vadd.f32 v6, v4;
	v3 =	vmul.f32 v5, v3;
	v6 =	vor.u32 $0x7, v2;
	v5 =	vld.idx.msk [tilespmem:v14+s30+$0x0], $0xffff  }
0x202: {  	v14 =	vld.idx.msk [tilespmem:v15+s28+$0x0], $0xffff;
	v15 =	vor.u32 $0x7, v1  }
0x203: {  	v3 =	vadd.f32 v3, v4;
	v4 =	vmul.f32 v9, v7;
	v9 =	vor.u32 $0x8, v2;
	v7 =	vld.idx.msk [tilespmem:v16+s30+$0x0], $0xffff  }
0x204: {  	v16 =	vor.u32 $0x8, v1;
	v10 =	vld.idx.msk [tilespmem:v10+s28+$0x0], $0xffff  }
0x205: {  	v3 =	vadd.f32 v4, v3;
	v4 =	vmul.f32 v8, v11;
	v11 =	vor.u32 $0x9, v2;
	v8 =	vld.idx.msk [tilespmem:v13+s30+$0x0], $0xffff  }
0x206: {  	v13 =	vor.u32 $0x9, v1;
	v6 =	vld.idx.msk [tilespmem:v6+s28+$0x0], $0xffff  }
0x207: {  	v3 =	vadd.f32 v4, v3;
	v4 =	vmul.f32 v5, v12;
	v12 =	vor.u32 $0xA, v2;
	v5 =	vld.idx.msk [tilespmem:v15+s30+$0x0], $0xffff  }
0x208: {  	v15 =	vor.u32 $0xA, v1;
	v9 =	vld.idx.msk [tilespmem:v9+s28+$0x0], $0xffff  }
0x209: {  	v3 =	vadd.f32 v4, v3;
	v4 =	vmul.f32 v7, v14;
	v14 =	vor.u32 $0xB, v2;
	v7 =	vld.idx.msk [tilespmem:v16+s30+$0x0], $0xffff  }
0x20a: {  	v16 =	vor.u32 $0xB, v1;
	v11 =	vld.idx.msk [tilespmem:v11+s28+$0x0], $0xffff  }
0x20b: {  	v3 =	vadd.f32 v4, v3;
	v4 =	vmul.f32 v8, v10;
	v10 =	vor.u32 $0xC, v2;
	v8 =	vld.idx.msk [tilespmem:v13+s30+$0x0], $0xffff  }
0x20c: {  	v13 =	vor.u32 $0xC, v1;
	v12 =	vld.idx.msk [tilespmem:v12+s28+$0x0], $0xffff  }
0x20d: {  	v3 =	vadd.f32 v4, v3;
	v4 =	vmul.f32 v5, v6;
	v6 =	vor.u32 $0xD, v2;
	v5 =	vld.idx.msk [tilespmem:v15+s30+$0x0], $0xffff  }
0x20e: {  	v15 =	vor.u32 $0xD, v1;
	v14 =	vld.idx.msk [tilespmem:v14+s28+$0x0], $0xffff  }
0x20f: {  	v3 =	vadd.f32 v4, v3;
	v4 =	vmul.f32 v7, v9;
	v9 =	vor.u32 $0xE, v2;
	v7 =	vld.idx.msk [tilespmem:v16+s30+$0x0], $0xffff  }
0x210: {  	v16 =	vor.u32 $0xE, v1;
	v10 =	vld.idx.msk [tilespmem:v10+s28+$0x0], $0xffff  }
0x211: {  	v3 =	vadd.f32 v4, v3;
	v4 =	vmul.f32 v8, v11;
	v11 =	vor.u32 $0xF, v2;
	v8 =	vld.idx.msk [tilespmem:v13+s30+$0x0], $0xffff  }
0x212: {  	v13 =	vor.u32 $0xF, v1;
	v6 =	vld.idx.msk [tilespmem:v6+s28+$0x0], $0xffff  }
0x213: {  	v3 =	vadd.f32 v4, v3;
	v4 =	vmul.f32 v5, v12;
	v12 =	vor.u32 $0x10, v2;
	v5 =	vld.idx.msk [tilespmem:v15+s30+$0x0], $0xffff  }
0x214: {  	v15 =	vor.u32 $0x10, v1;
	v9 =	vld.idx.msk [tilespmem:v9+s28+$0x0], $0xffff  }
0x215: {  	v3 =	vadd.f32 v4, v3;
	v4 =	vmul.f32 v7, v14;
	v14 =	vor.u32 $0x11, v2;
	v7 =	vld.idx.msk [tilespmem:v16+s30+$0x0], $0xffff  }
0x216: {  	v16 =	vor.u32 $0x11, v1;
	v11 =	vld.idx.msk [tilespmem:v11+s28+$0x0], $0xffff  }
0x217: {  	v3 =	vadd.f32 v4, v3;
	v4 =	vmul.f32 v8, v10;
	v10 =	vor.u32 $0x12, v2;
	v8 =	vld.idx.msk [tilespmem:v13+s30+$0x0], $0xffff  }
0x218: {  	v13 =	vor.u32 $0x12, v1;
	v12 =	vld.idx.msk [tilespmem:v12+s28+$0x0], $0xffff  }
0x219: {  	v3 =	vadd.f32 v4, v3;
	v4 =	vmul.f32 v5, v6;
	v6 =	vor.u32 $0x13, v2;
	v5 =	vld.idx.msk [tilespmem:v15+s30+$0x0], $0xffff  }
0x21a: {  	v15 =	vor.u32 $0x13, v1;
	v14 =	vld.idx.msk [tilespmem:v14+s28+$0x0], $0xffff  }
0x21b: {  	v3 =	vadd.f32 v4, v3;
	v4 =	vmul.f32 v7, v9;
	v9 =	vor.u32 $0x14, v2;
	v7 =	vld.idx.msk [tilespmem:v16+s30+$0x0], $0xffff  }
0x21c: {  	v16 =	vor.u32 $0x14, v1;
	v10 =	vld.idx.msk [tilespmem:v10+s28+$0x0], $0xffff  }
0x21d: {  	v3 =	vadd.f32 v4, v3;
	v4 =	vmul.f32 v8, v11;
	v11 =	vor.u32 $0x15, v2;
	v8 =	vld.idx.msk [tilespmem:v13+s30+$0x0], $0xffff  }
0x21e: {  	v13 =	vor.u32 $0x15, v1;
	v6 =	vld.idx.msk [tilespmem:v6+s28+$0x0], $0xffff  }
0x21f: {  	v3 =	vadd.f32 v4, v3;
	v4 =	vmul.f32 v5, v12;
	v12 =	vor.u32 $0x16, v2;
	v5 =	vld.idx.msk [tilespmem:v15+s30+$0x0], $0xffff  }
0x220: {  	v15 =	vor.u32 $0x16, v1;
	v9 =	vld.idx.msk [tilespmem:v9+s28+$0x0], $0xffff  }
0x221: {  	v3 =	vadd.f32 v4, v3;
	v4 =	vmul.f32 v7, v14;
	v14 =	vor.u32 $0x17, v2;
	v7 =	vld.idx.msk [tilespmem:v16+s30+$0x0], $0xffff  }
0x222: {  	v16 =	vor.u32 $0x17, v1;
	v11 =	vld.idx.msk [tilespmem:v11+s28+$0x0], $0xffff  }
0x223: {  	v3 =	vadd.f32 v4, v3;
	v4 =	vmul.f32 v8, v10;
	v10 =	vor.u32 $0x18, v2;
	v8 =	vld.idx.msk [tilespmem:v13+s30+$0x0], $0xffff  }
0x224: {  	v13 =	vor.u32 $0x18, v1;
	v12 =	vld.idx.msk [tilespmem:v12+s28+$0x0], $0xffff  }
0x225: {  	v3 =	vadd.f32 v4, v3;
	v4 =	vmul.f32 v5, v6;
	v6 =	vor.u32 $0x19, v2;
	v5 =	vld.idx.msk [tilespmem:v15+s30+$0x0], $0xffff  }
0x226: {  	v15 =	vor.u32 $0x19, v1;
	v14 =	vld.idx.msk [tilespmem:v14+s28+$0x0], $0xffff  }
0x227: {  	v3 =	vadd.f32 v4, v3;
	v4 =	vmul.f32 v7, v9;
	v9 =	vor.u32 $0x1A, v2;
	v7 =	vld.idx.msk [tilespmem:v16+s30+$0x0], $0xffff  }
0x228: {  	v16 =	vor.u32 $0x1A, v1;
	v10 =	vld.idx.msk [tilespmem:v10+s28+$0x0], $0xffff  }
0x229: {  	v3 =	vadd.f32 v4, v3;
	v4 =	vmul.f32 v8, v11;
	v11 =	vor.u32 $0x1B, v2;
	v8 =	vld.idx.msk [tilespmem:v13+s30+$0x0], $0xffff  }
0x22a: {  	v13 =	vor.u32 $0x1B, v1;
	v6 =	vld.idx.msk [tilespmem:v6+s28+$0x0], $0xffff  }
0x22b: {  	v3 =	vadd.f32 v4, v3;
	v4 =	vmul.f32 v5, v12;
	v12 =	vor.u32 $0x1C, v2;
	v5 =	vld.idx.msk [tilespmem:v15+s30+$0x0], $0xffff  }
0x22c: {  	v15 =	vor.u32 $0x1C, v1;
	v9 =	vld.idx.msk [tilespmem:v9+s28+$0x0], $0xffff  }
0x22d: {  	v3 =	vadd.f32 v4, v3;
	v4 =	vmul.f32 v7, v14;
	v14 =	vor.u32 $0x1D, v2;
	v7 =	vld.idx.msk [tilespmem:v16+s30+$0x0], $0xffff  }
0x22e: {  	v16 =	vor.u32 $0x1D, v1;
	v11 =	vld.idx.msk [tilespmem:v11+s28+$0x0], $0xffff  }
0x22f: {  	v3 =	vadd.f32 v4, v3;
	v4 =	vmul.f32 v8, v10;
	v10 =	vor.u32 $0x1E, v2;
	v8 =	vld.idx.msk [tilespmem:v13+s30+$0x0], $0xffff  }
0x230: {  	v13 =	vor.u32 $0x1E, v1;
	v12 =	vld.idx.msk [tilespmem:v12+s28+$0x0], $0xffff  }
0x231: {  	v2 =	vor.u32 $0x1F, v2;
	v3 =	vadd.f32 v4, v3;
	v4 =	vmul.f32 v5, v6;
	v5 =	vld.idx.msk [tilespmem:v15+s30+$0x0], $0xffff  }
0x232: {  	v1 =	vor.u32 $0x1F, v1;
	v6 =	vld.idx.msk [tilespmem:v14+s28+$0x0], $0xffff  }
0x233: {  	v3 =	vadd.f32 v4, v3;
	v4 =	vmul.f32 v7, v9;
	v7 =	vld.idx.msk [tilespmem:v16+s30+$0x0], $0xffff  }
0x234: {  	v9 =	vld.idx.msk [tilespmem:v10+s28+$0x0], $0xffff  }
0x235: {  	v3 =	vadd.f32 v4, v3;
	v4 =	vmul.f32 v8, v11;
	v8 =	vld.idx.msk [tilespmem:v13+s30+$0x0], $0xffff  }
0x236: {  	v2 =	vld.idx.msk [tilespmem:v2+s28+$0x0], $0xffff  }
0x237: {  	v3 =	vadd.f32 v4, v3;
	v4 =	vmul.f32 v5, v12;
	v1 =	vld.idx.msk [tilespmem:v1+s30+$0x0], $0xffff;
	_ =	sdelay $0x1  }
0x238: {  	v3 =	vadd.f32 v4, v3;
	v4 =	vmul.f32 v7, v6;
	_ =	sdelay $0x1  }
0x239: {  	v3 =	vadd.f32 v4, v3;
	v4 =	vmul.f32 v8, v9;
	_ =	sdelay $0x1  }
0x23a: {  	v3 =	vadd.f32 v4, v3;
	v1 =	vmul.f32 v1, v2;
	_ =	sdelay $0x1  }
.Ltmp1:
0x23b: {  	v1 =	vadd.f32 v1, v3;
	(pc) =	sbr.rel @p0 .LBB2_4-.Ltmp1, $4  }
0x23c: {  	s26 =	sadd.s32 $0x10, s26  }
0x23d: {  	s29 =	sadd.s32 $0x10, s29;
	[tilespmem:s26+$0x0] =	vst v1  }
0x23e: {  	s31 =	sadd.s32 $0x10, s31;
	v1 =	vld [tilespmem:s29+$0x0]  }
0x23f: {  	s16 =	sadd.s32 $0x10, s16;
	v2 =	vld [tilespmem:s31+$0x0]  }
0x240: {  	_ =	sdelay $0x1  }
0x241: {  	v3 =	vmov s3  }
0x242: {  	v3 =	vshll.u32 v3, $0x7;
	v1 =	vshll.u32 v1, $0x5  }
0x243: {  	v3 =	vor.u32 v0, v3;
	v1 =	vand.u32 $0x60, v1;
	v2 =	vshll.u32 v2, $0x5  }
0x244: {  	v4 =	vand.u32 $0x60, v2;
	v2 =	vor.u32 v3, v1  }
0x245: {  	v1 =	vor.u32 v3, v4  }
0x246: {  	s23 =	sadd.s32 $0x10, s23;
	v3 =	vor.u32 $0x1, v2  }
0x247: {  	s29 =	sadd.s32 $0x10, s22;
	v39 =	vld [tilespmem:s23+$0x0];
	v5 =	vor.u32 $0x1, v1  }
0x248: {  	v6 =	vld [tilespmem:s29+$0x0];
	v7 =	vor.u32 $0x2, v2  }
0x249: {  	v9 =	vor.u32 $0x2, v1;
	v8 =	vld.idx.msk [tilespmem:v2+s28+$0x0], $0xffff  }
0x24a: {  	v11 =	vor.u32 $0x3, v2;
	v10 =	vld.idx.msk [tilespmem:v1+s30+$0x0], $0xffff  }
0x24b: {  	v12 =	vor.u32 $0x3, v1;
	v3 =	vld.idx.msk [tilespmem:v3+s28+$0x0], $0xffff  }
0x24c: {  	v13 =	vor.u32 $0x4, v2;
	v5 =	vld.idx.msk [tilespmem:v5+s30+$0x0], $0xffff  }
0x24d: {  	v14 =	vor.u32 $0x4, v1;
	v7 =	vld.idx.msk [tilespmem:v7+s28+$0x0], $0xffff  }
0x24e: {  	v15 =	vor.u32 $0x5, v2;
	v9 =	vld.idx.msk [tilespmem:v9+s30+$0x0], $0xffff  }
0x24f: {  	v4 =	vadd.f32 v6, v39;
	v16 =	vor.u32 $0x5, v1;
	v11 =	vld.idx.msk [tilespmem:v11+s28+$0x0], $0xffff;
	v40 =	vmul.f32 v10, v8  }
0x250: {  	v44 =	vor.u32 $0x6, v1;
	v41 =	vld.idx.msk [tilespmem:v12+s30+$0x0], $0xffff  }
0x251: {  	v42 =	vor.u32 $0x6, v2;
	v43 =	vld.idx.msk [tilespmem:v13+s28+$0x0], $0xffff;
	v3 =	vmul.f32 v5, v3;
	v4 =	vadd.f32 v40, v4  }
0x252: {  	v46 =	vor.u32 $0x7, v2;
	v45 =	vld.idx.msk [tilespmem:v14+s30+$0x0], $0xffff  }
0x253: {  	v48 =	vor.u32 $0x7, v1;
	v47 =	vld.idx.msk [tilespmem:v15+s28+$0x0], $0xffff;
	v49 =	vmul.f32 v9, v7;
	v3 =	vadd.f32 v3, v4  }
0x254: {  	v52 =	vor.u32 $0x8, v1;
	v50 =	vld.idx.msk [tilespmem:v16+s30+$0x0], $0xffff  }
0x255: {  	v51 =	vor.u32 $0x8, v2;
	v54 =	vld.idx.msk [tilespmem:v44+s30+$0x0], $0xffff;
	v53 =	vmul.f32 v41, v11;
	v3 =	vadd.f32 v49, v3  }
0x256: {  	v56 =	vor.u32 $0x9, v1;
	v10 =	vld.idx.msk [tilespmem:v42+s28+$0x0], $0xffff  }
0x257: {  	v55 =	vor.u32 $0x9, v2;
	v6 =	vld.idx.msk [tilespmem:v46+s28+$0x0], $0xffff;
	v57 =	vmul.f32 v45, v43;
	v3 =	vadd.f32 v53, v3  }
0x258: {  	v59 =	vor.u32 $0xA, v2;
	v58 =	vld.idx.msk [tilespmem:v48+s30+$0x0], $0xffff  }
0x259: {  	v60 =	vor.u32 $0xA, v1;
	v62 =	vld.idx.msk [tilespmem:v52+s30+$0x0], $0xffff;
	v61 =	vmul.f32 v50, v47;
	v3 =	vadd.f32 v57, v3  }
0x25a: {  	v63 =	vor.u32 $0xB, v2;
	v9 =	vld.idx.msk [tilespmem:v51+s28+$0x0], $0xffff  }
0x25b: {  	v20 =	vor.u32 $0xB, v1;
	v22 =	vld.idx.msk [tilespmem:v56+s30+$0x0], $0xffff;
	v21 =	vmul.f32 v54, v10;
	v3 =	vadd.f32 v61, v3  }
0x25c: {  	v24 =	vor.u32 $0xC, v1;
	v11 =	vld.idx.msk [tilespmem:v55+s28+$0x0], $0xffff  }
0x25d: {  	v23 =	vor.u32 $0xC, v2;
	v12 =	vld.idx.msk [tilespmem:v59+s28+$0x0], $0xffff;
	v25 =	vmul.f32 v58, v6;
	v3 =	vadd.f32 v21, v3  }
0x25e: {  	v28 =	vor.u32 $0xD, v1;
	v26 =	vld.idx.msk [tilespmem:v60+s30+$0x0], $0xffff  }
0x25f: {  	v27 =	vor.u32 $0xD, v2;
	v14 =	vld.idx.msk [tilespmem:v63+s28+$0x0], $0xffff;
	v29 =	vmul.f32 v62, v9;
	v3 =	vadd.f32 v25, v3  }
0x260: {  	v32 =	vor.u32 $0xE, v1;
	v30 =	vld.idx.msk [tilespmem:v20+s30+$0x0], $0xffff  }
0x261: {  	v31 =	vor.u32 $0xE, v2;
	v34 =	vld.idx.msk [tilespmem:v24+s30+$0x0], $0xffff;
	v33 =	vmul.f32 v22, v11;
	v3 =	vadd.f32 v29, v3  }
0x262: {  	v36 =	vor.u32 $0xF, v1;
	v10 =	vld.idx.msk [tilespmem:v23+s28+$0x0], $0xffff  }
0x263: {  	v35 =	vor.u32 $0xF, v2;
	v38 =	vld.idx.msk [tilespmem:v28+s30+$0x0], $0xffff;
	v37 =	vmul.f32 v26, v12;
	v3 =	vadd.f32 v33, v3  }
0x264: {  	v39 =	vor.u32 $0x10, v2;
	v6 =	vld.idx.msk [tilespmem:v27+s28+$0x0], $0xffff  }
0x265: {  	v42 =	vld.idx.msk [tilespmem:v32+s30+$0x0], $0xffff;
	v41 =	vmul.f32 v30, v14;
	v40 =	vor.u32 $0x10, v1;
	v3 =	vadd.f32 v37, v3  }
0x266: {  	v44 =	vor.u32 $0x11, v1;
	v9 =	vld.idx.msk [tilespmem:v31+s28+$0x0], $0xffff  }
0x267: {  	v46 =	vld.idx.msk [tilespmem:v36+s30+$0x0], $0xffff;
	v43 =	vor.u32 $0x11, v2;
	v45 =	vmul.f32 v34, v10;
	v3 =	vadd.f32 v41, v3  }
0x268: {  	v48 =	vor.u32 $0x12, v1;
	v11 =	vld.idx.msk [tilespmem:v35+s28+$0x0], $0xffff  }
0x269: {  	v47 =	vor.u32 $0x12, v2;
	v12 =	vld.idx.msk [tilespmem:v39+s28+$0x0], $0xffff;
	v49 =	vmul.f32 v38, v6;
	v3 =	vadd.f32 v45, v3  }
0x26a: {  	v51 =	vor.u32 $0x13, v2;
	v50 =	vld.idx.msk [tilespmem:v40+s30+$0x0], $0xffff  }
0x26b: {  	v52 =	vor.u32 $0x13, v1;
	v54 =	vld.idx.msk [tilespmem:v44+s30+$0x0], $0xffff;
	v53 =	vmul.f32 v42, v9;
	v3 =	vadd.f32 v49, v3  }
0x26c: {  	v56 =	vor.u32 $0x14, v1;
	v14 =	vld.idx.msk [tilespmem:v43+s28+$0x0], $0xffff  }
0x26d: {  	v55 =	vor.u32 $0x14, v2;
	v58 =	vld.idx.msk [tilespmem:v48+s30+$0x0], $0xffff;
	v57 =	vmul.f32 v46, v11;
	v3 =	vadd.f32 v53, v3  }
0x26e: {  	v60 =	vor.u32 $0x15, v1;
	v10 =	vld.idx.msk [tilespmem:v47+s28+$0x0], $0xffff  }
0x26f: {  	v59 =	vor.u32 $0x15, v2;
	v6 =	vld.idx.msk [tilespmem:v51+s28+$0x0], $0xffff;
	v61 =	vmul.f32 v50, v12;
	v3 =	vadd.f32 v57, v3  }
0x270: {  	v20 =	vor.u32 $0x16, v1;
	v62 =	vld.idx.msk [tilespmem:v52+s30+$0x0], $0xffff  }
0x271: {  	v63 =	vor.u32 $0x16, v2;
	v22 =	vld.idx.msk [tilespmem:v56+s30+$0x0], $0xffff;
	v21 =	vmul.f32 v54, v14;
	v3 =	vadd.f32 v61, v3  }
0x272: {  	v24 =	vor.u32 $0x17, v1;
	v9 =	vld.idx.msk [tilespmem:v55+s28+$0x0], $0xffff  }
0x273: {  	v26 =	vld.idx.msk [tilespmem:v60+s30+$0x0], $0xffff;
	v23 =	vor.u32 $0x17, v2;
	v25 =	vmul.f32 v58, v10;
	v3 =	vadd.f32 v21, v3  }
0x274: {  	v28 =	vor.u32 $0x18, v1;
	v11 =	vld.idx.msk [tilespmem:v59+s28+$0x0], $0xffff  }
0x275: {  	v27 =	vor.u32 $0x18, v2;
	v30 =	vld.idx.msk [tilespmem:v20+s30+$0x0], $0xffff;
	v29 =	vmul.f32 v62, v6;
	v3 =	vadd.f32 v25, v3  }
0x276: {  	v32 =	vor.u32 $0x19, v1;
	v12 =	vld.idx.msk [tilespmem:v63+s28+$0x0], $0xffff  }
0x277: {  	v31 =	vor.u32 $0x19, v2;
	v34 =	vld.idx.msk [tilespmem:v24+s30+$0x0], $0xffff;
	v33 =	vmul.f32 v22, v9;
	v3 =	vadd.f32 v29, v3  }
0x278: {  	v36 =	vor.u32 $0x1A, v1;
	v14 =	vld.idx.msk [tilespmem:v23+s28+$0x0], $0xffff  }
0x279: {  	v35 =	vor.u32 $0x1A, v2;
	v38 =	vld.idx.msk [tilespmem:v28+s30+$0x0], $0xffff;
	v37 =	vmul.f32 v26, v11;
	v3 =	vadd.f32 v33, v3  }
0x27a: {  	v40 =	vor.u32 $0x1B, v1;
	v10 =	vld.idx.msk [tilespmem:v27+s28+$0x0], $0xffff  }
0x27b: {  	v39 =	vor.u32 $0x1B, v2;
	v42 =	vld.idx.msk [tilespmem:v32+s30+$0x0], $0xffff;
	v41 =	vmul.f32 v30, v12;
	v3 =	vadd.f32 v37, v3  }
0x27c: {  	v44 =	vor.u32 $0x1C, v1;
	v6 =	vld.idx.msk [tilespmem:v31+s28+$0x0], $0xffff  }
0x27d: {  	v43 =	vor.u32 $0x1C, v2;
	v46 =	vld.idx.msk [tilespmem:v36+s30+$0x0], $0xffff;
	v45 =	vmul.f32 v34, v14;
	v3 =	vadd.f32 v41, v3  }
0x27e: {  	v47 =	vor.u32 $0x1D, v2;
	v9 =	vld.idx.msk [tilespmem:v35+s28+$0x0], $0xffff  }
0x27f: {  	v48 =	vor.u32 $0x1D, v1;
	v50 =	vld.idx.msk [tilespmem:v40+s30+$0x0], $0xffff;
	v49 =	vmul.f32 v38, v10;
	v3 =	vadd.f32 v45, v3  }
0x280: {  	v52 =	vor.u32 $0x1E, v1;
	v11 =	vld.idx.msk [tilespmem:v39+s28+$0x0], $0xffff  }
0x281: {  	v51 =	vor.u32 $0x1E, v2;
	v54 =	vld.idx.msk [tilespmem:v44+s30+$0x0], $0xffff;
	v53 =	vmul.f32 v42, v6;
	v3 =	vadd.f32 v49, v3  }
0x282: {  	v1 =	vor.u32 $0x1F, v1;
	v12 =	vld.idx.msk [tilespmem:v43+s28+$0x0], $0xffff  }
0x283: {  	v2 =	vor.u32 $0x1F, v2;
	v55 =	vld.idx.msk [tilespmem:v47+s28+$0x0], $0xffff;
	v56 =	vmul.f32 v46, v9;
	v3 =	vadd.f32 v53, v3  }
0x284: {  	v57 =	vld.idx.msk [tilespmem:v48+s30+$0x0], $0xffff  }
0x285: {  	v60 =	vld.idx.msk [tilespmem:v52+s30+$0x0], $0xffff;
	v59 =	vmul.f32 v50, v11;
	v3 =	vadd.f32 v56, v3  }
0x286: {  	v58 =	vld.idx.msk [tilespmem:v51+s28+$0x0], $0xffff  }
0x287: {  	v1 =	vld.idx.msk [tilespmem:v1+s30+$0x0], $0xffff;
	v61 =	vmul.f32 v54, v12;
	v3 =	vadd.f32 v59, v3  }
0x288: {  	v2 =	vld.idx.msk [tilespmem:v2+s28+$0x0], $0xffff  }
0x289: {  	v62 =	vmul.f32 v57, v55;
	v3 =	vadd.f32 v61, v3;
	_ =	sdelay $0x1  }
0x28a: {  	v63 =	vmul.f32 v60, v58;
	v3 =	vadd.f32 v62, v3;
	_ =	sdelay $0x1  }
0x28b: {  	v1 =	vmul.f32 v1, v2;
	v3 =	vadd.f32 v63, v3;
	_ =	sdelay $0x1  }
0x28c: {  	s21 =	sadd.s32 $0x1, s21;
	v1 =	vadd.f32 v1, v3  }
0x28d: {  	s31 =	sadd.s32 $0x10, s26;
	p0 =	sne.s32 s21, s10  }
.Ltmp2:
0x28e: {  	[tilespmem:s31+$0x0] =	vst v1;
	(pc) =	sbr.rel @p0 .LBB2_1-.Ltmp2, $4  }
0x28f: {  	[hbm4b:s9+s2] =	stream.linear.scatter [tilespmem:s20], [sflag:$0x5], $0x200, $0x38;
	[tilespmem:$0x10E00] =	vst v63  }
0x290: {  	_ =	swait.ge [sflag:s11], $0x200  }
0x291: {  	[sflag:s11] =	ssyncset.done $0x0  }
0x292: {  	[sflag:s11] =	ssyncadd.s32 $0xFFFFFE00  }
0x293: {  	_ =	sfence.sel $0x180000  }
0x294: {  	[bflag:$0x0] =	sbarrier.arrive $0xFFFF  }
0x295: {  	_ =	strace $0x90000047  }
0x296: {  	s0 =	stileid.u32;
	[bflag:$0x2] =	sbarrier.arrive $0xFFFF  }
0x297: {  	p0 =	sne.s32 s0, $0x0;
	s0 =	rddreg [dreg:$0x4]  }
0x298: {  	s0 =	sadd.s32 @!p0 $0x100000, s0  }
0x299: {  	[sflag:s0] =	ssyncadd.tile.s32 @!p0 $0x1;
	_ =	shalt  }
.Lfunc_end2:
_tile_overlayer_lowered:
.L_overlay_start_2:
0x29a: {  	(tag) =	ssettag $0x2  }
0x29b: {  	s0 =	rddreg [dreg:$0x0];
	s2 =	stileid.u32  }
0x29c: {  	s1 =	rddreg [dreg:$0x1];
	p0 =	sne.s32 s2, $0x0  }
0x29d: {  	s3 =	rddreg [dreg:$0x2];
	[bflag:$0x3] =	sbarrier.arrive $0xFFFF;
	s2 =	simm.s32 @!p0 $0x1C05  }
0x29e: {  	[timem:s3], [sflag:s2] =	dma.local @!p0 [hbm:s0], s1  }
0x29f: {  	s0 =	simm.s32 @!p0 $0x5  }
0x2a0: {  	_ =	swait.ge @!p0 [sflag:s0], s1  }
0x2a1: {  	s1 =	ssub.s32 @!p0 $0x0, s1;
	[sflag:s0] =	ssyncset.done @!p0 $0x0  }
0x2a2: {  	[sflag:s0] =	ssyncadd.s32 @!p0 s1  }
0x2a3: {  	[bflag:$0x3] =	sbarrier.arrive $0xFFFF  }
0x2a4: {  	_ =	shalt  }

</sc_bundles>
